<compile_context>
chip_gen: v7x
topology: tpu7x:2x2x1
jax: 0.10.2.dev20260603
libtpu: 0.0.44.dev20260713+nightly
codegen_flags: <defaults>
</compile_context>

<pallas_src>
import functools

import jax
import jax.numpy as jnp
from jax import lax
from jax.experimental import pallas as pl
from jax.experimental.pallas import tpu as pltpu
from jax.experimental.pallas import tpu_sc as plsc

B = 16384
MUT_SLOTS = 20
CH = 128
NW = 32
CPW = (B // NW) // CH
RPW = B // NW

MAP_DIM = 32
CMD_DIM = 48
MUT_DIM = 48
AI_DIM = 16


def _sc_gather(map_r, cmd_r, mut_r, ai_r,
               map_table, commander_table, mutation_table, ai_table):
    mesh = plsc.VectorSubcoreMesh(core_axis_name="c", subcore_axis_name="s")
    f32 = jnp.float32
    i32 = jnp.int32

    @functools.partial(
        pl.kernel,
        out_type=(
            jax.ShapeDtypeStruct((B, MAP_DIM), f32),
            jax.ShapeDtypeStruct((B, CMD_DIM), f32),
            jax.ShapeDtypeStruct((B, CMD_DIM), f32),
            jax.ShapeDtypeStruct((B, MUT_DIM), f32),
            jax.ShapeDtypeStruct((B, AI_DIM), f32),
        ),
        mesh=mesh,
        compiler_params=pltpu.CompilerParams(use_tc_tiling_on_sc=False),
        scratch_types=[
            pltpu.VMEM((CPW, CH), i32),
            pltpu.VMEM((CPW, CH), i32),
            pltpu.VMEM((2, CPW, CH), i32),
            pltpu.VMEM((MUT_SLOTS, CPW, CH), i32),
            pltpu.VMEM((RPW, MAP_DIM), f32),
            pltpu.VMEM((RPW, CMD_DIM), f32),
            pltpu.VMEM((RPW, CMD_DIM), f32),
            pltpu.VMEM((RPW, AI_DIM), f32),
            pltpu.VMEM((RPW, MUT_DIM), f32),
            pltpu.SemaphoreType.DMA,
            pltpu.SemaphoreType.DMA,
            pltpu.SemaphoreType.DMA,
        ],
    )
    def k(map_i, cmd_i, mut_i, ai_i, mt, ct, mutt, at_,
          o_map, o_c0, o_c1, o_mut, o_ai,
          idx_map, idx_ai, idx_cmd, idx_mut,
          r_map, r_c0, r_c1, r_ai, acc, sem_g, sem_m, sem_o):
        wid = lax.axis_index("s") * 2 + lax.axis_index("c")
        cbase = wid * CPW
        rbase = wid * RPW

        c_in = [
            pltpu.async_copy(map_i.at[pl.ds(cbase, CPW)], idx_map, sem_g),
            pltpu.async_copy(ai_i.at[pl.ds(cbase, CPW)], idx_ai, sem_g),
            pltpu.async_copy(cmd_i.at[0, pl.ds(cbase, CPW)], idx_cmd.at[0], sem_g),
            pltpu.async_copy(cmd_i.at[1, pl.ds(cbase, CPW)], idx_cmd.at[1], sem_g),
        ]
        c_in += [
            pltpu.async_copy(mut_i.at[s, pl.ds(cbase, CPW)], idx_mut.at[s], sem_g)
            for s in range(MUT_SLOTS)
        ]
        for cp in c_in:
            cp.wait()

        cps = []
        for j in range(CPW):
            d = pl.ds(j * CH, CH)
            cps.append(pltpu.async_copy(mt.at[idx_map.at[j]], r_map.at[d], sem_g))
            cps.append(pltpu.async_copy(ct.at[idx_cmd.at[0, j]], r_c0.at[d], sem_g))
            cps.append(pltpu.async_copy(ct.at[idx_cmd.at[1, j]], r_c1.at[d], sem_g))
            cps.append(pltpu.async_copy(at_.at[idx_ai.at[j]], r_ai.at[d], sem_g))

        m0 = [pltpu.async_copy(mutt.at[idx_mut.at[0, j]],
                               acc.at[pl.ds(j * CH, CH)], sem_m)
              for j in range(CPW)]
        for cp in m0:
            cp.wait()

        def slot_body(s, carry):
            for j in range(CPW):
                pltpu.async_copy(mutt.at[idx_mut.at[s, j]],
                                 acc.at[pl.ds(j * CH, CH)], sem_m, add=True)
            return carry

        lax.fori_loop(1, MUT_SLOTS, slot_body, 0)

        for cp in cps:
            cp.wait()
        outs = [
            pltpu.async_copy(r_map, o_map.at[pl.ds(rbase, RPW)], sem_o),
            pltpu.async_copy(r_c0, o_c0.at[pl.ds(rbase, RPW)], sem_o),
            pltpu.async_copy(r_c1, o_c1.at[pl.ds(rbase, RPW)], sem_o),
            pltpu.async_copy(r_ai, o_ai.at[pl.ds(rbase, RPW)], sem_o),
        ]

        for _ in range(MUT_SLOTS - 1):
            pltpu.make_async_copy(mutt.at[pl.ds(0, RPW)], acc, sem_m).wait()
        pltpu.sync_copy(acc, o_mut.at[pl.ds(rbase, RPW)])

        for cp in outs:
            cp.wait()

    return k(map_r, cmd_r, mut_r, ai_r,
             map_table, commander_table, mutation_table, ai_table)


def _tc_combine(map_e, c0, c1, mut_sum, ai_e, w0t, w1t, b2):
    BM = 2048
    grid = (B // BM,)

    def body(m_ref, c0_ref, c1_ref, mu_ref, a_ref, w0_ref, w1_ref, b_ref, o_ref):
        cmd = (
            jnp.dot(c0_ref[...], w0_ref[...], preferred_element_type=jnp.float32)
            + jnp.dot(c1_ref[...], w1_ref[...], preferred_element_type=jnp.float32)
            + b_ref[...]
        )
        o_ref[...] = jnp.concatenate(
            [m_ref[...], cmd, mu_ref[...] * (1.0 / MUT_SLOTS), a_ref[...]],
            axis=1,
        )

    return pl.pallas_call(
        body,
        grid=grid,
        in_specs=[
            pl.BlockSpec((BM, MAP_DIM), lambda i: (i, 0)),
            pl.BlockSpec((BM, CMD_DIM), lambda i: (i, 0)),
            pl.BlockSpec((BM, CMD_DIM), lambda i: (i, 0)),
            pl.BlockSpec((BM, MUT_DIM), lambda i: (i, 0)),
            pl.BlockSpec((BM, AI_DIM), lambda i: (i, 0)),
            pl.BlockSpec((CMD_DIM, CMD_DIM), lambda i: (0, 0)),
            pl.BlockSpec((CMD_DIM, CMD_DIM), lambda i: (0, 0)),
            pl.BlockSpec((1, CMD_DIM), lambda i: (0, 0)),
        ],
        out_specs=pl.BlockSpec((BM, MAP_DIM + CMD_DIM + MUT_DIM + AI_DIM),
                               lambda i: (i, 0)),
        out_shape=jax.ShapeDtypeStruct(
            (B, MAP_DIM + CMD_DIM + MUT_DIM + AI_DIM), jnp.float32),
    )(map_e, c0, c1, mut_sum, ai_e, w0t, w1t, b2)


def kernel(map_ids, commander_ids, mutation_ids, ai_ids,
           map_table, commander_table, mutation_table, ai_table,
           combine_W, combine_b):
    nch = B // CH
    map_r = map_ids.astype(jnp.int32).reshape(nch, CH)
    ai_r = ai_ids.astype(jnp.int32).reshape(nch, CH)
    cmd_r = commander_ids.astype(jnp.int32).T.reshape(2, nch, CH)
    mut_r = mutation_ids.astype(jnp.int32).T.reshape(MUT_SLOTS, nch, CH)

    map_e, c0, c1, mut_sum, ai_e = _sc_gather(
        map_r, cmd_r, mut_r, ai_r,
        map_table, commander_table, mutation_table, ai_table)

    w0t = combine_W[:, :CMD_DIM].T
    w1t = combine_W[:, CMD_DIM:].T
    b2 = combine_b.reshape(1, CMD_DIM)
    return _tc_combine(map_e, c0, c1, mut_sum, ai_e, w0t, w1t, b2)

# --- scband reference (transcript-rebuilt; emitter-appended) ---
"""Pipeline reference for scband-feature-embedding-45921790329202 (READ-ONLY COPY).

The authoritative reference and input builder live on the scoring server;
editing this copy changes nothing except your own understanding.
"""

import jax, jax.numpy as jnp
import numpy as np

NUM_MAPS = 100000
NUM_COMMANDERS = 100000
NUM_MUTATIONS = 1000
NUM_AIS = 1000
MAP_DIM = 32
COMMANDER_DIM = 48
MUTATION_DIM = 48
AI_DIM = 16
BATCH = 16384
MUT_SLOTS = 20


def setup_inputs(seed: int = 0) -> dict:
    key = jax.random.key(seed)
    ks = jax.random.split(key, 10)
    map_ids = jax.random.randint(ks[0], (BATCH,), 0, NUM_MAPS, dtype=jnp.int64) if jax.config.jax_enable_x64 else jax.random.randint(ks[0], (BATCH,), 0, NUM_MAPS, dtype=jnp.int32)
    commander_ids = jax.random.randint(ks[1], (BATCH, 2), 0, NUM_COMMANDERS, dtype=jnp.int32)
    mutation_ids = jax.random.randint(ks[2], (BATCH, MUT_SLOTS), 0, NUM_MUTATIONS, dtype=jnp.int32)
    ai_ids = jax.random.randint(ks[3], (BATCH,), 0, NUM_AIS, dtype=jnp.int32)
    map_table = jax.random.normal(ks[4], (NUM_MAPS, MAP_DIM), dtype=jnp.float32)
    commander_table = jax.random.normal(ks[5], (NUM_COMMANDERS, COMMANDER_DIM), dtype=jnp.float32)
    mutation_table = jax.random.normal(ks[6], (NUM_MUTATIONS, MUTATION_DIM), dtype=jnp.float32)
    ai_table = jax.random.normal(ks[7], (NUM_AIS, AI_DIM), dtype=jnp.float32)
    combine_W = jax.random.normal(ks[8], (COMMANDER_DIM, 2 * COMMANDER_DIM), dtype=jnp.float32) * (1.0 / np.sqrt(2 * COMMANDER_DIM))
    combine_b = jax.random.normal(ks[9], (COMMANDER_DIM,), dtype=jnp.float32) * 0.01
    return {
        "map_ids": map_ids,
        "commander_ids": commander_ids,
        "mutation_ids": mutation_ids,
        "ai_ids": ai_ids,
        "map_table": map_table,
        "commander_table": commander_table,
        "mutation_table": mutation_table,
        "ai_table": ai_table,
        "combine_W": combine_W,
        "combine_b": combine_b,
    }


def reference(map_ids, commander_ids, mutation_ids, ai_ids,
              map_table, commander_table, mutation_table, ai_table,
              combine_W, combine_b):
    # MapEmbedding: gather (dropout is identity in eval)
    map_embed = jnp.take(map_table, map_ids, axis=0)
    # CommanderEmbedding: gather pair, concat, linear
    cmd_embedded = jnp.take(commander_table, commander_ids, axis=0)  # (B, 2, D)
    combined = jnp.concatenate([cmd_embedded[:, 0], cmd_embedded[:, 1]], axis=-1)
    commander_embed = combined @ combine_W.T + combine_b
    # MutationEmbedding: gather then mean over slots (no mask)
    mut_embedded = jnp.take(mutation_table, mutation_ids, axis=0)  # (B, S, D)
    mutation_embed = mut_embedded.mean(axis=1)
    # AIEmbedding: gather
    ai_embed = jnp.take(ai_table, ai_ids, axis=0)
    return jnp.concatenate([map_embed, commander_embed, mutation_embed, ai_embed], axis=-1)

if __name__ == "__main__":
    import jax
    _d = setup_inputs()
    print(jax.jit(kernel)(*tuple(_d.values())))

</pallas_src>

<mosaic_0001>
#map = affine_map<(d0, d1) -> (0, 0)>
#map1 = affine_map<(d0, d1) -> (0, 0, 0)>
module attributes {stable_mosaic.version = 14 : i64} {
  func.func @k(%arg0: i32, %arg1: i32, %arg2: memref<128x128xi32, #tpu.memory_space<hbm>>, %arg3: memref<2x128x128xi32, #tpu.memory_space<hbm>>, %arg4: memref<20x128x128xi32, #tpu.memory_space<hbm>>, %arg5: memref<128x128xi32, #tpu.memory_space<hbm>>, %arg6: memref<100000x32xf32, #tpu.memory_space<hbm>>, %arg7: memref<100000x48xf32, #tpu.memory_space<hbm>>, %arg8: memref<1000x48xf32, #tpu.memory_space<hbm>>, %arg9: memref<1000x16xf32, #tpu.memory_space<hbm>>, %arg10: memref<16384x32xf32, #tpu.memory_space<hbm>>, %arg11: memref<16384x48xf32, #tpu.memory_space<hbm>>, %arg12: memref<16384x48xf32, #tpu.memory_space<hbm>>, %arg13: memref<16384x48xf32, #tpu.memory_space<hbm>>, %arg14: memref<16384x16xf32, #tpu.memory_space<hbm>>, %arg15: memref<4x128xi32, #tpu.memory_space<vmem>>, %arg16: memref<4x128xi32, #tpu.memory_space<vmem>>, %arg17: memref<2x4x128xi32, #tpu.memory_space<vmem>>, %arg18: memref<20x4x128xi32, #tpu.memory_space<vmem>>, %arg19: memref<512x32xf32, #tpu.memory_space<vmem>>, %arg20: memref<512x48xf32, #tpu.memory_space<vmem>>, %arg21: memref<512x48xf32, #tpu.memory_space<vmem>>, %arg22: memref<512x16xf32, #tpu.memory_space<vmem>>, %arg23: memref<512x48xf32, #tpu.memory_space<vmem>>, %arg24: memref<!tpu.dma_semaphore, #tpu.memory_space<semaphore_mem>>, %arg25: memref<!tpu.dma_semaphore, #tpu.memory_space<semaphore_mem>>, %arg26: memref<!tpu.dma_semaphore, #tpu.memory_space<semaphore_mem>>) attributes {dimension_semantics = [#tpu.dimension_semantics<core_parallel>, #tpu.dimension_semantics<subcore_parallel>], iteration_bounds = array<i64: 2, 16>, scalar_prefetch = 0 : i64, scratch_operands = 12 : i64, tpu.core_type = #tpu.core_type<sc_vector_subcore>, window_params = [{transform_indices = #map}, {transform_indices = #map1}, {transform_indices = #map1}, {transform_indices = #map}, {transform_indices = #map}, {transform_indices = #map}, {transform_indices = #map}, {transform_indices = #map}, {transform_indices = #map}, {transform_indices = #map}, {transform_indices = #map}, {transform_indices = #map}, {transform_indices = #map}]} {
    %mul3A = arith.constant 2 : i32
    %mul3A_0 = arith.muli %arg1, %mul3A : i32
    %add3A = arith.addi %mul3A_0, %arg0 : i32
    %mul3A_1 = arith.constant 4 : i32
    %mul3A_2 = arith.muli %add3A, %mul3A_1 : i32
    %mul3A_3 = arith.constant 512 : i32
    %mul3A_4 = arith.muli %add3A, %mul3A_3 : i32
    %dma_start3A = arith.constant 0 : i32
    %dma_start3A_5 = tpu.memref_slice %arg2[%mul3A_2, %dma_start3A] : memref<128x128xi32, #tpu.memory_space<hbm>> -> memref<4x128xi32, #tpu.memory_space<hbm>>
    %dma_start3A_6 = arith.constant 0 : i32
    %dma_start3A_7 = tpu.memref_slice %arg2[%mul3A_2, %dma_start3A_6] : memref<128x128xi32, #tpu.memory_space<hbm>> -> memref<4x128xi32, #tpu.memory_space<hbm>>
    tpu.enqueue_dma source(%dma_start3A_7 : memref<4x128xi32, #tpu.memory_space<hbm>>) target(%arg15 : memref<4x128xi32, #tpu.memory_space<vmem>>) target_semaphore(%arg24 : memref<!tpu.dma_semaphore, #tpu.memory_space<semaphore_mem>>)
    %dma_start3A_8 = arith.constant 0 : i32
    %dma_start3A_9 = tpu.memref_slice %arg5[%mul3A_2, %dma_start3A_8] : memref<128x128xi32, #tpu.memory_space<hbm>> -> memref<4x128xi32, #tpu.memory_space<hbm>>
    %dma_start3A_10 = arith.constant 0 : i32
    %dma_start3A_11 = tpu.memref_slice %arg5[%mul3A_2, %dma_start3A_10] : memref<128x128xi32, #tpu.memory_space<hbm>> -> memref<4x128xi32, #tpu.memory_space<hbm>>
    tpu.enqueue_dma source(%dma_start3A_11 : memref<4x128xi32, #tpu.memory_space<hbm>>) target(%arg16 : memref<4x128xi32, #tpu.memory_space<vmem>>) target_semaphore(%arg24 : memref<!tpu.dma_semaphore, #tpu.memory_space<semaphore_mem>>)
    %dma_start3A_12 = arith.constant 0 : i32
    %dma_start3A_13 = arith.constant 0 : i32
    %dma_start3A_14 = arith.constant 0 : i32
    %dma_start3A_15 = arith.constant 0 : i32
    %dma_start3A_16 = tpu.memref_slice %arg17[%dma_start3A_13, %dma_start3A_14, %dma_start3A_15] : memref<2x4x128xi32, #tpu.memory_space<vmem>> -> memref<1x4x128xi32, #tpu.memory_space<vmem>>
    %dma_start3A_17 = tpu.memref_squeeze %dma_start3A_16 : memref<1x4x128xi32, #tpu.memory_space<vmem>> -> memref<4x128xi32, #tpu.memory_space<vmem>>
    %dma_start3A_18 = arith.constant 0 : i32
    %dma_start3A_19 = tpu.memref_slice %arg3[%dma_start3A_12, %mul3A_2, %dma_start3A_18] : memref<2x128x128xi32, #tpu.memory_space<hbm>> -> memref<1x4x128xi32, #tpu.memory_space<hbm>>
    %dma_start3A_20 = tpu.memref_squeeze %dma_start3A_19 : memref<1x4x128xi32, #tpu.memory_space<hbm>> -> memref<4x128xi32, #tpu.memory_space<hbm>>
    %dma_start3A_21 = arith.constant 0 : i32
    %dma_start3A_22 = arith.constant 0 : i32
    %dma_start3A_23 = tpu.memref_slice %arg17[%dma_start3A_13, %dma_start3A_21, %dma_start3A_22] : memref<2x4x128xi32, #tpu.memory_space<vmem>> -> memref<1x4x128xi32, #tpu.memory_space<vmem>>
    %dma_start3A_24 = tpu.memref_squeeze %dma_start3A_23 : memref<1x4x128xi32, #tpu.memory_space<vmem>> -> memref<4x128xi32, #tpu.memory_space<vmem>>
    %dma_start3A_25 = arith.constant 0 : i32
    %dma_start3A_26 = tpu.memref_slice %arg3[%dma_start3A_12, %mul3A_2, %dma_start3A_25] : memref<2x128x128xi32, #tpu.memory_space<hbm>> -> memref<1x4x128xi32, #tpu.memory_space<hbm>>
    %dma_start3A_27 = tpu.memref_squeeze %dma_start3A_26 : memref<1x4x128xi32, #tpu.memory_space<hbm>> -> memref<4x128xi32, #tpu.memory_space<hbm>>
    tpu.enqueue_dma source(%dma_start3A_27 : memref<4x128xi32, #tpu.memory_space<hbm>>) target(%dma_start3A_24 : memref<4x128xi32, #tpu.memory_space<vmem>>) target_semaphore(%arg24 : memref<!tpu.dma_semaphore, #tpu.memory_space<semaphore_mem>>)
    %dma_start3A_28 = arith.constant 1 : i32
    %dma_start3A_29 = arith.constant 1 : i32
    %dma_start3A_30 = arith.constant 0 : i32
    %dma_start3A_31 = arith.constant 0 : i32
    %dma_start3A_32 = tpu.memref_slice %arg17[%dma_start3A_29, %dma_start3A_30, %dma_start3A_31] : memref<2x4x128xi32, #tpu.memory_space<vmem>> -> memref<1x4x128xi32, #tpu.memory_space<vmem>>
    %dma_start3A_33 = tpu.memref_squeeze %dma_start3A_32 : memref<1x4x128xi32, #tpu.memory_space<vmem>> -> memref<4x128xi32, #tpu.memory_space<vmem>>
    %dma_start3A_34 = arith.constant 0 : i32
    %dma_start3A_35 = tpu.memref_slice %arg3[%dma_start3A_28, %mul3A_2, %dma_start3A_34] : memref<2x128x128xi32, #tpu.memory_space<hbm>> -> memref<1x4x128xi32, #tpu.memory_space<hbm>>
    %dma_start3A_36 = tpu.memref_squeeze %dma_start3A_35 : memref<1x4x128xi32, #tpu.memory_space<hbm>> -> memref<4x128xi32, #tpu.memory_space<hbm>>
    %dma_start3A_37 = arith.constant 0 : i32
    %dma_start3A_38 = arith.constant 0 : i32
    %dma_start3A_39 = tpu.memref_slice %arg17[%dma_start3A_29, %dma_start3A_37, %dma_start3A_38] : memref<2x4x128xi32, #tpu.memory_space<vmem>> -> memref<1x4x128xi32, #tpu.memory_space<vmem>>
    %dma_start3A_40 = tpu.memref_squeeze %dma_start3A_39 : memref<1x4x128xi32, #tpu.memory_space<vmem>> -> memref<4x128xi32, #tpu.memory_space<vmem>>
    %dma_start3A_41 = arith.constant 0 : i32
    %dma_start3A_42 = tpu.memref_slice %arg3[%dma_start3A_28, %mul3A_2, %dma_start3A_41] : memref<2x128x128xi32, #tpu.memory_space<hbm>> -> memref<1x4x128xi32, #tpu.memory_space<hbm>>
    %dma_start3A_43 = tpu.memref_squeeze %dma_start3A_42 : memref<1x4x128xi32, #tpu.memory_space<hbm>> -> memref<4x128xi32, #tpu.memory_space<hbm>>
    tpu.enqueue_dma source(%dma_start3A_43 : memref<4x128xi32, #tpu.memory_space<hbm>>) target(%dma_start3A_40 : memref<4x128xi32, #tpu.memory_space<vmem>>) target_semaphore(%arg24 : memref<!tpu.dma_semaphore, #tpu.memory_space<semaphore_mem>>)
    %dma_start3A_44 = arith.constant 0 : i32
    %dma_start3A_45 = arith.constant 0 : i32
    %dma_start3A_46 = arith.constant 0 : i32
    %dma_start3A_47 = arith.constant 0 : i32
    %dma_start3A_48 = tpu.memref_slice %arg18[%dma_start3A_45, %dma_start3A_46, %dma_start3A_47] : memref<20x4x128xi32, #tpu.memory_space<vmem>> -> memref<1x4x128xi32, #tpu.memory_space<vmem>>
    %dma_start3A_49 = tpu.memref_squeeze %dma_start3A_48 : memref<1x4x128xi32, #tpu.memory_space<vmem>> -> memref<4x128xi32, #tpu.memory_space<vmem>>
    %dma_start3A_50 = arith.constant 0 : i32
    %dma_start3A_51 = tpu.memref_slice %arg4[%dma_start3A_44, %mul3A_2, %dma_start3A_50] : memref<20x128x128xi32, #tpu.memory_space<hbm>> -> memref<1x4x128xi32, #tpu.memory_space<hbm>>
    %dma_start3A_52 = tpu.memref_squeeze %dma_start3A_51 : memref<1x4x128xi32, #tpu.memory_space<hbm>> -> memref<4x128xi32, #tpu.memory_space<hbm>>
    %dma_start3A_53 = arith.constant 0 : i32
    %dma_start3A_54 = arith.constant 0 : i32
    %dma_start3A_55 = tpu.memref_slice %arg18[%dma_start3A_45, %dma_start3A_53, %dma_start3A_54] : memref<20x4x128xi32, #tpu.memory_space<vmem>> -> memref<1x4x128xi32, #tpu.memory_space<vmem>>
    %dma_start3A_56 = tpu.memref_squeeze %dma_start3A_55 : memref<1x4x128xi32, #tpu.memory_space<vmem>> -> memref<4x128xi32, #tpu.memory_space<vmem>>
    %dma_start3A_57 = arith.constant 0 : i32
    %dma_start3A_58 = tpu.memref_slice %arg4[%dma_start3A_44, %mul3A_2, %dma_start3A_57] : memref<20x128x128xi32, #tpu.memory_space<hbm>> -> memref<1x4x128xi32, #tpu.memory_space<hbm>>
    %dma_start3A_59 = tpu.memref_squeeze %dma_start3A_58 : memref<1x4x128xi32, #tpu.memory_space<hbm>> -> memref<4x128xi32, #tpu.memory_space<hbm>>
    tpu.enqueue_dma source(%dma_start3A_59 : memref<4x128xi32, #tpu.memory_space<hbm>>) target(%dma_start3A_56 : memref<4x128xi32, #tpu.memory_space<vmem>>) target_semaphore(%arg24 : memref<!tpu.dma_semaphore, #tpu.memory_space<semaphore_mem>>)
    %dma_start3A_60 = arith.constant 1 : i32
    %dma_start3A_61 = arith.constant 1 : i32
    %dma_start3A_62 = arith.constant 0 : i32
    %dma_start3A_63 = arith.constant 0 : i32
    %dma_start3A_64 = tpu.memref_slice %arg18[%dma_start3A_61, %dma_start3A_62, %dma_start3A_63] : memref<20x4x128xi32, #tpu.memory_space<vmem>> -> memref<1x4x128xi32, #tpu.memory_space<vmem>>
    %dma_start3A_65 = tpu.memref_squeeze %dma_start3A_64 : memref<1x4x128xi32, #tpu.memory_space<vmem>> -> memref<4x128xi32, #tpu.memory_space<vmem>>
    %dma_start3A_66 = arith.constant 0 : i32
    %dma_start3A_67 = tpu.memref_slice %arg4[%dma_start3A_60, %mul3A_2, %dma_start3A_66] : memref<20x128x128xi32, #tpu.memory_space<hbm>> -> memref<1x4x128xi32, #tpu.memory_space<hbm>>
    %dma_start3A_68 = tpu.memref_squeeze %dma_start3A_67 : memref<1x4x128xi32, #tpu.memory_space<hbm>> -> memref<4x128xi32, #tpu.memory_space<hbm>>
    %dma_start3A_69 = arith.constant 0 : i32
    %dma_start3A_70 = arith.constant 0 : i32
    %dma_start3A_71 = tpu.memref_slice %arg18[%dma_start3A_61, %dma_start3A_69, %dma_start3A_70] : memref<20x4x128xi32, #tpu.memory_space<vmem>> -> memref<1x4x128xi32, #tpu.memory_space<vmem>>
    %dma_start3A_72 = tpu.memref_squeeze %dma_start3A_71 : memref<1x4x128xi32, #tpu.memory_space<vmem>> -> memref<4x128xi32, #tpu.memory_space<vmem>>
    %dma_start3A_73 = arith.constant 0 : i32
    %dma_start3A_74 = tpu.memref_slice %arg4[%dma_start3A_60, %mul3A_2, %dma_start3A_73] : memref<20x128x128xi32, #tpu.memory_space<hbm>> -> memref<1x4x128xi32, #tpu.memory_space<hbm>>
    %dma_start3A_75 = tpu.memref_squeeze %dma_start3A_74 : memref<1x4x128xi32, #tpu.memory_space<hbm>> -> memref<4x128xi32, #tpu.memory_space<hbm>>
    tpu.enqueue_dma source(%dma_start3A_75 : memref<4x128xi32, #tpu.memory_space<hbm>>) target(%dma_start3A_72 : memref<4x128xi32, #tpu.memory_space<vmem>>) target_semaphore(%arg24 : memref<!tpu.dma_semaphore, #tpu.memory_space<semaphore_mem>>)
    %dma_start3A_76 = arith.constant 2 : i32
    %dma_start3A_77 = arith.constant 2 : i32
    %dma_start3A_78 = arith.constant 0 : i32
    %dma_start3A_79 = arith.constant 0 : i32
    %dma_start3A_80 = tpu.memref_slice %arg18[%dma_start3A_77, %dma_start3A_78, %dma_start3A_79] : memref<20x4x128xi32, #tpu.memory_space<vmem>> -> memref<1x4x128xi32, #tpu.memory_space<vmem>>
    %dma_start3A_81 = tpu.memref_squeeze %dma_start3A_80 : memref<1x4x128xi32, #tpu.memory_space<vmem>> -> memref<4x128xi32, #tpu.memory_space<vmem>>
    %dma_start3A_82 = arith.constant 0 : i32
    %dma_start3A_83 = tpu.memref_slice %arg4[%dma_start3A_76, %mul3A_2, %dma_start3A_82] : memref<20x128x128xi32, #tpu.memory_space<hbm>> -> memref<1x4x128xi32, #tpu.memory_space<hbm>>
    %dma_start3A_84 = tpu.memref_squeeze %dma_start3A_83 : memref<1x4x128xi32, #tpu.memory_space<hbm>> -> memref<4x128xi32, #tpu.memory_space<hbm>>
    %dma_start3A_85 = arith.constant 0 : i32
    %dma_start3A_86 = arith.constant 0 : i32
    %dma_start3A_87 = tpu.memref_slice %arg18[%dma_start3A_77, %dma_start3A_85, %dma_start3A_86] : memref<20x4x128xi32, #tpu.memory_space<vmem>> -> memref<1x4x128xi32, #tpu.memory_space<vmem>>
    %dma_start3A_88 = tpu.memref_squeeze %dma_start3A_87 : memref<1x4x128xi32, #tpu.memory_space<vmem>> -> memref<4x128xi32, #tpu.memory_space<vmem>>
    %dma_start3A_89 = arith.constant 0 : i32
    %dma_start3A_90 = tpu.memref_slice %arg4[%dma_start3A_76, %mul3A_2, %dma_start3A_89] : memref<20x128x128xi32, #tpu.memory_space<hbm>> -> memref<1x4x128xi32, #tpu.memory_space<hbm>>
    %dma_start3A_91 = tpu.memref_squeeze %dma_start3A_90 : memref<1x4x128xi32, #tpu.memory_space<hbm>> -> memref<4x128xi32, #tpu.memory_space<hbm>>
    tpu.enqueue_dma source(%dma_start3A_91 : memref<4x128xi32, #tpu.memory_space<hbm>>) target(%dma_start3A_88 : memref<4x128xi32, #tpu.memory_space<vmem>>) target_semaphore(%arg24 : memref<!tpu.dma_semaphore, #tpu.memory_space<semaphore_mem>>)
    %dma_start3A_92 = arith.constant 3 : i32
    %dma_start3A_93 = arith.constant 3 : i32
    %dma_start3A_94 = arith.constant 0 : i32
    %dma_start3A_95 = arith.constant 0 : i32
    %dma_start3A_96 = tpu.memref_slice %arg18[%dma_start3A_93, %dma_start3A_94, %dma_start3A_95] : memref<20x4x128xi32, #tpu.memory_space<vmem>> -> memref<1x4x128xi32, #tpu.memory_space<vmem>>
    %dma_start3A_97 = tpu.memref_squeeze %dma_start3A_96 : memref<1x4x128xi32, #tpu.memory_space<vmem>> -> memref<4x128xi32, #tpu.memory_space<vmem>>
    %dma_start3A_98 = arith.constant 0 : i32
    %dma_start3A_99 = tpu.memref_slice %arg4[%dma_start3A_92, %mul3A_2, %dma_start3A_98] : memref<20x128x128xi32, #tpu.memory_space<hbm>> -> memref<1x4x128xi32, #tpu.memory_space<hbm>>
    %dma_start3A_100 = tpu.memref_squeeze %dma_start3A_99 : memref<1x4x128xi32, #tpu.memory_space<hbm>> -> memref<4x128xi32, #tpu.memory_space<hbm>>
    %dma_start3A_101 = arith.constant 0 : i32
    %dma_start3A_102 = arith.constant 0 : i32
    %dma_start3A_103 = tpu.memref_slice %arg18[%dma_start3A_93, %dma_start3A_101, %dma_start3A_102] : memref<20x4x128xi32, #tpu.memory_space<vmem>> -> memref<1x4x128xi32, #tpu.memory_space<vmem>>
    %dma_start3A_104 = tpu.memref_squeeze %dma_start3A_103 : memref<1x4x128xi32, #tpu.memory_space<vmem>> -> memref<4x128xi32, #tpu.memory_space<vmem>>
    %dma_start3A_105 = arith.constant 0 : i32
    %dma_start3A_106 = tpu.memref_slice %arg4[%dma_start3A_92, %mul3A_2, %dma_start3A_105] : memref<20x128x128xi32, #tpu.memory_space<hbm>> -> memref<1x4x128xi32, #tpu.memory_space<hbm>>
    %dma_start3A_107 = tpu.memref_squeeze %dma_start3A_106 : memref<1x4x128xi32, #tpu.memory_space<hbm>> -> memref<4x128xi32, #tpu.memory_space<hbm>>
    tpu.enqueue_dma source(%dma_start3A_107 : memref<4x128xi32, #tpu.memory_space<hbm>>) target(%dma_start3A_104 : memref<4x128xi32, #tpu.memory_space<vmem>>) target_semaphore(%arg24 : memref<!tpu.dma_semaphore, #tpu.memory_space<semaphore_mem>>)
    %dma_start3A_108 = arith.constant 4 : i32
    %dma_start3A_109 = arith.constant 4 : i32
    %dma_start3A_110 = arith.constant 0 : i32
    %dma_start3A_111 = arith.constant 0 : i32
    %dma_start3A_112 = tpu.memref_slice %arg18[%dma_start3A_109, %dma_start3A_110, %dma_start3A_111] : memref<20x4x128xi32, #tpu.memory_space<vmem>> -> memref<1x4x128xi32, #tpu.memory_space<vmem>>
    %dma_start3A_113 = tpu.memref_squeeze %dma_start3A_112 : memref<1x4x128xi32, #tpu.memory_space<vmem>> -> memref<4x128xi32, #tpu.memory_space<vmem>>
    %dma_start3A_114 = arith.constant 0 : i32
    %dma_start3A_115 = tpu.memref_slice %arg4[%dma_start3A_108, %mul3A_2, %dma_start3A_114] : memref<20x128x128xi32, #tpu.memory_space<hbm>> -> memref<1x4x128xi32, #tpu.memory_space<hbm>>
    %dma_start3A_116 = tpu.memref_squeeze %dma_start3A_115 : memref<1x4x128xi32, #tpu.memory_space<hbm>> -> memref<4x128xi32, #tpu.memory_space<hbm>>
    %dma_start3A_117 = arith.constant 0 : i32
    %dma_start3A_118 = arith.constant 0 : i32
    %dma_start3A_119 = tpu.memref_slice %arg18[%dma_start3A_109, %dma_start3A_117, %dma_start3A_118] : memref<20x4x128xi32, #tpu.memory_space<vmem>> -> memref<1x4x128xi32, #tpu.memory_space<vmem>>
    %dma_start3A_120 = tpu.memref_squeeze %dma_start3A_119 : memref<1x4x128xi32, #tpu.memory_space<vmem>> -> memref<4x128xi32, #tpu.memory_space<vmem>>
    %dma_start3A_121 = arith.constant 0 : i32
    %dma_start3A_122 = tpu.memref_slice %arg4[%dma_start3A_108, %mul3A_2, %dma_start3A_121] : memref<20x128x128xi32, #tpu.memory_space<hbm>> -> memref<1x4x128xi32, #tpu.memory_space<hbm>>
    %dma_start3A_123 = tpu.memref_squeeze %dma_start3A_122 : memref<1x4x128xi32, #tpu.memory_space<hbm>> -> memref<4x128xi32, #tpu.memory_space<hbm>>
    tpu.enqueue_dma source(%dma_start3A_123 : memref<4x128xi32, #tpu.memory_space<hbm>>) target(%dma_start3A_120 : memref<4x128xi32, #tpu.memory_space<vmem>>) target_semaphore(%arg24 : memref<!tpu.dma_semaphore, #tpu.memory_space<semaphore_mem>>)
    %dma_start3A_124 = arith.constant 5 : i32
    %dma_start3A_125 = arith.constant 5 : i32
    %dma_start3A_126 = arith.constant 0 : i32
    %dma_start3A_127 = arith.constant 0 : i32
    %dma_start3A_128 = tpu.memref_slice %arg18[%dma_start3A_125, %dma_start3A_126, %dma_start3A_127] : memref<20x4x128xi32, #tpu.memory_space<vmem>> -> memref<1x4x128xi32, #tpu.memory_space<vmem>>
    %dma_start3A_129 = tpu.memref_squeeze %dma_start3A_128 : memref<1x4x128xi32, #tpu.memory_space<vmem>> -> memref<4x128xi32, #tpu.memory_space<vmem>>
    %dma_start3A_130 = arith.constant 0 : i32
    %dma_start3A_131 = tpu.memref_slice %arg4[%dma_start3A_124, %mul3A_2, %dma_start3A_130] : memref<20x128x128xi32, #tpu.memory_space<hbm>> -> memref<1x4x128xi32, #tpu.memory_space<hbm>>
    %dma_start3A_132 = tpu.memref_squeeze %dma_start3A_131 : memref<1x4x128xi32, #tpu.memory_space<hbm>> -> memref<4x128xi32, #tpu.memory_space<hbm>>
    %dma_start3A_133 = arith.constant 0 : i32
    %dma_start3A_134 = arith.constant 0 : i32
    %dma_start3A_135 = tpu.memref_slice %arg18[%dma_start3A_125, %dma_start3A_133, %dma_start3A_134] : memref<20x4x128xi32, #tpu.memory_space<vmem>> -> memref<1x4x128xi32, #tpu.memory_space<vmem>>
    %dma_start3A_136 = tpu.memref_squeeze %dma_start3A_135 : memref<1x4x128xi32, #tpu.memory_space<vmem>> -> memref<4x128xi32, #tpu.memory_space<vmem>>
    %dma_start3A_137 = arith.constant 0 : i32
    %dma_start3A_138 = tpu.memref_slice %arg4[%dma_start3A_124, %mul3A_2, %dma_start3A_137] : memref<20x128x128xi32, #tpu.memory_space<hbm>> -> memref<1x4x128xi32, #tpu.memory_space<hbm>>
    %dma_start3A_139 = tpu.memref_squeeze %dma_start3A_138 : memref<1x4x128xi32, #tpu.memory_space<hbm>> -> memref<4x128xi32, #tpu.memory_space<hbm>>
    tpu.enqueue_dma source(%dma_start3A_139 : memref<4x128xi32, #tpu.memory_space<hbm>>) target(%dma_start3A_136 : memref<4x128xi32, #tpu.memory_space<vmem>>) target_semaphore(%arg24 : memref<!tpu.dma_semaphore, #tpu.memory_space<semaphore_mem>>)
    %dma_start3A_140 = arith.constant 6 : i32
    %dma_start3A_141 = arith.constant 6 : i32
    %dma_start3A_142 = arith.constant 0 : i32
    %dma_start3A_143 = arith.constant 0 : i32
    %dma_start3A_144 = tpu.memref_slice %arg18[%dma_start3A_141, %dma_start3A_142, %dma_start3A_143] : memref<20x4x128xi32, #tpu.memory_space<vmem>> -> memref<1x4x128xi32, #tpu.memory_space<vmem>>
    %dma_start3A_145 = tpu.memref_squeeze %dma_start3A_144 : memref<1x4x128xi32, #tpu.memory_space<vmem>> -> memref<4x128xi32, #tpu.memory_space<vmem>>
    %dma_start3A_146 = arith.constant 0 : i32
    %dma_start3A_147 = tpu.memref_slice %arg4[%dma_start3A_140, %mul3A_2, %dma_start3A_146] : memref<20x128x128xi32, #tpu.memory_space<hbm>> -> memref<1x4x128xi32, #tpu.memory_space<hbm>>
    %dma_start3A_148 = tpu.memref_squeeze %dma_start3A_147 : memref<1x4x128xi32, #tpu.memory_space<hbm>> -> memref<4x128xi32, #tpu.memory_space<hbm>>
    %dma_start3A_149 = arith.constant 0 : i32
    %dma_start3A_150 = arith.constant 0 : i32
    %dma_start3A_151 = tpu.memref_slice %arg18[%dma_start3A_141, %dma_start3A_149, %dma_start3A_150] : memref<20x4x128xi32, #tpu.memory_space<vmem>> -> memref<1x4x128xi32, #tpu.memory_space<vmem>>
    %dma_start3A_152 = tpu.memref_squeeze %dma_start3A_151 : memref<1x4x128xi32, #tpu.memory_space<vmem>> -> memref<4x128xi32, #tpu.memory_space<vmem>>
    %dma_start3A_153 = arith.constant 0 : i32
    %dma_start3A_154 = tpu.memref_slice %arg4[%dma_start3A_140, %mul3A_2, %dma_start3A_153] : memref<20x128x128xi32, #tpu.memory_space<hbm>> -> memref<1x4x128xi32, #tpu.memory_space<hbm>>
    %dma_start3A_155 = tpu.memref_squeeze %dma_start3A_154 : memref<1x4x128xi32, #tpu.memory_space<hbm>> -> memref<4x128xi32, #tpu.memory_space<hbm>>
    tpu.enqueue_dma source(%dma_start3A_155 : memref<4x128xi32, #tpu.memory_space<hbm>>) target(%dma_start3A_152 : memref<4x128xi32, #tpu.memory_space<vmem>>) target_semaphore(%arg24 : memref<!tpu.dma_semaphore, #tpu.memory_space<semaphore_mem>>)
    %dma_start3A_156 = arith.constant 7 : i32
    %dma_start3A_157 = arith.constant 7 : i32
    %dma_start3A_158 = arith.constant 0 : i32
    %dma_start3A_159 = arith.constant 0 : i32
    %dma_start3A_160 = tpu.memref_slice %arg18[%dma_start3A_157, %dma_start3A_158, %dma_start3A_159] : memref<20x4x128xi32, #tpu.memory_space<vmem>> -> memref<1x4x128xi32, #tpu.memory_space<vmem>>
    %dma_start3A_161 = tpu.memref_squeeze %dma_start3A_160 : memref<1x4x128xi32, #tpu.memory_space<vmem>> -> memref<4x128xi32, #tpu.memory_space<vmem>>
    %dma_start3A_162 = arith.constant 0 : i32
    %dma_start3A_163 = tpu.memref_slice %arg4[%dma_start3A_156, %mul3A_2, %dma_start3A_162] : memref<20x128x128xi32, #tpu.memory_space<hbm>> -> memref<1x4x128xi32, #tpu.memory_space<hbm>>
    %dma_start3A_164 = tpu.memref_squeeze %dma_start3A_163 : memref<1x4x128xi32, #tpu.memory_space<hbm>> -> memref<4x128xi32, #tpu.memory_space<hbm>>
    %dma_start3A_165 = arith.constant 0 : i32
    %dma_start3A_166 = arith.constant 0 : i32
    %dma_start3A_167 = tpu.memref_slice %arg18[%dma_start3A_157, %dma_start3A_165, %dma_start3A_166] : memref<20x4x128xi32, #tpu.memory_space<vmem>> -> memref<1x4x128xi32, #tpu.memory_space<vmem>>
    %dma_start3A_168 = tpu.memref_squeeze %dma_start3A_167 : memref<1x4x128xi32, #tpu.memory_space<vmem>> -> memref<4x128xi32, #tpu.memory_space<vmem>>
    %dma_start3A_169 = arith.constant 0 : i32
    %dma_start3A_170 = tpu.memref_slice %arg4[%dma_start3A_156, %mul3A_2, %dma_start3A_169] : memref<20x128x128xi32, #tpu.memory_space<hbm>> -> memref<1x4x128xi32, #tpu.memory_space<hbm>>
    %dma_start3A_171 = tpu.memref_squeeze %dma_start3A_170 : memref<1x4x128xi32, #tpu.memory_space<hbm>> -> memref<4x128xi32, #tpu.memory_space<hbm>>
    tpu.enqueue_dma source(%dma_start3A_171 : memref<4x128xi32, #tpu.memory_space<hbm>>) target(%dma_start3A_168 : memref<4x128xi32, #tpu.memory_space<vmem>>) target_semaphore(%arg24 : memref<!tpu.dma_semaphore, #tpu.memory_space<semaphore_mem>>)
    %dma_start3A_172 = arith.constant 8 : i32
    %dma_start3A_173 = arith.constant 8 : i32
    %dma_start3A_174 = arith.constant 0 : i32
    %dma_start3A_175 = arith.constant 0 : i32
    %dma_start3A_176 = tpu.memref_slice %arg18[%dma_start3A_173, %dma_start3A_174, %dma_start3A_175] : memref<20x4x128xi32, #tpu.memory_space<vmem>> -> memref<1x4x128xi32, #tpu.memory_space<vmem>>
    %dma_start3A_177 = tpu.memref_squeeze %dma_start3A_176 : memref<1x4x128xi32, #tpu.memory_space<vmem>> -> memref<4x128xi32, #tpu.memory_space<vmem>>
    %dma_start3A_178 = arith.constant 0 : i32
    %dma_start3A_179 = tpu.memref_slice %arg4[%dma_start3A_172, %mul3A_2, %dma_start3A_178] : memref<20x128x128xi32, #tpu.memory_space<hbm>> -> memref<1x4x128xi32, #tpu.memory_space<hbm>>
    %dma_start3A_180 = tpu.memref_squeeze %dma_start3A_179 : memref<1x4x128xi32, #tpu.memory_space<hbm>> -> memref<4x128xi32, #tpu.memory_space<hbm>>
    %dma_start3A_181 = arith.constant 0 : i32
    %dma_start3A_182 = arith.constant 0 : i32
    %dma_start3A_183 = tpu.memref_slice %arg18[%dma_start3A_173, %dma_start3A_181, %dma_start3A_182] : memref<20x4x128xi32, #tpu.memory_space<vmem>> -> memref<1x4x128xi32, #tpu.memory_space<vmem>>
    %dma_start3A_184 = tpu.memref_squeeze %dma_start3A_183 : memref<1x4x128xi32, #tpu.memory_space<vmem>> -> memref<4x128xi32, #tpu.memory_space<vmem>>
    %dma_start3A_185 = arith.constant 0 : i32
    %dma_start3A_186 = tpu.memref_slice %arg4[%dma_start3A_172, %mul3A_2, %dma_start3A_185] : memref<20x128x128xi32, #tpu.memory_space<hbm>> -> memref<1x4x128xi32, #tpu.memory_space<hbm>>
    %dma_start3A_187 = tpu.memref_squeeze %dma_start3A_186 : memref<1x4x128xi32, #tpu.memory_space<hbm>> -> memref<4x128xi32, #tpu.memory_space<hbm>>
    tpu.enqueue_dma source(%dma_start3A_187 : memref<4x128xi32, #tpu.memory_space<hbm>>) target(%dma_start3A_184 : memref<4x128xi32, #tpu.memory_space<vmem>>) target_semaphore(%arg24 : memref<!tpu.dma_semaphore, #tpu.memory_space<semaphore_mem>>)
    %dma_start3A_188 = arith.constant 9 : i32
    %dma_start3A_189 = arith.constant 9 : i32
    %dma_start3A_190 = arith.constant 0 : i32
    %dma_start3A_191 = arith.constant 0 : i32
    %dma_start3A_192 = tpu.memref_slice %arg18[%dma_start3A_189, %dma_start3A_190, %dma_start3A_191] : memref<20x4x128xi32, #tpu.memory_space<vmem>> -> memref<1x4x128xi32, #tpu.memory_space<vmem>>
    %dma_start3A_193 = tpu.memref_squeeze %dma_start3A_192 : memref<1x4x128xi32, #tpu.memory_space<vmem>> -> memref<4x128xi32, #tpu.memory_space<vmem>>
    %dma_start3A_194 = arith.constant 0 : i32
    %dma_start3A_195 = tpu.memref_slice %arg4[%dma_start3A_188, %mul3A_2, %dma_start3A_194] : memref<20x128x128xi32, #tpu.memory_space<hbm>> -> memref<1x4x128xi32, #tpu.memory_space<hbm>>
    %dma_start3A_196 = tpu.memref_squeeze %dma_start3A_195 : memref<1x4x128xi32, #tpu.memory_space<hbm>> -> memref<4x128xi32, #tpu.memory_space<hbm>>
    %dma_start3A_197 = arith.constant 0 : i32
    %dma_start3A_198 = arith.constant 0 : i32
    %dma_start3A_199 = tpu.memref_slice %arg18[%dma_start3A_189, %dma_start3A_197, %dma_start3A_198] : memref<20x4x128xi32, #tpu.memory_space<vmem>> -> memref<1x4x128xi32, #tpu.memory_space<vmem>>
    %dma_start3A_200 = tpu.memref_squeeze %dma_start3A_199 : memref<1x4x128xi32, #tpu.memory_space<vmem>> -> memref<4x128xi32, #tpu.memory_space<vmem>>
    %dma_start3A_201 = arith.constant 0 : i32
    %dma_start3A_202 = tpu.memref_slice %arg4[%dma_start3A_188, %mul3A_2, %dma_start3A_201] : memref<20x128x128xi32, #tpu.memory_space<hbm>> -> memref<1x4x128xi32, #tpu.memory_space<hbm>>
    %dma_start3A_203 = tpu.memref_squeeze %dma_start3A_202 : memref<1x4x128xi32, #tpu.memory_space<hbm>> -> memref<4x128xi32, #tpu.memory_space<hbm>>
    tpu.enqueue_dma source(%dma_start3A_203 : memref<4x128xi32, #tpu.memory_space<hbm>>) target(%dma_start3A_200 : memref<4x128xi32, #tpu.memory_space<vmem>>) target_semaphore(%arg24 : memref<!tpu.dma_semaphore, #tpu.memory_space<semaphore_mem>>)
    %dma_start3A_204 = arith.constant 10 : i32
    %dma_start3A_205 = arith.constant 10 : i32
    %dma_start3A_206 = arith.constant 0 : i32
    %dma_start3A_207 = arith.constant 0 : i32
    %dma_start3A_208 = tpu.memref_slice %arg18[%dma_start3A_205, %dma_start3A_206, %dma_start3A_207] : memref<20x4x128xi32, #tpu.memory_space<vmem>> -> memref<1x4x128xi32, #tpu.memory_space<vmem>>
    %dma_start3A_209 = tpu.memref_squeeze %dma_start3A_208 : memref<1x4x128xi32, #tpu.memory_space<vmem>> -> memref<4x128xi32, #tpu.memory_space<vmem>>
    %dma_start3A_210 = arith.constant 0 : i32
    %dma_start3A_211 = tpu.memref_slice %arg4[%dma_start3A_204, %mul3A_2, %dma_start3A_210] : memref<20x128x128xi32, #tpu.memory_space<hbm>> -> memref<1x4x128xi32, #tpu.memory_space<hbm>>
    %dma_start3A_212 = tpu.memref_squeeze %dma_start3A_211 : memref<1x4x128xi32, #tpu.memory_space<hbm>> -> memref<4x128xi32, #tpu.memory_space<hbm>>
    %dma_start3A_213 = arith.constant 0 : i32
    %dma_start3A_214 = arith.constant 0 : i32
    %dma_start3A_215 = tpu.memref_slice %arg18[%dma_start3A_205, %dma_start3A_213, %dma_start3A_214] : memref<20x4x128xi32, #tpu.memory_space<vmem>> -> memref<1x4x128xi32, #tpu.memory_space<vmem>>
    %dma_start3A_216 = tpu.memref_squeeze %dma_start3A_215 : memref<1x4x128xi32, #tpu.memory_space<vmem>> -> memref<4x128xi32, #tpu.memory_space<vmem>>
    %dma_start3A_217 = arith.constant 0 : i32
    %dma_start3A_218 = tpu.memref_slice %arg4[%dma_start3A_204, %mul3A_2, %dma_start3A_217] : memref<20x128x128xi32, #tpu.memory_space<hbm>> -> memref<1x4x128xi32, #tpu.memory_space<hbm>>
    %dma_start3A_219 = tpu.memref_squeeze %dma_start3A_218 : memref<1x4x128xi32, #tpu.memory_space<hbm>> -> memref<4x128xi32, #tpu.memory_space<hbm>>
    tpu.enqueue_dma source(%dma_start3A_219 : memref<4x128xi32, #tpu.memory_space<hbm>>) target(%dma_start3A_216 : memref<4x128xi32, #tpu.memory_space<vmem>>) target_semaphore(%arg24 : memref<!tpu.dma_semaphore, #tpu.memory_space<semaphore_mem>>)
    %dma_start3A_220 = arith.constant 11 : i32
    %dma_start3A_221 = arith.constant 11 : i32
    %dma_start3A_222 = arith.constant 0 : i32
    %dma_start3A_223 = arith.constant 0 : i32
    %dma_start3A_224 = tpu.memref_slice %arg18[%dma_start3A_221, %dma_start3A_222, %dma_start3A_223] : memref<20x4x128xi32, #tpu.memory_space<vmem>> -> memref<1x4x128xi32, #tpu.memory_space<vmem>>
    %dma_start3A_225 = tpu.memref_squeeze %dma_start3A_224 : memref<1x4x128xi32, #tpu.memory_space<vmem>> -> memref<4x128xi32, #tpu.memory_space<vmem>>
    %dma_start3A_226 = arith.constant 0 : i32
    %dma_start3A_227 = tpu.memref_slice %arg4[%dma_start3A_220, %mul3A_2, %dma_start3A_226] : memref<20x128x128xi32, #tpu.memory_space<hbm>> -> memref<1x4x128xi32, #tpu.memory_space<hbm>>
    %dma_start3A_228 = tpu.memref_squeeze %dma_start3A_227 : memref<1x4x128xi32, #tpu.memory_space<hbm>> -> memref<4x128xi32, #tpu.memory_space<hbm>>
    %dma_start3A_229 = arith.constant 0 : i32
    %dma_start3A_230 = arith.constant 0 : i32
    %dma_start3A_231 = tpu.memref_slice %arg18[%dma_start3A_221, %dma_start3A_229, %dma_start3A_230] : memref<20x4x128xi32, #tpu.memory_space<vmem>> -> memref<1x4x128xi32, #tpu.memory_space<vmem>>
    %dma_start3A_232 = tpu.memref_squeeze %dma_start3A_231 : memref<1x4x128xi32, #tpu.memory_space<vmem>> -> memref<4x128xi32, #tpu.memory_space<vmem>>
    %dma_start3A_233 = arith.constant 0 : i32
    %dma_start3A_234 = tpu.memref_slice %arg4[%dma_start3A_220, %mul3A_2, %dma_start3A_233] : memref<20x128x128xi32, #tpu.memory_space<hbm>> -> memref<1x4x128xi32, #tpu.memory_space<hbm>>
    %dma_start3A_235 = tpu.memref_squeeze %dma_start3A_234 : memref<1x4x128xi32, #tpu.memory_space<hbm>> -> memref<4x128xi32, #tpu.memory_space<hbm>>
    tpu.enqueue_dma source(%dma_start3A_235 : memref<4x128xi32, #tpu.memory_space<hbm>>) target(%dma_start3A_232 : memref<4x128xi32, #tpu.memory_space<vmem>>) target_semaphore(%arg24 : memref<!tpu.dma_semaphore, #tpu.memory_space<semaphore_mem>>)
    %dma_start3A_236 = arith.constant 12 : i32
    %dma_start3A_237 = arith.constant 12 : i32
    %dma_start3A_238 = arith.constant 0 : i32
    %dma_start3A_239 = arith.constant 0 : i32
    %dma_start3A_240 = tpu.memref_slice %arg18[%dma_start3A_237, %dma_start3A_238, %dma_start3A_239] : memref<20x4x128xi32, #tpu.memory_space<vmem>> -> memref<1x4x128xi32, #tpu.memory_space<vmem>>
    %dma_start3A_241 = tpu.memref_squeeze %dma_start3A_240 : memref<1x4x128xi32, #tpu.memory_space<vmem>> -> memref<4x128xi32, #tpu.memory_space<vmem>>
    %dma_start3A_242 = arith.constant 0 : i32
    %dma_start3A_243 = tpu.memref_slice %arg4[%dma_start3A_236, %mul3A_2, %dma_start3A_242] : memref<20x128x128xi32, #tpu.memory_space<hbm>> -> memref<1x4x128xi32, #tpu.memory_space<hbm>>
    %dma_start3A_244 = tpu.memref_squeeze %dma_start3A_243 : memref<1x4x128xi32, #tpu.memory_space<hbm>> -> memref<4x128xi32, #tpu.memory_space<hbm>>
    %dma_start3A_245 = arith.constant 0 : i32
    %dma_start3A_246 = arith.constant 0 : i32
    %dma_start3A_247 = tpu.memref_slice %arg18[%dma_start3A_237, %dma_start3A_245, %dma_start3A_246] : memref<20x4x128xi32, #tpu.memory_space<vmem>> -> memref<1x4x128xi32, #tpu.memory_space<vmem>>
    %dma_start3A_248 = tpu.memref_squeeze %dma_start3A_247 : memref<1x4x128xi32, #tpu.memory_space<vmem>> -> memref<4x128xi32, #tpu.memory_space<vmem>>
    %dma_start3A_249 = arith.constant 0 : i32
    %dma_start3A_250 = tpu.memref_slice %arg4[%dma_start3A_236, %mul3A_2, %dma_start3A_249] : memref<20x128x128xi32, #tpu.memory_space<hbm>> -> memref<1x4x128xi32, #tpu.memory_space<hbm>>
    %dma_start3A_251 = tpu.memref_squeeze %dma_start3A_250 : memref<1x4x128xi32, #tpu.memory_space<hbm>> -> memref<4x128xi32, #tpu.memory_space<hbm>>
    tpu.enqueue_dma source(%dma_start3A_251 : memref<4x128xi32, #tpu.memory_space<hbm>>) target(%dma_start3A_248 : memref<4x128xi32, #tpu.memory_space<vmem>>) target_semaphore(%arg24 : memref<!tpu.dma_semaphore, #tpu.memory_space<semaphore_mem>>)
    %dma_start3A_252 = arith.constant 13 : i32
    %dma_start3A_253 = arith.constant 13 : i32
    %dma_start3A_254 = arith.constant 0 : i32
    %dma_start3A_255 = arith.constant 0 : i32
    %dma_start3A_256 = tpu.memref_slice %arg18[%dma_start3A_253, %dma_start3A_254, %dma_start3A_255] : memref<20x4x128xi32, #tpu.memory_space<vmem>> -> memref<1x4x128xi32, #tpu.memory_space<vmem>>
    %dma_start3A_257 = tpu.memref_squeeze %dma_start3A_256 : memref<1x4x128xi32, #tpu.memory_space<vmem>> -> memref<4x128xi32, #tpu.memory_space<vmem>>
    %dma_start3A_258 = arith.constant 0 : i32
    %dma_start3A_259 = tpu.memref_slice %arg4[%dma_start3A_252, %mul3A_2, %dma_start3A_258] : memref<20x128x128xi32, #tpu.memory_space<hbm>> -> memref<1x4x128xi32, #tpu.memory_space<hbm>>
    %dma_start3A_260 = tpu.memref_squeeze %dma_start3A_259 : memref<1x4x128xi32, #tpu.memory_space<hbm>> -> memref<4x128xi32, #tpu.memory_space<hbm>>
    %dma_start3A_261 = arith.constant 0 : i32
    %dma_start3A_262 = arith.constant 0 : i32
    %dma_start3A_263 = tpu.memref_slice %arg18[%dma_start3A_253, %dma_start3A_261, %dma_start3A_262] : memref<20x4x128xi32, #tpu.memory_space<vmem>> -> memref<1x4x128xi32, #tpu.memory_space<vmem>>
    %dma_start3A_264 = tpu.memref_squeeze %dma_start3A_263 : memref<1x4x128xi32, #tpu.memory_space<vmem>> -> memref<4x128xi32, #tpu.memory_space<vmem>>
    %dma_start3A_265 = arith.constant 0 : i32
    %dma_start3A_266 = tpu.memref_slice %arg4[%dma_start3A_252, %mul3A_2, %dma_start3A_265] : memref<20x128x128xi32, #tpu.memory_space<hbm>> -> memref<1x4x128xi32, #tpu.memory_space<hbm>>
    %dma_start3A_267 = tpu.memref_squeeze %dma_start3A_266 : memref<1x4x128xi32, #tpu.memory_space<hbm>> -> memref<4x128xi32, #tpu.memory_space<hbm>>
    tpu.enqueue_dma source(%dma_start3A_267 : memref<4x128xi32, #tpu.memory_space<hbm>>) target(%dma_start3A_264 : memref<4x128xi32, #tpu.memory_space<vmem>>) target_semaphore(%arg24 : memref<!tpu.dma_semaphore, #tpu.memory_space<semaphore_mem>>)
    %dma_start3A_268 = arith.constant 14 : i32
    %dma_start3A_269 = arith.constant 14 : i32
    %dma_start3A_270 = arith.constant 0 : i32
    %dma_start3A_271 = arith.constant 0 : i32
    %dma_start3A_272 = tpu.memref_slice %arg18[%dma_start3A_269, %dma_start3A_270, %dma_start3A_271] : memref<20x4x128xi32, #tpu.memory_space<vmem>> -> memref<1x4x128xi32, #tpu.memory_space<vmem>>
    %dma_start3A_273 = tpu.memref_squeeze %dma_start3A_272 : memref<1x4x128xi32, #tpu.memory_space<vmem>> -> memref<4x128xi32, #tpu.memory_space<vmem>>
    %dma_start3A_274 = arith.constant 0 : i32
    %dma_start3A_275 = tpu.memref_slice %arg4[%dma_start3A_268, %mul3A_2, %dma_start3A_274] : memref<20x128x128xi32, #tpu.memory_space<hbm>> -> memref<1x4x128xi32, #tpu.memory_space<hbm>>
    %dma_start3A_276 = tpu.memref_squeeze %dma_start3A_275 : memref<1x4x128xi32, #tpu.memory_space<hbm>> -> memref<4x128xi32, #tpu.memory_space<hbm>>
    %dma_start3A_277 = arith.constant 0 : i32
    %dma_start3A_278 = arith.constant 0 : i32
    %dma_start3A_279 = tpu.memref_slice %arg18[%dma_start3A_269, %dma_start3A_277, %dma_start3A_278] : memref<20x4x128xi32, #tpu.memory_space<vmem>> -> memref<1x4x128xi32, #tpu.memory_space<vmem>>
    %dma_start3A_280 = tpu.memref_squeeze %dma_start3A_279 : memref<1x4x128xi32, #tpu.memory_space<vmem>> -> memref<4x128xi32, #tpu.memory_space<vmem>>
    %dma_start3A_281 = arith.constant 0 : i32
    %dma_start3A_282 = tpu.memref_slice %arg4[%dma_start3A_268, %mul3A_2, %dma_start3A_281] : memref<20x128x128xi32, #tpu.memory_space<hbm>> -> memref<1x4x128xi32, #tpu.memory_space<hbm>>
    %dma_start3A_283 = tpu.memref_squeeze %dma_start3A_282 : memref<1x4x128xi32, #tpu.memory_space<hbm>> -> memref<4x128xi32, #tpu.memory_space<hbm>>
    tpu.enqueue_dma source(%dma_start3A_283 : memref<4x128xi32, #tpu.memory_space<hbm>>) target(%dma_start3A_280 : memref<4x128xi32, #tpu.memory_space<vmem>>) target_semaphore(%arg24 : memref<!tpu.dma_semaphore, #tpu.memory_space<semaphore_mem>>)
    %dma_start3A_284 = arith.constant 15 : i32
    %dma_start3A_285 = arith.constant 15 : i32
    %dma_start3A_286 = arith.constant 0 : i32
    %dma_start3A_287 = arith.constant 0 : i32
    %dma_start3A_288 = tpu.memref_slice %arg18[%dma_start3A_285, %dma_start3A_286, %dma_start3A_287] : memref<20x4x128xi32, #tpu.memory_space<vmem>> -> memref<1x4x128xi32, #tpu.memory_space<vmem>>
    %dma_start3A_289 = tpu.memref_squeeze %dma_start3A_288 : memref<1x4x128xi32, #tpu.memory_space<vmem>> -> memref<4x128xi32, #tpu.memory_space<vmem>>
    %dma_start3A_290 = arith.constant 0 : i32
    %dma_start3A_291 = tpu.memref_slice %arg4[%dma_start3A_284, %mul3A_2, %dma_start3A_290] : memref<20x128x128xi32, #tpu.memory_space<hbm>> -> memref<1x4x128xi32, #tpu.memory_space<hbm>>
    %dma_start3A_292 = tpu.memref_squeeze %dma_start3A_291 : memref<1x4x128xi32, #tpu.memory_space<hbm>> -> memref<4x128xi32, #tpu.memory_space<hbm>>
    %dma_start3A_293 = arith.constant 0 : i32
    %dma_start3A_294 = arith.constant 0 : i32
    %dma_start3A_295 = tpu.memref_slice %arg18[%dma_start3A_285, %dma_start3A_293, %dma_start3A_294] : memref<20x4x128xi32, #tpu.memory_space<vmem>> -> memref<1x4x128xi32, #tpu.memory_space<vmem>>
    %dma_start3A_296 = tpu.memref_squeeze %dma_start3A_295 : memref<1x4x128xi32, #tpu.memory_space<vmem>> -> memref<4x128xi32, #tpu.memory_space<vmem>>
    %dma_start3A_297 = arith.constant 0 : i32
    %dma_start3A_298 = tpu.memref_slice %arg4[%dma_start3A_284, %mul3A_2, %dma_start3A_297] : memref<20x128x128xi32, #tpu.memory_space<hbm>> -> memref<1x4x128xi32, #tpu.memory_space<hbm>>
    %dma_start3A_299 = tpu.memref_squeeze %dma_start3A_298 : memref<1x4x128xi32, #tpu.memory_space<hbm>> -> memref<4x128xi32, #tpu.memory_space<hbm>>
    tpu.enqueue_dma source(%dma_start3A_299 : memref<4x128xi32, #tpu.memory_space<hbm>>) target(%dma_start3A_296 : memref<4x128xi32, #tpu.memory_space<vmem>>) target_semaphore(%arg24 : memref<!tpu.dma_semaphore, #tpu.memory_space<semaphore_mem>>)
    %dma_start3A_300 = arith.constant 16 : i32
    %dma_start3A_301 = arith.constant 16 : i32
    %dma_start3A_302 = arith.constant 0 : i32
    %dma_start3A_303 = arith.constant 0 : i32
    %dma_start3A_304 = tpu.memref_slice %arg18[%dma_start3A_301, %dma_start3A_302, %dma_start3A_303] : memref<20x4x128xi32, #tpu.memory_space<vmem>> -> memref<1x4x128xi32, #tpu.memory_space<vmem>>
    %dma_start3A_305 = tpu.memref_squeeze %dma_start3A_304 : memref<1x4x128xi32, #tpu.memory_space<vmem>> -> memref<4x128xi32, #tpu.memory_space<vmem>>
    %dma_start3A_306 = arith.constant 0 : i32
    %dma_start3A_307 = tpu.memref_slice %arg4[%dma_start3A_300, %mul3A_2, %dma_start3A_306] : memref<20x128x128xi32, #tpu.memory_space<hbm>> -> memref<1x4x128xi32, #tpu.memory_space<hbm>>
    %dma_start3A_308 = tpu.memref_squeeze %dma_start3A_307 : memref<1x4x128xi32, #tpu.memory_space<hbm>> -> memref<4x128xi32, #tpu.memory_space<hbm>>
    %dma_start3A_309 = arith.constant 0 : i32
    %dma_start3A_310 = arith.constant 0 : i32
    %dma_start3A_311 = tpu.memref_slice %arg18[%dma_start3A_301, %dma_start3A_309, %dma_start3A_310] : memref<20x4x128xi32, #tpu.memory_space<vmem>> -> memref<1x4x128xi32, #tpu.memory_space<vmem>>
    %dma_start3A_312 = tpu.memref_squeeze %dma_start3A_311 : memref<1x4x128xi32, #tpu.memory_space<vmem>> -> memref<4x128xi32, #tpu.memory_space<vmem>>
    %dma_start3A_313 = arith.constant 0 : i32
    %dma_start3A_314 = tpu.memref_slice %arg4[%dma_start3A_300, %mul3A_2, %dma_start3A_313] : memref<20x128x128xi32, #tpu.memory_space<hbm>> -> memref<1x4x128xi32, #tpu.memory_space<hbm>>
    %dma_start3A_315 = tpu.memref_squeeze %dma_start3A_314 : memref<1x4x128xi32, #tpu.memory_space<hbm>> -> memref<4x128xi32, #tpu.memory_space<hbm>>
    tpu.enqueue_dma source(%dma_start3A_315 : memref<4x128xi32, #tpu.memory_space<hbm>>) target(%dma_start3A_312 : memref<4x128xi32, #tpu.memory_space<vmem>>) target_semaphore(%arg24 : memref<!tpu.dma_semaphore, #tpu.memory_space<semaphore_mem>>)
    %dma_start3A_316 = arith.constant 17 : i32
    %dma_start3A_317 = arith.constant 17 : i32
    %dma_start3A_318 = arith.constant 0 : i32
    %dma_start3A_319 = arith.constant 0 : i32
    %dma_start3A_320 = tpu.memref_slice %arg18[%dma_start3A_317, %dma_start3A_318, %dma_start3A_319] : memref<20x4x128xi32, #tpu.memory_space<vmem>> -> memref<1x4x128xi32, #tpu.memory_space<vmem>>
    %dma_start3A_321 = tpu.memref_squeeze %dma_start3A_320 : memref<1x4x128xi32, #tpu.memory_space<vmem>> -> memref<4x128xi32, #tpu.memory_space<vmem>>
    %dma_start3A_322 = arith.constant 0 : i32
    %dma_start3A_323 = tpu.memref_slice %arg4[%dma_start3A_316, %mul3A_2, %dma_start3A_322] : memref<20x128x128xi32, #tpu.memory_space<hbm>> -> memref<1x4x128xi32, #tpu.memory_space<hbm>>
    %dma_start3A_324 = tpu.memref_squeeze %dma_start3A_323 : memref<1x4x128xi32, #tpu.memory_space<hbm>> -> memref<4x128xi32, #tpu.memory_space<hbm>>
    %dma_start3A_325 = arith.constant 0 : i32
    %dma_start3A_326 = arith.constant 0 : i32
    %dma_start3A_327 = tpu.memref_slice %arg18[%dma_start3A_317, %dma_start3A_325, %dma_start3A_326] : memref<20x4x128xi32, #tpu.memory_space<vmem>> -> memref<1x4x128xi32, #tpu.memory_space<vmem>>
    %dma_start3A_328 = tpu.memref_squeeze %dma_start3A_327 : memref<1x4x128xi32, #tpu.memory_space<vmem>> -> memref<4x128xi32, #tpu.memory_space<vmem>>
    %dma_start3A_329 = arith.constant 0 : i32
    %dma_start3A_330 = tpu.memref_slice %arg4[%dma_start3A_316, %mul3A_2, %dma_start3A_329] : memref<20x128x128xi32, #tpu.memory_space<hbm>> -> memref<1x4x128xi32, #tpu.memory_space<hbm>>
    %dma_start3A_331 = tpu.memref_squeeze %dma_start3A_330 : memref<1x4x128xi32, #tpu.memory_space<hbm>> -> memref<4x128xi32, #tpu.memory_space<hbm>>
    tpu.enqueue_dma source(%dma_start3A_331 : memref<4x128xi32, #tpu.memory_space<hbm>>) target(%dma_start3A_328 : memref<4x128xi32, #tpu.memory_space<vmem>>) target_semaphore(%arg24 : memref<!tpu.dma_semaphore, #tpu.memory_space<semaphore_mem>>)
    %dma_start3A_332 = arith.constant 18 : i32
    %dma_start3A_333 = arith.constant 18 : i32
    %dma_start3A_334 = arith.constant 0 : i32
    %dma_start3A_335 = arith.constant 0 : i32
    %dma_start3A_336 = tpu.memref_slice %arg18[%dma_start3A_333, %dma_start3A_334, %dma_start3A_335] : memref<20x4x128xi32, #tpu.memory_space<vmem>> -> memref<1x4x128xi32, #tpu.memory_space<vmem>>
    %dma_start3A_337 = tpu.memref_squeeze %dma_start3A_336 : memref<1x4x128xi32, #tpu.memory_space<vmem>> -> memref<4x128xi32, #tpu.memory_space<vmem>>
    %dma_start3A_338 = arith.constant 0 : i32
    %dma_start3A_339 = tpu.memref_slice %arg4[%dma_start3A_332, %mul3A_2, %dma_start3A_338] : memref<20x128x128xi32, #tpu.memory_space<hbm>> -> memref<1x4x128xi32, #tpu.memory_space<hbm>>
    %dma_start3A_340 = tpu.memref_squeeze %dma_start3A_339 : memref<1x4x128xi32, #tpu.memory_space<hbm>> -> memref<4x128xi32, #tpu.memory_space<hbm>>
    %dma_start3A_341 = arith.constant 0 : i32
    %dma_start3A_342 = arith.constant 0 : i32
    %dma_start3A_343 = tpu.memref_slice %arg18[%dma_start3A_333, %dma_start3A_341, %dma_start3A_342] : memref<20x4x128xi32, #tpu.memory_space<vmem>> -> memref<1x4x128xi32, #tpu.memory_space<vmem>>
    %dma_start3A_344 = tpu.memref_squeeze %dma_start3A_343 : memref<1x4x128xi32, #tpu.memory_space<vmem>> -> memref<4x128xi32, #tpu.memory_space<vmem>>
    %dma_start3A_345 = arith.constant 0 : i32
    %dma_start3A_346 = tpu.memref_slice %arg4[%dma_start3A_332, %mul3A_2, %dma_start3A_345] : memref<20x128x128xi32, #tpu.memory_space<hbm>> -> memref<1x4x128xi32, #tpu.memory_space<hbm>>
    %dma_start3A_347 = tpu.memref_squeeze %dma_start3A_346 : memref<1x4x128xi32, #tpu.memory_space<hbm>> -> memref<4x128xi32, #tpu.memory_space<hbm>>
    tpu.enqueue_dma source(%dma_start3A_347 : memref<4x128xi32, #tpu.memory_space<hbm>>) target(%dma_start3A_344 : memref<4x128xi32, #tpu.memory_space<vmem>>) target_semaphore(%arg24 : memref<!tpu.dma_semaphore, #tpu.memory_space<semaphore_mem>>)
    %dma_start3A_348 = arith.constant 19 : i32
    %dma_start3A_349 = arith.constant 19 : i32
    %dma_start3A_350 = arith.constant 0 : i32
    %dma_start3A_351 = arith.constant 0 : i32
    %dma_start3A_352 = tpu.memref_slice %arg18[%dma_start3A_349, %dma_start3A_350, %dma_start3A_351] : memref<20x4x128xi32, #tpu.memory_space<vmem>> -> memref<1x4x128xi32, #tpu.memory_space<vmem>>
    %dma_start3A_353 = tpu.memref_squeeze %dma_start3A_352 : memref<1x4x128xi32, #tpu.memory_space<vmem>> -> memref<4x128xi32, #tpu.memory_space<vmem>>
    %dma_start3A_354 = arith.constant 0 : i32
    %dma_start3A_355 = tpu.memref_slice %arg4[%dma_start3A_348, %mul3A_2, %dma_start3A_354] : memref<20x128x128xi32, #tpu.memory_space<hbm>> -> memref<1x4x128xi32, #tpu.memory_space<hbm>>
    %dma_start3A_356 = tpu.memref_squeeze %dma_start3A_355 : memref<1x4x128xi32, #tpu.memory_space<hbm>> -> memref<4x128xi32, #tpu.memory_space<hbm>>
    %dma_start3A_357 = arith.constant 0 : i32
    %dma_start3A_358 = arith.constant 0 : i32
    %dma_start3A_359 = tpu.memref_slice %arg18[%dma_start3A_349, %dma_start3A_357, %dma_start3A_358] : memref<20x4x128xi32, #tpu.memory_space<vmem>> -> memref<1x4x128xi32, #tpu.memory_space<vmem>>
    %dma_start3A_360 = tpu.memref_squeeze %dma_start3A_359 : memref<1x4x128xi32, #tpu.memory_space<vmem>> -> memref<4x128xi32, #tpu.memory_space<vmem>>
    %dma_start3A_361 = arith.constant 0 : i32
    %dma_start3A_362 = tpu.memref_slice %arg4[%dma_start3A_348, %mul3A_2, %dma_start3A_361] : memref<20x128x128xi32, #tpu.memory_space<hbm>> -> memref<1x4x128xi32, #tpu.memory_space<hbm>>
    %dma_start3A_363 = tpu.memref_squeeze %dma_start3A_362 : memref<1x4x128xi32, #tpu.memory_space<hbm>> -> memref<4x128xi32, #tpu.memory_space<hbm>>
    tpu.enqueue_dma source(%dma_start3A_363 : memref<4x128xi32, #tpu.memory_space<hbm>>) target(%dma_start3A_360 : memref<4x128xi32, #tpu.memory_space<vmem>>) target_semaphore(%arg24 : memref<!tpu.dma_semaphore, #tpu.memory_space<semaphore_mem>>)
    %dma_wait3A = arith.constant 0 : i32
    %dma_wait3A_364 = tpu.memref_slice %arg2[%mul3A_2, %dma_wait3A] : memref<128x128xi32, #tpu.memory_space<hbm>> -> memref<4x128xi32, #tpu.memory_space<hbm>>
    %dma_wait3A_365 = arith.constant 0 : i32
    %dma_wait3A_366 = tpu.memref_slice %arg2[%mul3A_2, %dma_wait3A_365] : memref<128x128xi32, #tpu.memory_space<hbm>> -> memref<4x128xi32, #tpu.memory_space<hbm>>
    tpu.wait_dma2 semaphore(%arg24 : memref<!tpu.dma_semaphore, #tpu.memory_space<semaphore_mem>>) src(%dma_wait3A_366 : memref<4x128xi32, #tpu.memory_space<hbm>>) dst(%arg15 : memref<4x128xi32, #tpu.memory_space<vmem>>)
    %dma_wait3A_367 = arith.constant 0 : i32
    %dma_wait3A_368 = tpu.memref_slice %arg5[%mul3A_2, %dma_wait3A_367] : memref<128x128xi32, #tpu.memory_space<hbm>> -> memref<4x128xi32, #tpu.memory_space<hbm>>
    %dma_wait3A_369 = arith.constant 0 : i32
    %dma_wait3A_370 = tpu.memref_slice %arg5[%mul3A_2, %dma_wait3A_369] : memref<128x128xi32, #tpu.memory_space<hbm>> -> memref<4x128xi32, #tpu.memory_space<hbm>>
    tpu.wait_dma2 semaphore(%arg24 : memref<!tpu.dma_semaphore, #tpu.memory_space<semaphore_mem>>) src(%dma_wait3A_370 : memref<4x128xi32, #tpu.memory_space<hbm>>) dst(%arg16 : memref<4x128xi32, #tpu.memory_space<vmem>>)
    %dma_wait3A_371 = arith.constant 0 : i32
    %dma_wait3A_372 = arith.constant 0 : i32
    %dma_wait3A_373 = arith.constant 0 : i32
    %dma_wait3A_374 = arith.constant 0 : i32
    %dma_wait3A_375 = tpu.memref_slice %arg17[%dma_wait3A_372, %dma_wait3A_373, %dma_wait3A_374] : memref<2x4x128xi32, #tpu.memory_space<vmem>> -> memref<1x4x128xi32, #tpu.memory_space<vmem>>
    %dma_wait3A_376 = tpu.memref_squeeze %dma_wait3A_375 : memref<1x4x128xi32, #tpu.memory_space<vmem>> -> memref<4x128xi32, #tpu.memory_space<vmem>>
    %dma_wait3A_377 = arith.constant 0 : i32
    %dma_wait3A_378 = tpu.memref_slice %arg3[%dma_wait3A_371, %mul3A_2, %dma_wait3A_377] : memref<2x128x128xi32, #tpu.memory_space<hbm>> -> memref<1x4x128xi32, #tpu.memory_space<hbm>>
    %dma_wait3A_379 = tpu.memref_squeeze %dma_wait3A_378 : memref<1x4x128xi32, #tpu.memory_space<hbm>> -> memref<4x128xi32, #tpu.memory_space<hbm>>
    %dma_wait3A_380 = arith.constant 0 : i32
    %dma_wait3A_381 = arith.constant 0 : i32
    %dma_wait3A_382 = tpu.memref_slice %arg17[%dma_wait3A_372, %dma_wait3A_380, %dma_wait3A_381] : memref<2x4x128xi32, #tpu.memory_space<vmem>> -> memref<1x4x128xi32, #tpu.memory_space<vmem>>
    %dma_wait3A_383 = tpu.memref_squeeze %dma_wait3A_382 : memref<1x4x128xi32, #tpu.memory_space<vmem>> -> memref<4x128xi32, #tpu.memory_space<vmem>>
    %dma_wait3A_384 = arith.constant 0 : i32
    %dma_wait3A_385 = tpu.memref_slice %arg3[%dma_wait3A_371, %mul3A_2, %dma_wait3A_384] : memref<2x128x128xi32, #tpu.memory_space<hbm>> -> memref<1x4x128xi32, #tpu.memory_space<hbm>>
    %dma_wait3A_386 = tpu.memref_squeeze %dma_wait3A_385 : memref<1x4x128xi32, #tpu.memory_space<hbm>> -> memref<4x128xi32, #tpu.memory_space<hbm>>
    tpu.wait_dma2 semaphore(%arg24 : memref<!tpu.dma_semaphore, #tpu.memory_space<semaphore_mem>>) src(%dma_wait3A_386 : memref<4x128xi32, #tpu.memory_space<hbm>>) dst(%dma_wait3A_383 : memref<4x128xi32, #tpu.memory_space<vmem>>)
    %dma_wait3A_387 = arith.constant 1 : i32
    %dma_wait3A_388 = arith.constant 1 : i32
    %dma_wait3A_389 = arith.constant 0 : i32
    %dma_wait3A_390 = arith.constant 0 : i32
    %dma_wait3A_391 = tpu.memref_slice %arg17[%dma_wait3A_388, %dma_wait3A_389, %dma_wait3A_390] : memref<2x4x128xi32, #tpu.memory_space<vmem>> -> memref<1x4x128xi32, #tpu.memory_space<vmem>>
    %dma_wait3A_392 = tpu.memref_squeeze %dma_wait3A_391 : memref<1x4x128xi32, #tpu.memory_space<vmem>> -> memref<4x128xi32, #tpu.memory_space<vmem>>
    %dma_wait3A_393 = arith.constant 0 : i32
    %dma_wait3A_394 = tpu.memref_slice %arg3[%dma_wait3A_387, %mul3A_2, %dma_wait3A_393] : memref<2x128x128xi32, #tpu.memory_space<hbm>> -> memref<1x4x128xi32, #tpu.memory_space<hbm>>
    %dma_wait3A_395 = tpu.memref_squeeze %dma_wait3A_394 : memref<1x4x128xi32, #tpu.memory_space<hbm>> -> memref<4x128xi32, #tpu.memory_space<hbm>>
    %dma_wait3A_396 = arith.constant 0 : i32
    %dma_wait3A_397 = arith.constant 0 : i32
    %dma_wait3A_398 = tpu.memref_slice %arg17[%dma_wait3A_388, %dma_wait3A_396, %dma_wait3A_397] : memref<2x4x128xi32, #tpu.memory_space<vmem>> -> memref<1x4x128xi32, #tpu.memory_space<vmem>>
    %dma_wait3A_399 = tpu.memref_squeeze %dma_wait3A_398 : memref<1x4x128xi32, #tpu.memory_space<vmem>> -> memref<4x128xi32, #tpu.memory_space<vmem>>
    %dma_wait3A_400 = arith.constant 0 : i32
    %dma_wait3A_401 = tpu.memref_slice %arg3[%dma_wait3A_387, %mul3A_2, %dma_wait3A_400] : memref<2x128x128xi32, #tpu.memory_space<hbm>> -> memref<1x4x128xi32, #tpu.memory_space<hbm>>
    %dma_wait3A_402 = tpu.memref_squeeze %dma_wait3A_401 : memref<1x4x128xi32, #tpu.memory_space<hbm>> -> memref<4x128xi32, #tpu.memory_space<hbm>>
    tpu.wait_dma2 semaphore(%arg24 : memref<!tpu.dma_semaphore, #tpu.memory_space<semaphore_mem>>) src(%dma_wait3A_402 : memref<4x128xi32, #tpu.memory_space<hbm>>) dst(%dma_wait3A_399 : memref<4x128xi32, #tpu.memory_space<vmem>>)
    %dma_wait3A_403 = arith.constant 0 : i32
    %dma_wait3A_404 = arith.constant 0 : i32
    %dma_wait3A_405 = arith.constant 0 : i32
    %dma_wait3A_406 = arith.constant 0 : i32
    %dma_wait3A_407 = tpu.memref_slice %arg18[%dma_wait3A_404, %dma_wait3A_405, %dma_wait3A_406] : memref<20x4x128xi32, #tpu.memory_space<vmem>> -> memref<1x4x128xi32, #tpu.memory_space<vmem>>
    %dma_wait3A_408 = tpu.memref_squeeze %dma_wait3A_407 : memref<1x4x128xi32, #tpu.memory_space<vmem>> -> memref<4x128xi32, #tpu.memory_space<vmem>>
    %dma_wait3A_409 = arith.constant 0 : i32
    %dma_wait3A_410 = tpu.memref_slice %arg4[%dma_wait3A_403, %mul3A_2, %dma_wait3A_409] : memref<20x128x128xi32, #tpu.memory_space<hbm>> -> memref<1x4x128xi32, #tpu.memory_space<hbm>>
    %dma_wait3A_411 = tpu.memref_squeeze %dma_wait3A_410 : memref<1x4x128xi32, #tpu.memory_space<hbm>> -> memref<4x128xi32, #tpu.memory_space<hbm>>
    %dma_wait3A_412 = arith.constant 0 : i32
    %dma_wait3A_413 = arith.constant 0 : i32
    %dma_wait3A_414 = tpu.memref_slice %arg18[%dma_wait3A_404, %dma_wait3A_412, %dma_wait3A_413] : memref<20x4x128xi32, #tpu.memory_space<vmem>> -> memref<1x4x128xi32, #tpu.memory_space<vmem>>
    %dma_wait3A_415 = tpu.memref_squeeze %dma_wait3A_414 : memref<1x4x128xi32, #tpu.memory_space<vmem>> -> memref<4x128xi32, #tpu.memory_space<vmem>>
    %dma_wait3A_416 = arith.constant 0 : i32
    %dma_wait3A_417 = tpu.memref_slice %arg4[%dma_wait3A_403, %mul3A_2, %dma_wait3A_416] : memref<20x128x128xi32, #tpu.memory_space<hbm>> -> memref<1x4x128xi32, #tpu.memory_space<hbm>>
    %dma_wait3A_418 = tpu.memref_squeeze %dma_wait3A_417 : memref<1x4x128xi32, #tpu.memory_space<hbm>> -> memref<4x128xi32, #tpu.memory_space<hbm>>
    tpu.wait_dma2 semaphore(%arg24 : memref<!tpu.dma_semaphore, #tpu.memory_space<semaphore_mem>>) src(%dma_wait3A_418 : memref<4x128xi32, #tpu.memory_space<hbm>>) dst(%dma_wait3A_415 : memref<4x128xi32, #tpu.memory_space<vmem>>)
    %dma_wait3A_419 = arith.constant 1 : i32
    %dma_wait3A_420 = arith.constant 1 : i32
    %dma_wait3A_421 = arith.constant 0 : i32
    %dma_wait3A_422 = arith.constant 0 : i32
    %dma_wait3A_423 = tpu.memref_slice %arg18[%dma_wait3A_420, %dma_wait3A_421, %dma_wait3A_422] : memref<20x4x128xi32, #tpu.memory_space<vmem>> -> memref<1x4x128xi32, #tpu.memory_space<vmem>>
    %dma_wait3A_424 = tpu.memref_squeeze %dma_wait3A_423 : memref<1x4x128xi32, #tpu.memory_space<vmem>> -> memref<4x128xi32, #tpu.memory_space<vmem>>
    %dma_wait3A_425 = arith.constant 0 : i32
    %dma_wait3A_426 = tpu.memref_slice %arg4[%dma_wait3A_419, %mul3A_2, %dma_wait3A_425] : memref<20x128x128xi32, #tpu.memory_space<hbm>> -> memref<1x4x128xi32, #tpu.memory_space<hbm>>
    %dma_wait3A_427 = tpu.memref_squeeze %dma_wait3A_426 : memref<1x4x128xi32, #tpu.memory_space<hbm>> -> memref<4x128xi32, #tpu.memory_space<hbm>>
    %dma_wait3A_428 = arith.constant 0 : i32
    %dma_wait3A_429 = arith.constant 0 : i32
    %dma_wait3A_430 = tpu.memref_slice %arg18[%dma_wait3A_420, %dma_wait3A_428, %dma_wait3A_429] : memref<20x4x128xi32, #tpu.memory_space<vmem>> -> memref<1x4x128xi32, #tpu.memory_space<vmem>>
    %dma_wait3A_431 = tpu.memref_squeeze %dma_wait3A_430 : memref<1x4x128xi32, #tpu.memory_space<vmem>> -> memref<4x128xi32, #tpu.memory_space<vmem>>
    %dma_wait3A_432 = arith.constant 0 : i32
    %dma_wait3A_433 = tpu.memref_slice %arg4[%dma_wait3A_419, %mul3A_2, %dma_wait3A_432] : memref<20x128x128xi32, #tpu.memory_space<hbm>> -> memref<1x4x128xi32, #tpu.memory_space<hbm>>
    %dma_wait3A_434 = tpu.memref_squeeze %dma_wait3A_433 : memref<1x4x128xi32, #tpu.memory_space<hbm>> -> memref<4x128xi32, #tpu.memory_space<hbm>>
    tpu.wait_dma2 semaphore(%arg24 : memref<!tpu.dma_semaphore, #tpu.memory_space<semaphore_mem>>) src(%dma_wait3A_434 : memref<4x128xi32, #tpu.memory_space<hbm>>) dst(%dma_wait3A_431 : memref<4x128xi32, #tpu.memory_space<vmem>>)
    %dma_wait3A_435 = arith.constant 2 : i32
    %dma_wait3A_436 = arith.constant 2 : i32
    %dma_wait3A_437 = arith.constant 0 : i32
    %dma_wait3A_438 = arith.constant 0 : i32
    %dma_wait3A_439 = tpu.memref_slice %arg18[%dma_wait3A_436, %dma_wait3A_437, %dma_wait3A_438] : memref<20x4x128xi32, #tpu.memory_space<vmem>> -> memref<1x4x128xi32, #tpu.memory_space<vmem>>
    %dma_wait3A_440 = tpu.memref_squeeze %dma_wait3A_439 : memref<1x4x128xi32, #tpu.memory_space<vmem>> -> memref<4x128xi32, #tpu.memory_space<vmem>>
    %dma_wait3A_441 = arith.constant 0 : i32
    %dma_wait3A_442 = tpu.memref_slice %arg4[%dma_wait3A_435, %mul3A_2, %dma_wait3A_441] : memref<20x128x128xi32, #tpu.memory_space<hbm>> -> memref<1x4x128xi32, #tpu.memory_space<hbm>>
    %dma_wait3A_443 = tpu.memref_squeeze %dma_wait3A_442 : memref<1x4x128xi32, #tpu.memory_space<hbm>> -> memref<4x128xi32, #tpu.memory_space<hbm>>
    %dma_wait3A_444 = arith.constant 0 : i32
    %dma_wait3A_445 = arith.constant 0 : i32
    %dma_wait3A_446 = tpu.memref_slice %arg18[%dma_wait3A_436, %dma_wait3A_444, %dma_wait3A_445] : memref<20x4x128xi32, #tpu.memory_space<vmem>> -> memref<1x4x128xi32, #tpu.memory_space<vmem>>
    %dma_wait3A_447 = tpu.memref_squeeze %dma_wait3A_446 : memref<1x4x128xi32, #tpu.memory_space<vmem>> -> memref<4x128xi32, #tpu.memory_space<vmem>>
    %dma_wait3A_448 = arith.constant 0 : i32
    %dma_wait3A_449 = tpu.memref_slice %arg4[%dma_wait3A_435, %mul3A_2, %dma_wait3A_448] : memref<20x128x128xi32, #tpu.memory_space<hbm>> -> memref<1x4x128xi32, #tpu.memory_space<hbm>>
    %dma_wait3A_450 = tpu.memref_squeeze %dma_wait3A_449 : memref<1x4x128xi32, #tpu.memory_space<hbm>> -> memref<4x128xi32, #tpu.memory_space<hbm>>
    tpu.wait_dma2 semaphore(%arg24 : memref<!tpu.dma_semaphore, #tpu.memory_space<semaphore_mem>>) src(%dma_wait3A_450 : memref<4x128xi32, #tpu.memory_space<hbm>>) dst(%dma_wait3A_447 : memref<4x128xi32, #tpu.memory_space<vmem>>)
    %dma_wait3A_451 = arith.constant 3 : i32
    %dma_wait3A_452 = arith.constant 3 : i32
    %dma_wait3A_453 = arith.constant 0 : i32
    %dma_wait3A_454 = arith.constant 0 : i32
    %dma_wait3A_455 = tpu.memref_slice %arg18[%dma_wait3A_452, %dma_wait3A_453, %dma_wait3A_454] : memref<20x4x128xi32, #tpu.memory_space<vmem>> -> memref<1x4x128xi32, #tpu.memory_space<vmem>>
    %dma_wait3A_456 = tpu.memref_squeeze %dma_wait3A_455 : memref<1x4x128xi32, #tpu.memory_space<vmem>> -> memref<4x128xi32, #tpu.memory_space<vmem>>
    %dma_wait3A_457 = arith.constant 0 : i32
    %dma_wait3A_458 = tpu.memref_slice %arg4[%dma_wait3A_451, %mul3A_2, %dma_wait3A_457] : memref<20x128x128xi32, #tpu.memory_space<hbm>> -> memref<1x4x128xi32, #tpu.memory_space<hbm>>
    %dma_wait3A_459 = tpu.memref_squeeze %dma_wait3A_458 : memref<1x4x128xi32, #tpu.memory_space<hbm>> -> memref<4x128xi32, #tpu.memory_space<hbm>>
    %dma_wait3A_460 = arith.constant 0 : i32
    %dma_wait3A_461 = arith.constant 0 : i32
    %dma_wait3A_462 = tpu.memref_slice %arg18[%dma_wait3A_452, %dma_wait3A_460, %dma_wait3A_461] : memref<20x4x128xi32, #tpu.memory_space<vmem>> -> memref<1x4x128xi32, #tpu.memory_space<vmem>>
    %dma_wait3A_463 = tpu.memref_squeeze %dma_wait3A_462 : memref<1x4x128xi32, #tpu.memory_space<vmem>> -> memref<4x128xi32, #tpu.memory_space<vmem>>
    %dma_wait3A_464 = arith.constant 0 : i32
    %dma_wait3A_465 = tpu.memref_slice %arg4[%dma_wait3A_451, %mul3A_2, %dma_wait3A_464] : memref<20x128x128xi32, #tpu.memory_space<hbm>> -> memref<1x4x128xi32, #tpu.memory_space<hbm>>
    %dma_wait3A_466 = tpu.memref_squeeze %dma_wait3A_465 : memref<1x4x128xi32, #tpu.memory_space<hbm>> -> memref<4x128xi32, #tpu.memory_space<hbm>>
    tpu.wait_dma2 semaphore(%arg24 : memref<!tpu.dma_semaphore, #tpu.memory_space<semaphore_mem>>) src(%dma_wait3A_466 : memref<4x128xi32, #tpu.memory_space<hbm>>) dst(%dma_wait3A_463 : memref<4x128xi32, #tpu.memory_space<vmem>>)
    %dma_wait3A_467 = arith.constant 4 : i32
    %dma_wait3A_468 = arith.constant 4 : i32
    %dma_wait3A_469 = arith.constant 0 : i32
    %dma_wait3A_470 = arith.constant 0 : i32
    %dma_wait3A_471 = tpu.memref_slice %arg18[%dma_wait3A_468, %dma_wait3A_469, %dma_wait3A_470] : memref<20x4x128xi32, #tpu.memory_space<vmem>> -> memref<1x4x128xi32, #tpu.memory_space<vmem>>
    %dma_wait3A_472 = tpu.memref_squeeze %dma_wait3A_471 : memref<1x4x128xi32, #tpu.memory_space<vmem>> -> memref<4x128xi32, #tpu.memory_space<vmem>>
    %dma_wait3A_473 = arith.constant 0 : i32
    %dma_wait3A_474 = tpu.memref_slice %arg4[%dma_wait3A_467, %mul3A_2, %dma_wait3A_473] : memref<20x128x128xi32, #tpu.memory_space<hbm>> -> memref<1x4x128xi32, #tpu.memory_space<hbm>>
    %dma_wait3A_475 = tpu.memref_squeeze %dma_wait3A_474 : memref<1x4x128xi32, #tpu.memory_space<hbm>> -> memref<4x128xi32, #tpu.memory_space<hbm>>
    %dma_wait3A_476 = arith.constant 0 : i32
    %dma_wait3A_477 = arith.constant 0 : i32
    %dma_wait3A_478 = tpu.memref_slice %arg18[%dma_wait3A_468, %dma_wait3A_476, %dma_wait3A_477] : memref<20x4x128xi32, #tpu.memory_space<vmem>> -> memref<1x4x128xi32, #tpu.memory_space<vmem>>
    %dma_wait3A_479 = tpu.memref_squeeze %dma_wait3A_478 : memref<1x4x128xi32, #tpu.memory_space<vmem>> -> memref<4x128xi32, #tpu.memory_space<vmem>>
    %dma_wait3A_480 = arith.constant 0 : i32
    %dma_wait3A_481 = tpu.memref_slice %arg4[%dma_wait3A_467, %mul3A_2, %dma_wait3A_480] : memref<20x128x128xi32, #tpu.memory_space<hbm>> -> memref<1x4x128xi32, #tpu.memory_space<hbm>>
    %dma_wait3A_482 = tpu.memref_squeeze %dma_wait3A_481 : memref<1x4x128xi32, #tpu.memory_space<hbm>> -> memref<4x128xi32, #tpu.memory_space<hbm>>
    tpu.wait_dma2 semaphore(%arg24 : memref<!tpu.dma_semaphore, #tpu.memory_space<semaphore_mem>>) src(%dma_wait3A_482 : memref<4x128xi32, #tpu.memory_space<hbm>>) dst(%dma_wait3A_479 : memref<4x128xi32, #tpu.memory_space<vmem>>)
    %dma_wait3A_483 = arith.constant 5 : i32
    %dma_wait3A_484 = arith.constant 5 : i32
    %dma_wait3A_485 = arith.constant 0 : i32
    %dma_wait3A_486 = arith.constant 0 : i32
    %dma_wait3A_487 = tpu.memref_slice %arg18[%dma_wait3A_484, %dma_wait3A_485, %dma_wait3A_486] : memref<20x4x128xi32, #tpu.memory_space<vmem>> -> memref<1x4x128xi32, #tpu.memory_space<vmem>>
    %dma_wait3A_488 = tpu.memref_squeeze %dma_wait3A_487 : memref<1x4x128xi32, #tpu.memory_space<vmem>> -> memref<4x128xi32, #tpu.memory_space<vmem>>
    %dma_wait3A_489 = arith.constant 0 : i32
    %dma_wait3A_490 = tpu.memref_slice %arg4[%dma_wait3A_483, %mul3A_2, %dma_wait3A_489] : memref<20x128x128xi32, #tpu.memory_space<hbm>> -> memref<1x4x128xi32, #tpu.memory_space<hbm>>
    %dma_wait3A_491 = tpu.memref_squeeze %dma_wait3A_490 : memref<1x4x128xi32, #tpu.memory_space<hbm>> -> memref<4x128xi32, #tpu.memory_space<hbm>>
    %dma_wait3A_492 = arith.constant 0 : i32
    %dma_wait3A_493 = arith.constant 0 : i32
    %dma_wait3A_494 = tpu.memref_slice %arg18[%dma_wait3A_484, %dma_wait3A_492, %dma_wait3A_493] : memref<20x4x128xi32, #tpu.memory_space<vmem>> -> memref<1x4x128xi32, #tpu.memory_space<vmem>>
    %dma_wait3A_495 = tpu.memref_squeeze %dma_wait3A_494 : memref<1x4x128xi32, #tpu.memory_space<vmem>> -> memref<4x128xi32, #tpu.memory_space<vmem>>
    %dma_wait3A_496 = arith.constant 0 : i32
    %dma_wait3A_497 = tpu.memref_slice %arg4[%dma_wait3A_483, %mul3A_2, %dma_wait3A_496] : memref<20x128x128xi32, #tpu.memory_space<hbm>> -> memref<1x4x128xi32, #tpu.memory_space<hbm>>
    %dma_wait3A_498 = tpu.memref_squeeze %dma_wait3A_497 : memref<1x4x128xi32, #tpu.memory_space<hbm>> -> memref<4x128xi32, #tpu.memory_space<hbm>>
    tpu.wait_dma2 semaphore(%arg24 : memref<!tpu.dma_semaphore, #tpu.memory_space<semaphore_mem>>) src(%dma_wait3A_498 : memref<4x128xi32, #tpu.memory_space<hbm>>) dst(%dma_wait3A_495 : memref<4x128xi32, #tpu.memory_space<vmem>>)
    %dma_wait3A_499 = arith.constant 6 : i32
    %dma_wait3A_500 = arith.constant 6 : i32
    %dma_wait3A_501 = arith.constant 0 : i32
    %dma_wait3A_502 = arith.constant 0 : i32
    %dma_wait3A_503 = tpu.memref_slice %arg18[%dma_wait3A_500, %dma_wait3A_501, %dma_wait3A_502] : memref<20x4x128xi32, #tpu.memory_space<vmem>> -> memref<1x4x128xi32, #tpu.memory_space<vmem>>
    %dma_wait3A_504 = tpu.memref_squeeze %dma_wait3A_503 : memref<1x4x128xi32, #tpu.memory_space<vmem>> -> memref<4x128xi32, #tpu.memory_space<vmem>>
    %dma_wait3A_505 = arith.constant 0 : i32
    %dma_wait3A_506 = tpu.memref_slice %arg4[%dma_wait3A_499, %mul3A_2, %dma_wait3A_505] : memref<20x128x128xi32, #tpu.memory_space<hbm>> -> memref<1x4x128xi32, #tpu.memory_space<hbm>>
    %dma_wait3A_507 = tpu.memref_squeeze %dma_wait3A_506 : memref<1x4x128xi32, #tpu.memory_space<hbm>> -> memref<4x128xi32, #tpu.memory_space<hbm>>
    %dma_wait3A_508 = arith.constant 0 : i32
    %dma_wait3A_509 = arith.constant 0 : i32
    %dma_wait3A_510 = tpu.memref_slice %arg18[%dma_wait3A_500, %dma_wait3A_508, %dma_wait3A_509] : memref<20x4x128xi32, #tpu.memory_space<vmem>> -> memref<1x4x128xi32, #tpu.memory_space<vmem>>
    %dma_wait3A_511 = tpu.memref_squeeze %dma_wait3A_510 : memref<1x4x128xi32, #tpu.memory_space<vmem>> -> memref<4x128xi32, #tpu.memory_space<vmem>>
    %dma_wait3A_512 = arith.constant 0 : i32
    %dma_wait3A_513 = tpu.memref_slice %arg4[%dma_wait3A_499, %mul3A_2, %dma_wait3A_512] : memref<20x128x128xi32, #tpu.memory_space<hbm>> -> memref<1x4x128xi32, #tpu.memory_space<hbm>>
    %dma_wait3A_514 = tpu.memref_squeeze %dma_wait3A_513 : memref<1x4x128xi32, #tpu.memory_space<hbm>> -> memref<4x128xi32, #tpu.memory_space<hbm>>
    tpu.wait_dma2 semaphore(%arg24 : memref<!tpu.dma_semaphore, #tpu.memory_space<semaphore_mem>>) src(%dma_wait3A_514 : memref<4x128xi32, #tpu.memory_space<hbm>>) dst(%dma_wait3A_511 : memref<4x128xi32, #tpu.memory_space<vmem>>)
    %dma_wait3A_515 = arith.constant 7 : i32
    %dma_wait3A_516 = arith.constant 7 : i32
    %dma_wait3A_517 = arith.constant 0 : i32
    %dma_wait3A_518 = arith.constant 0 : i32
    %dma_wait3A_519 = tpu.memref_slice %arg18[%dma_wait3A_516, %dma_wait3A_517, %dma_wait3A_518] : memref<20x4x128xi32, #tpu.memory_space<vmem>> -> memref<1x4x128xi32, #tpu.memory_space<vmem>>
    %dma_wait3A_520 = tpu.memref_squeeze %dma_wait3A_519 : memref<1x4x128xi32, #tpu.memory_space<vmem>> -> memref<4x128xi32, #tpu.memory_space<vmem>>
    %dma_wait3A_521 = arith.constant 0 : i32
    %dma_wait3A_522 = tpu.memref_slice %arg4[%dma_wait3A_515, %mul3A_2, %dma_wait3A_521] : memref<20x128x128xi32, #tpu.memory_space<hbm>> -> memref<1x4x128xi32, #tpu.memory_space<hbm>>
    %dma_wait3A_523 = tpu.memref_squeeze %dma_wait3A_522 : memref<1x4x128xi32, #tpu.memory_space<hbm>> -> memref<4x128xi32, #tpu.memory_space<hbm>>
    %dma_wait3A_524 = arith.constant 0 : i32
    %dma_wait3A_525 = arith.constant 0 : i32
    %dma_wait3A_526 = tpu.memref_slice %arg18[%dma_wait3A_516, %dma_wait3A_524, %dma_wait3A_525] : memref<20x4x128xi32, #tpu.memory_space<vmem>> -> memref<1x4x128xi32, #tpu.memory_space<vmem>>
    %dma_wait3A_527 = tpu.memref_squeeze %dma_wait3A_526 : memref<1x4x128xi32, #tpu.memory_space<vmem>> -> memref<4x128xi32, #tpu.memory_space<vmem>>
    %dma_wait3A_528 = arith.constant 0 : i32
    %dma_wait3A_529 = tpu.memref_slice %arg4[%dma_wait3A_515, %mul3A_2, %dma_wait3A_528] : memref<20x128x128xi32, #tpu.memory_space<hbm>> -> memref<1x4x128xi32, #tpu.memory_space<hbm>>
    %dma_wait3A_530 = tpu.memref_squeeze %dma_wait3A_529 : memref<1x4x128xi32, #tpu.memory_space<hbm>> -> memref<4x128xi32, #tpu.memory_space<hbm>>
    tpu.wait_dma2 semaphore(%arg24 : memref<!tpu.dma_semaphore, #tpu.memory_space<semaphore_mem>>) src(%dma_wait3A_530 : memref<4x128xi32, #tpu.memory_space<hbm>>) dst(%dma_wait3A_527 : memref<4x128xi32, #tpu.memory_space<vmem>>)
    %dma_wait3A_531 = arith.constant 8 : i32
    %dma_wait3A_532 = arith.constant 8 : i32
    %dma_wait3A_533 = arith.constant 0 : i32
    %dma_wait3A_534 = arith.constant 0 : i32
    %dma_wait3A_535 = tpu.memref_slice %arg18[%dma_wait3A_532, %dma_wait3A_533, %dma_wait3A_534] : memref<20x4x128xi32, #tpu.memory_space<vmem>> -> memref<1x4x128xi32, #tpu.memory_space<vmem>>
    %dma_wait3A_536 = tpu.memref_squeeze %dma_wait3A_535 : memref<1x4x128xi32, #tpu.memory_space<vmem>> -> memref<4x128xi32, #tpu.memory_space<vmem>>
    %dma_wait3A_537 = arith.constant 0 : i32
    %dma_wait3A_538 = tpu.memref_slice %arg4[%dma_wait3A_531, %mul3A_2, %dma_wait3A_537] : memref<20x128x128xi32, #tpu.memory_space<hbm>> -> memref<1x4x128xi32, #tpu.memory_space<hbm>>
    %dma_wait3A_539 = tpu.memref_squeeze %dma_wait3A_538 : memref<1x4x128xi32, #tpu.memory_space<hbm>> -> memref<4x128xi32, #tpu.memory_space<hbm>>
    %dma_wait3A_540 = arith.constant 0 : i32
    %dma_wait3A_541 = arith.constant 0 : i32
    %dma_wait3A_542 = tpu.memref_slice %arg18[%dma_wait3A_532, %dma_wait3A_540, %dma_wait3A_541] : memref<20x4x128xi32, #tpu.memory_space<vmem>> -> memref<1x4x128xi32, #tpu.memory_space<vmem>>
    %dma_wait3A_543 = tpu.memref_squeeze %dma_wait3A_542 : memref<1x4x128xi32, #tpu.memory_space<vmem>> -> memref<4x128xi32, #tpu.memory_space<vmem>>
    %dma_wait3A_544 = arith.constant 0 : i32
    %dma_wait3A_545 = tpu.memref_slice %arg4[%dma_wait3A_531, %mul3A_2, %dma_wait3A_544] : memref<20x128x128xi32, #tpu.memory_space<hbm>> -> memref<1x4x128xi32, #tpu.memory_space<hbm>>
    %dma_wait3A_546 = tpu.memref_squeeze %dma_wait3A_545 : memref<1x4x128xi32, #tpu.memory_space<hbm>> -> memref<4x128xi32, #tpu.memory_space<hbm>>
    tpu.wait_dma2 semaphore(%arg24 : memref<!tpu.dma_semaphore, #tpu.memory_space<semaphore_mem>>) src(%dma_wait3A_546 : memref<4x128xi32, #tpu.memory_space<hbm>>) dst(%dma_wait3A_543 : memref<4x128xi32, #tpu.memory_space<vmem>>)
    %dma_wait3A_547 = arith.constant 9 : i32
    %dma_wait3A_548 = arith.constant 9 : i32
    %dma_wait3A_549 = arith.constant 0 : i32
    %dma_wait3A_550 = arith.constant 0 : i32
    %dma_wait3A_551 = tpu.memref_slice %arg18[%dma_wait3A_548, %dma_wait3A_549, %dma_wait3A_550] : memref<20x4x128xi32, #tpu.memory_space<vmem>> -> memref<1x4x128xi32, #tpu.memory_space<vmem>>
    %dma_wait3A_552 = tpu.memref_squeeze %dma_wait3A_551 : memref<1x4x128xi32, #tpu.memory_space<vmem>> -> memref<4x128xi32, #tpu.memory_space<vmem>>
    %dma_wait3A_553 = arith.constant 0 : i32
    %dma_wait3A_554 = tpu.memref_slice %arg4[%dma_wait3A_547, %mul3A_2, %dma_wait3A_553] : memref<20x128x128xi32, #tpu.memory_space<hbm>> -> memref<1x4x128xi32, #tpu.memory_space<hbm>>
    %dma_wait3A_555 = tpu.memref_squeeze %dma_wait3A_554 : memref<1x4x128xi32, #tpu.memory_space<hbm>> -> memref<4x128xi32, #tpu.memory_space<hbm>>
    %dma_wait3A_556 = arith.constant 0 : i32
    %dma_wait3A_557 = arith.constant 0 : i32
    %dma_wait3A_558 = tpu.memref_slice %arg18[%dma_wait3A_548, %dma_wait3A_556, %dma_wait3A_557] : memref<20x4x128xi32, #tpu.memory_space<vmem>> -> memref<1x4x128xi32, #tpu.memory_space<vmem>>
    %dma_wait3A_559 = tpu.memref_squeeze %dma_wait3A_558 : memref<1x4x128xi32, #tpu.memory_space<vmem>> -> memref<4x128xi32, #tpu.memory_space<vmem>>
    %dma_wait3A_560 = arith.constant 0 : i32
    %dma_wait3A_561 = tpu.memref_slice %arg4[%dma_wait3A_547, %mul3A_2, %dma_wait3A_560] : memref<20x128x128xi32, #tpu.memory_space<hbm>> -> memref<1x4x128xi32, #tpu.memory_space<hbm>>
    %dma_wait3A_562 = tpu.memref_squeeze %dma_wait3A_561 : memref<1x4x128xi32, #tpu.memory_space<hbm>> -> memref<4x128xi32, #tpu.memory_space<hbm>>
    tpu.wait_dma2 semaphore(%arg24 : memref<!tpu.dma_semaphore, #tpu.memory_space<semaphore_mem>>) src(%dma_wait3A_562 : memref<4x128xi32, #tpu.memory_space<hbm>>) dst(%dma_wait3A_559 : memref<4x128xi32, #tpu.memory_space<vmem>>)
    %dma_wait3A_563 = arith.constant 10 : i32
    %dma_wait3A_564 = arith.constant 10 : i32
    %dma_wait3A_565 = arith.constant 0 : i32
    %dma_wait3A_566 = arith.constant 0 : i32
    %dma_wait3A_567 = tpu.memref_slice %arg18[%dma_wait3A_564, %dma_wait3A_565, %dma_wait3A_566] : memref<20x4x128xi32, #tpu.memory_space<vmem>> -> memref<1x4x128xi32, #tpu.memory_space<vmem>>
    %dma_wait3A_568 = tpu.memref_squeeze %dma_wait3A_567 : memref<1x4x128xi32, #tpu.memory_space<vmem>> -> memref<4x128xi32, #tpu.memory_space<vmem>>
    %dma_wait3A_569 = arith.constant 0 : i32
    %dma_wait3A_570 = tpu.memref_slice %arg4[%dma_wait3A_563, %mul3A_2, %dma_wait3A_569] : memref<20x128x128xi32, #tpu.memory_space<hbm>> -> memref<1x4x128xi32, #tpu.memory_space<hbm>>
    %dma_wait3A_571 = tpu.memref_squeeze %dma_wait3A_570 : memref<1x4x128xi32, #tpu.memory_space<hbm>> -> memref<4x128xi32, #tpu.memory_space<hbm>>
    %dma_wait3A_572 = arith.constant 0 : i32
    %dma_wait3A_573 = arith.constant 0 : i32
    %dma_wait3A_574 = tpu.memref_slice %arg18[%dma_wait3A_564, %dma_wait3A_572, %dma_wait3A_573] : memref<20x4x128xi32, #tpu.memory_space<vmem>> -> memref<1x4x128xi32, #tpu.memory_space<vmem>>
    %dma_wait3A_575 = tpu.memref_squeeze %dma_wait3A_574 : memref<1x4x128xi32, #tpu.memory_space<vmem>> -> memref<4x128xi32, #tpu.memory_space<vmem>>
    %dma_wait3A_576 = arith.constant 0 : i32
    %dma_wait3A_577 = tpu.memref_slice %arg4[%dma_wait3A_563, %mul3A_2, %dma_wait3A_576] : memref<20x128x128xi32, #tpu.memory_space<hbm>> -> memref<1x4x128xi32, #tpu.memory_space<hbm>>
    %dma_wait3A_578 = tpu.memref_squeeze %dma_wait3A_577 : memref<1x4x128xi32, #tpu.memory_space<hbm>> -> memref<4x128xi32, #tpu.memory_space<hbm>>
    tpu.wait_dma2 semaphore(%arg24 : memref<!tpu.dma_semaphore, #tpu.memory_space<semaphore_mem>>) src(%dma_wait3A_578 : memref<4x128xi32, #tpu.memory_space<hbm>>) dst(%dma_wait3A_575 : memref<4x128xi32, #tpu.memory_space<vmem>>)
    %dma_wait3A_579 = arith.constant 11 : i32
    %dma_wait3A_580 = arith.constant 11 : i32
    %dma_wait3A_581 = arith.constant 0 : i32
    %dma_wait3A_582 = arith.constant 0 : i32
    %dma_wait3A_583 = tpu.memref_slice %arg18[%dma_wait3A_580, %dma_wait3A_581, %dma_wait3A_582] : memref<20x4x128xi32, #tpu.memory_space<vmem>> -> memref<1x4x128xi32, #tpu.memory_space<vmem>>
    %dma_wait3A_584 = tpu.memref_squeeze %dma_wait3A_583 : memref<1x4x128xi32, #tpu.memory_space<vmem>> -> memref<4x128xi32, #tpu.memory_space<vmem>>
    %dma_wait3A_585 = arith.constant 0 : i32
    %dma_wait3A_586 = tpu.memref_slice %arg4[%dma_wait3A_579, %mul3A_2, %dma_wait3A_585] : memref<20x128x128xi32, #tpu.memory_space<hbm>> -> memref<1x4x128xi32, #tpu.memory_space<hbm>>
    %dma_wait3A_587 = tpu.memref_squeeze %dma_wait3A_586 : memref<1x4x128xi32, #tpu.memory_space<hbm>> -> memref<4x128xi32, #tpu.memory_space<hbm>>
    %dma_wait3A_588 = arith.constant 0 : i32
    %dma_wait3A_589 = arith.constant 0 : i32
    %dma_wait3A_590 = tpu.memref_slice %arg18[%dma_wait3A_580, %dma_wait3A_588, %dma_wait3A_589] : memref<20x4x128xi32, #tpu.memory_space<vmem>> -> memref<1x4x128xi32, #tpu.memory_space<vmem>>
    %dma_wait3A_591 = tpu.memref_squeeze %dma_wait3A_590 : memref<1x4x128xi32, #tpu.memory_space<vmem>> -> memref<4x128xi32, #tpu.memory_space<vmem>>
    %dma_wait3A_592 = arith.constant 0 : i32
    %dma_wait3A_593 = tpu.memref_slice %arg4[%dma_wait3A_579, %mul3A_2, %dma_wait3A_592] : memref<20x128x128xi32, #tpu.memory_space<hbm>> -> memref<1x4x128xi32, #tpu.memory_space<hbm>>
    %dma_wait3A_594 = tpu.memref_squeeze %dma_wait3A_593 : memref<1x4x128xi32, #tpu.memory_space<hbm>> -> memref<4x128xi32, #tpu.memory_space<hbm>>
    tpu.wait_dma2 semaphore(%arg24 : memref<!tpu.dma_semaphore, #tpu.memory_space<semaphore_mem>>) src(%dma_wait3A_594 : memref<4x128xi32, #tpu.memory_space<hbm>>) dst(%dma_wait3A_591 : memref<4x128xi32, #tpu.memory_space<vmem>>)
    %dma_wait3A_595 = arith.constant 12 : i32
    %dma_wait3A_596 = arith.constant 12 : i32
    %dma_wait3A_597 = arith.constant 0 : i32
    %dma_wait3A_598 = arith.constant 0 : i32
    %dma_wait3A_599 = tpu.memref_slice %arg18[%dma_wait3A_596, %dma_wait3A_597, %dma_wait3A_598] : memref<20x4x128xi32, #tpu.memory_space<vmem>> -> memref<1x4x128xi32, #tpu.memory_space<vmem>>
    %dma_wait3A_600 = tpu.memref_squeeze %dma_wait3A_599 : memref<1x4x128xi32, #tpu.memory_space<vmem>> -> memref<4x128xi32, #tpu.memory_space<vmem>>
    %dma_wait3A_601 = arith.constant 0 : i32
    %dma_wait3A_602 = tpu.memref_slice %arg4[%dma_wait3A_595, %mul3A_2, %dma_wait3A_601] : memref<20x128x128xi32, #tpu.memory_space<hbm>> -> memref<1x4x128xi32, #tpu.memory_space<hbm>>
    %dma_wait3A_603 = tpu.memref_squeeze %dma_wait3A_602 : memref<1x4x128xi32, #tpu.memory_space<hbm>> -> memref<4x128xi32, #tpu.memory_space<hbm>>
    %dma_wait3A_604 = arith.constant 0 : i32
    %dma_wait3A_605 = arith.constant 0 : i32
    %dma_wait3A_606 = tpu.memref_slice %arg18[%dma_wait3A_596, %dma_wait3A_604, %dma_wait3A_605] : memref<20x4x128xi32, #tpu.memory_space<vmem>> -> memref<1x4x128xi32, #tpu.memory_space<vmem>>
    %dma_wait3A_607 = tpu.memref_squeeze %dma_wait3A_606 : memref<1x4x128xi32, #tpu.memory_space<vmem>> -> memref<4x128xi32, #tpu.memory_space<vmem>>
    %dma_wait3A_608 = arith.constant 0 : i32
    %dma_wait3A_609 = tpu.memref_slice %arg4[%dma_wait3A_595, %mul3A_2, %dma_wait3A_608] : memref<20x128x128xi32, #tpu.memory_space<hbm>> -> memref<1x4x128xi32, #tpu.memory_space<hbm>>
    %dma_wait3A_610 = tpu.memref_squeeze %dma_wait3A_609 : memref<1x4x128xi32, #tpu.memory_space<hbm>> -> memref<4x128xi32, #tpu.memory_space<hbm>>
    tpu.wait_dma2 semaphore(%arg24 : memref<!tpu.dma_semaphore, #tpu.memory_space<semaphore_mem>>) src(%dma_wait3A_610 : memref<4x128xi32, #tpu.memory_space<hbm>>) dst(%dma_wait3A_607 : memref<4x128xi32, #tpu.memory_space<vmem>>)
    %dma_wait3A_611 = arith.constant 13 : i32
    %dma_wait3A_612 = arith.constant 13 : i32
    %dma_wait3A_613 = arith.constant 0 : i32
    %dma_wait3A_614 = arith.constant 0 : i32
    %dma_wait3A_615 = tpu.memref_slice %arg18[%dma_wait3A_612, %dma_wait3A_613, %dma_wait3A_614] : memref<20x4x128xi32, #tpu.memory_space<vmem>> -> memref<1x4x128xi32, #tpu.memory_space<vmem>>
    %dma_wait3A_616 = tpu.memref_squeeze %dma_wait3A_615 : memref<1x4x128xi32, #tpu.memory_space<vmem>> -> memref<4x128xi32, #tpu.memory_space<vmem>>
    %dma_wait3A_617 = arith.constant 0 : i32
    %dma_wait3A_618 = tpu.memref_slice %arg4[%dma_wait3A_611, %mul3A_2, %dma_wait3A_617] : memref<20x128x128xi32, #tpu.memory_space<hbm>> -> memref<1x4x128xi32, #tpu.memory_space<hbm>>
    %dma_wait3A_619 = tpu.memref_squeeze %dma_wait3A_618 : memref<1x4x128xi32, #tpu.memory_space<hbm>> -> memref<4x128xi32, #tpu.memory_space<hbm>>
    %dma_wait3A_620 = arith.constant 0 : i32
    %dma_wait3A_621 = arith.constant 0 : i32
    %dma_wait3A_622 = tpu.memref_slice %arg18[%dma_wait3A_612, %dma_wait3A_620, %dma_wait3A_621] : memref<20x4x128xi32, #tpu.memory_space<vmem>> -> memref<1x4x128xi32, #tpu.memory_space<vmem>>
    %dma_wait3A_623 = tpu.memref_squeeze %dma_wait3A_622 : memref<1x4x128xi32, #tpu.memory_space<vmem>> -> memref<4x128xi32, #tpu.memory_space<vmem>>
    %dma_wait3A_624 = arith.constant 0 : i32
    %dma_wait3A_625 = tpu.memref_slice %arg4[%dma_wait3A_611, %mul3A_2, %dma_wait3A_624] : memref<20x128x128xi32, #tpu.memory_space<hbm>> -> memref<1x4x128xi32, #tpu.memory_space<hbm>>
    %dma_wait3A_626 = tpu.memref_squeeze %dma_wait3A_625 : memref<1x4x128xi32, #tpu.memory_space<hbm>> -> memref<4x128xi32, #tpu.memory_space<hbm>>
    tpu.wait_dma2 semaphore(%arg24 : memref<!tpu.dma_semaphore, #tpu.memory_space<semaphore_mem>>) src(%dma_wait3A_626 : memref<4x128xi32, #tpu.memory_space<hbm>>) dst(%dma_wait3A_623 : memref<4x128xi32, #tpu.memory_space<vmem>>)
    %dma_wait3A_627 = arith.constant 14 : i32
    %dma_wait3A_628 = arith.constant 14 : i32
    %dma_wait3A_629 = arith.constant 0 : i32
    %dma_wait3A_630 = arith.constant 0 : i32
    %dma_wait3A_631 = tpu.memref_slice %arg18[%dma_wait3A_628, %dma_wait3A_629, %dma_wait3A_630] : memref<20x4x128xi32, #tpu.memory_space<vmem>> -> memref<1x4x128xi32, #tpu.memory_space<vmem>>
    %dma_wait3A_632 = tpu.memref_squeeze %dma_wait3A_631 : memref<1x4x128xi32, #tpu.memory_space<vmem>> -> memref<4x128xi32, #tpu.memory_space<vmem>>
    %dma_wait3A_633 = arith.constant 0 : i32
    %dma_wait3A_634 = tpu.memref_slice %arg4[%dma_wait3A_627, %mul3A_2, %dma_wait3A_633] : memref<20x128x128xi32, #tpu.memory_space<hbm>> -> memref<1x4x128xi32, #tpu.memory_space<hbm>>
    %dma_wait3A_635 = tpu.memref_squeeze %dma_wait3A_634 : memref<1x4x128xi32, #tpu.memory_space<hbm>> -> memref<4x128xi32, #tpu.memory_space<hbm>>
    %dma_wait3A_636 = arith.constant 0 : i32
    %dma_wait3A_637 = arith.constant 0 : i32
    %dma_wait3A_638 = tpu.memref_slice %arg18[%dma_wait3A_628, %dma_wait3A_636, %dma_wait3A_637] : memref<20x4x128xi32, #tpu.memory_space<vmem>> -> memref<1x4x128xi32, #tpu.memory_space<vmem>>
    %dma_wait3A_639 = tpu.memref_squeeze %dma_wait3A_638 : memref<1x4x128xi32, #tpu.memory_space<vmem>> -> memref<4x128xi32, #tpu.memory_space<vmem>>
    %dma_wait3A_640 = arith.constant 0 : i32
    %dma_wait3A_641 = tpu.memref_slice %arg4[%dma_wait3A_627, %mul3A_2, %dma_wait3A_640] : memref<20x128x128xi32, #tpu.memory_space<hbm>> -> memref<1x4x128xi32, #tpu.memory_space<hbm>>
    %dma_wait3A_642 = tpu.memref_squeeze %dma_wait3A_641 : memref<1x4x128xi32, #tpu.memory_space<hbm>> -> memref<4x128xi32, #tpu.memory_space<hbm>>
    tpu.wait_dma2 semaphore(%arg24 : memref<!tpu.dma_semaphore, #tpu.memory_space<semaphore_mem>>) src(%dma_wait3A_642 : memref<4x128xi32, #tpu.memory_space<hbm>>) dst(%dma_wait3A_639 : memref<4x128xi32, #tpu.memory_space<vmem>>)
    %dma_wait3A_643 = arith.constant 15 : i32
    %dma_wait3A_644 = arith.constant 15 : i32
    %dma_wait3A_645 = arith.constant 0 : i32
    %dma_wait3A_646 = arith.constant 0 : i32
    %dma_wait3A_647 = tpu.memref_slice %arg18[%dma_wait3A_644, %dma_wait3A_645, %dma_wait3A_646] : memref<20x4x128xi32, #tpu.memory_space<vmem>> -> memref<1x4x128xi32, #tpu.memory_space<vmem>>
    %dma_wait3A_648 = tpu.memref_squeeze %dma_wait3A_647 : memref<1x4x128xi32, #tpu.memory_space<vmem>> -> memref<4x128xi32, #tpu.memory_space<vmem>>
    %dma_wait3A_649 = arith.constant 0 : i32
    %dma_wait3A_650 = tpu.memref_slice %arg4[%dma_wait3A_643, %mul3A_2, %dma_wait3A_649] : memref<20x128x128xi32, #tpu.memory_space<hbm>> -> memref<1x4x128xi32, #tpu.memory_space<hbm>>
    %dma_wait3A_651 = tpu.memref_squeeze %dma_wait3A_650 : memref<1x4x128xi32, #tpu.memory_space<hbm>> -> memref<4x128xi32, #tpu.memory_space<hbm>>
    %dma_wait3A_652 = arith.constant 0 : i32
    %dma_wait3A_653 = arith.constant 0 : i32
    %dma_wait3A_654 = tpu.memref_slice %arg18[%dma_wait3A_644, %dma_wait3A_652, %dma_wait3A_653] : memref<20x4x128xi32, #tpu.memory_space<vmem>> -> memref<1x4x128xi32, #tpu.memory_space<vmem>>
    %dma_wait3A_655 = tpu.memref_squeeze %dma_wait3A_654 : memref<1x4x128xi32, #tpu.memory_space<vmem>> -> memref<4x128xi32, #tpu.memory_space<vmem>>
    %dma_wait3A_656 = arith.constant 0 : i32
    %dma_wait3A_657 = tpu.memref_slice %arg4[%dma_wait3A_643, %mul3A_2, %dma_wait3A_656] : memref<20x128x128xi32, #tpu.memory_space<hbm>> -> memref<1x4x128xi32, #tpu.memory_space<hbm>>
    %dma_wait3A_658 = tpu.memref_squeeze %dma_wait3A_657 : memref<1x4x128xi32, #tpu.memory_space<hbm>> -> memref<4x128xi32, #tpu.memory_space<hbm>>
    tpu.wait_dma2 semaphore(%arg24 : memref<!tpu.dma_semaphore, #tpu.memory_space<semaphore_mem>>) src(%dma_wait3A_658 : memref<4x128xi32, #tpu.memory_space<hbm>>) dst(%dma_wait3A_655 : memref<4x128xi32, #tpu.memory_space<vmem>>)
    %dma_wait3A_659 = arith.constant 16 : i32
    %dma_wait3A_660 = arith.constant 16 : i32
    %dma_wait3A_661 = arith.constant 0 : i32
    %dma_wait3A_662 = arith.constant 0 : i32
    %dma_wait3A_663 = tpu.memref_slice %arg18[%dma_wait3A_660, %dma_wait3A_661, %dma_wait3A_662] : memref<20x4x128xi32, #tpu.memory_space<vmem>> -> memref<1x4x128xi32, #tpu.memory_space<vmem>>
    %dma_wait3A_664 = tpu.memref_squeeze %dma_wait3A_663 : memref<1x4x128xi32, #tpu.memory_space<vmem>> -> memref<4x128xi32, #tpu.memory_space<vmem>>
    %dma_wait3A_665 = arith.constant 0 : i32
    %dma_wait3A_666 = tpu.memref_slice %arg4[%dma_wait3A_659, %mul3A_2, %dma_wait3A_665] : memref<20x128x128xi32, #tpu.memory_space<hbm>> -> memref<1x4x128xi32, #tpu.memory_space<hbm>>
    %dma_wait3A_667 = tpu.memref_squeeze %dma_wait3A_666 : memref<1x4x128xi32, #tpu.memory_space<hbm>> -> memref<4x128xi32, #tpu.memory_space<hbm>>
    %dma_wait3A_668 = arith.constant 0 : i32
    %dma_wait3A_669 = arith.constant 0 : i32
    %dma_wait3A_670 = tpu.memref_slice %arg18[%dma_wait3A_660, %dma_wait3A_668, %dma_wait3A_669] : memref<20x4x128xi32, #tpu.memory_space<vmem>> -> memref<1x4x128xi32, #tpu.memory_space<vmem>>
    %dma_wait3A_671 = tpu.memref_squeeze %dma_wait3A_670 : memref<1x4x128xi32, #tpu.memory_space<vmem>> -> memref<4x128xi32, #tpu.memory_space<vmem>>
    %dma_wait3A_672 = arith.constant 0 : i32
    %dma_wait3A_673 = tpu.memref_slice %arg4[%dma_wait3A_659, %mul3A_2, %dma_wait3A_672] : memref<20x128x128xi32, #tpu.memory_space<hbm>> -> memref<1x4x128xi32, #tpu.memory_space<hbm>>
    %dma_wait3A_674 = tpu.memref_squeeze %dma_wait3A_673 : memref<1x4x128xi32, #tpu.memory_space<hbm>> -> memref<4x128xi32, #tpu.memory_space<hbm>>
    tpu.wait_dma2 semaphore(%arg24 : memref<!tpu.dma_semaphore, #tpu.memory_space<semaphore_mem>>) src(%dma_wait3A_674 : memref<4x128xi32, #tpu.memory_space<hbm>>) dst(%dma_wait3A_671 : memref<4x128xi32, #tpu.memory_space<vmem>>)
    %dma_wait3A_675 = arith.constant 17 : i32
    %dma_wait3A_676 = arith.constant 17 : i32
    %dma_wait3A_677 = arith.constant 0 : i32
    %dma_wait3A_678 = arith.constant 0 : i32
    %dma_wait3A_679 = tpu.memref_slice %arg18[%dma_wait3A_676, %dma_wait3A_677, %dma_wait3A_678] : memref<20x4x128xi32, #tpu.memory_space<vmem>> -> memref<1x4x128xi32, #tpu.memory_space<vmem>>
    %dma_wait3A_680 = tpu.memref_squeeze %dma_wait3A_679 : memref<1x4x128xi32, #tpu.memory_space<vmem>> -> memref<4x128xi32, #tpu.memory_space<vmem>>
    %dma_wait3A_681 = arith.constant 0 : i32
    %dma_wait3A_682 = tpu.memref_slice %arg4[%dma_wait3A_675, %mul3A_2, %dma_wait3A_681] : memref<20x128x128xi32, #tpu.memory_space<hbm>> -> memref<1x4x128xi32, #tpu.memory_space<hbm>>
    %dma_wait3A_683 = tpu.memref_squeeze %dma_wait3A_682 : memref<1x4x128xi32, #tpu.memory_space<hbm>> -> memref<4x128xi32, #tpu.memory_space<hbm>>
    %dma_wait3A_684 = arith.constant 0 : i32
    %dma_wait3A_685 = arith.constant 0 : i32
    %dma_wait3A_686 = tpu.memref_slice %arg18[%dma_wait3A_676, %dma_wait3A_684, %dma_wait3A_685] : memref<20x4x128xi32, #tpu.memory_space<vmem>> -> memref<1x4x128xi32, #tpu.memory_space<vmem>>
    %dma_wait3A_687 = tpu.memref_squeeze %dma_wait3A_686 : memref<1x4x128xi32, #tpu.memory_space<vmem>> -> memref<4x128xi32, #tpu.memory_space<vmem>>
    %dma_wait3A_688 = arith.constant 0 : i32
    %dma_wait3A_689 = tpu.memref_slice %arg4[%dma_wait3A_675, %mul3A_2, %dma_wait3A_688] : memref<20x128x128xi32, #tpu.memory_space<hbm>> -> memref<1x4x128xi32, #tpu.memory_space<hbm>>
    %dma_wait3A_690 = tpu.memref_squeeze %dma_wait3A_689 : memref<1x4x128xi32, #tpu.memory_space<hbm>> -> memref<4x128xi32, #tpu.memory_space<hbm>>
    tpu.wait_dma2 semaphore(%arg24 : memref<!tpu.dma_semaphore, #tpu.memory_space<semaphore_mem>>) src(%dma_wait3A_690 : memref<4x128xi32, #tpu.memory_space<hbm>>) dst(%dma_wait3A_687 : memref<4x128xi32, #tpu.memory_space<vmem>>)
    %dma_wait3A_691 = arith.constant 18 : i32
    %dma_wait3A_692 = arith.constant 18 : i32
    %dma_wait3A_693 = arith.constant 0 : i32
    %dma_wait3A_694 = arith.constant 0 : i32
    %dma_wait3A_695 = tpu.memref_slice %arg18[%dma_wait3A_692, %dma_wait3A_693, %dma_wait3A_694] : memref<20x4x128xi32, #tpu.memory_space<vmem>> -> memref<1x4x128xi32, #tpu.memory_space<vmem>>
    %dma_wait3A_696 = tpu.memref_squeeze %dma_wait3A_695 : memref<1x4x128xi32, #tpu.memory_space<vmem>> -> memref<4x128xi32, #tpu.memory_space<vmem>>
    %dma_wait3A_697 = arith.constant 0 : i32
    %dma_wait3A_698 = tpu.memref_slice %arg4[%dma_wait3A_691, %mul3A_2, %dma_wait3A_697] : memref<20x128x128xi32, #tpu.memory_space<hbm>> -> memref<1x4x128xi32, #tpu.memory_space<hbm>>
    %dma_wait3A_699 = tpu.memref_squeeze %dma_wait3A_698 : memref<1x4x128xi32, #tpu.memory_space<hbm>> -> memref<4x128xi32, #tpu.memory_space<hbm>>
    %dma_wait3A_700 = arith.constant 0 : i32
    %dma_wait3A_701 = arith.constant 0 : i32
    %dma_wait3A_702 = tpu.memref_slice %arg18[%dma_wait3A_692, %dma_wait3A_700, %dma_wait3A_701] : memref<20x4x128xi32, #tpu.memory_space<vmem>> -> memref<1x4x128xi32, #tpu.memory_space<vmem>>
    %dma_wait3A_703 = tpu.memref_squeeze %dma_wait3A_702 : memref<1x4x128xi32, #tpu.memory_space<vmem>> -> memref<4x128xi32, #tpu.memory_space<vmem>>
    %dma_wait3A_704 = arith.constant 0 : i32
    %dma_wait3A_705 = tpu.memref_slice %arg4[%dma_wait3A_691, %mul3A_2, %dma_wait3A_704] : memref<20x128x128xi32, #tpu.memory_space<hbm>> -> memref<1x4x128xi32, #tpu.memory_space<hbm>>
    %dma_wait3A_706 = tpu.memref_squeeze %dma_wait3A_705 : memref<1x4x128xi32, #tpu.memory_space<hbm>> -> memref<4x128xi32, #tpu.memory_space<hbm>>
    tpu.wait_dma2 semaphore(%arg24 : memref<!tpu.dma_semaphore, #tpu.memory_space<semaphore_mem>>) src(%dma_wait3A_706 : memref<4x128xi32, #tpu.memory_space<hbm>>) dst(%dma_wait3A_703 : memref<4x128xi32, #tpu.memory_space<vmem>>)
    %dma_wait3A_707 = arith.constant 19 : i32
    %dma_wait3A_708 = arith.constant 19 : i32
    %dma_wait3A_709 = arith.constant 0 : i32
    %dma_wait3A_710 = arith.constant 0 : i32
    %dma_wait3A_711 = tpu.memref_slice %arg18[%dma_wait3A_708, %dma_wait3A_709, %dma_wait3A_710] : memref<20x4x128xi32, #tpu.memory_space<vmem>> -> memref<1x4x128xi32, #tpu.memory_space<vmem>>
    %dma_wait3A_712 = tpu.memref_squeeze %dma_wait3A_711 : memref<1x4x128xi32, #tpu.memory_space<vmem>> -> memref<4x128xi32, #tpu.memory_space<vmem>>
    %dma_wait3A_713 = arith.constant 0 : i32
    %dma_wait3A_714 = tpu.memref_slice %arg4[%dma_wait3A_707, %mul3A_2, %dma_wait3A_713] : memref<20x128x128xi32, #tpu.memory_space<hbm>> -> memref<1x4x128xi32, #tpu.memory_space<hbm>>
    %dma_wait3A_715 = tpu.memref_squeeze %dma_wait3A_714 : memref<1x4x128xi32, #tpu.memory_space<hbm>> -> memref<4x128xi32, #tpu.memory_space<hbm>>
    %dma_wait3A_716 = arith.constant 0 : i32
    %dma_wait3A_717 = arith.constant 0 : i32
    %dma_wait3A_718 = tpu.memref_slice %arg18[%dma_wait3A_708, %dma_wait3A_716, %dma_wait3A_717] : memref<20x4x128xi32, #tpu.memory_space<vmem>> -> memref<1x4x128xi32, #tpu.memory_space<vmem>>
    %dma_wait3A_719 = tpu.memref_squeeze %dma_wait3A_718 : memref<1x4x128xi32, #tpu.memory_space<vmem>> -> memref<4x128xi32, #tpu.memory_space<vmem>>
    %dma_wait3A_720 = arith.constant 0 : i32
    %dma_wait3A_721 = tpu.memref_slice %arg4[%dma_wait3A_707, %mul3A_2, %dma_wait3A_720] : memref<20x128x128xi32, #tpu.memory_space<hbm>> -> memref<1x4x128xi32, #tpu.memory_space<hbm>>
    %dma_wait3A_722 = tpu.memref_squeeze %dma_wait3A_721 : memref<1x4x128xi32, #tpu.memory_space<hbm>> -> memref<4x128xi32, #tpu.memory_space<hbm>>
    tpu.wait_dma2 semaphore(%arg24 : memref<!tpu.dma_semaphore, #tpu.memory_space<semaphore_mem>>) src(%dma_wait3A_722 : memref<4x128xi32, #tpu.memory_space<hbm>>) dst(%dma_wait3A_719 : memref<4x128xi32, #tpu.memory_space<vmem>>)
    %dma_start3A_723 = arith.constant 0 : i32
    %dma_start3A_724 = arith.constant 0 : i32
    %dma_start3A_725 = arith.constant 0 : i32
    %dma_start3A_726 = tpu.memref_slice %arg19[%dma_start3A_724, %dma_start3A_725] : memref<512x32xf32, #tpu.memory_space<vmem>> -> memref<128x32xf32, #tpu.memory_space<vmem>>
    %dma_start3A_727 = arith.constant 0 : i32
    %dma_start3A_728 = tpu.memref_slice %arg15[%dma_start3A_723, %dma_start3A_727] : memref<4x128xi32, #tpu.memory_space<vmem>> -> memref<1x128xi32, #tpu.memory_space<vmem>>
    %dma_start3A_729 = tpu.memref_squeeze %dma_start3A_728 : memref<1x128xi32, #tpu.memory_space<vmem>> -> memref<128xi32, #tpu.memory_space<vmem>>
    %dma_start3A_730 = arith.constant 0 : i32
    %dma_start3A_731 = arith.constant 0 : i32
    %dma_start3A_732 = tpu.memref_slice %arg6[%dma_start3A_730, %dma_start3A_731] : memref<100000x32xf32, #tpu.memory_space<hbm>> -> memref<100000x32xf32, #tpu.memory_space<hbm>>
    tpu.enqueue_indirect_dma source(%dma_start3A_732 : memref<100000x32xf32, #tpu.memory_space<hbm>>) target(%dma_start3A_726 : memref<128x32xf32, #tpu.memory_space<vmem>>) offsets(%dma_start3A_729 : memref<128xi32, #tpu.memory_space<vmem>>) semaphore(%arg24 : memref<!tpu.dma_semaphore, #tpu.memory_space<semaphore_mem>>)
    %dma_start3A_733 = arith.constant 0 : i32
    %dma_start3A_734 = arith.constant 0 : i32
    %dma_start3A_735 = arith.constant 0 : i32
    %dma_start3A_736 = arith.constant 0 : i32
    %dma_start3A_737 = tpu.memref_slice %arg20[%dma_start3A_735, %dma_start3A_736] : memref<512x48xf32, #tpu.memory_space<vmem>> -> memref<128x48xf32, #tpu.memory_space<vmem>>
    %dma_start3A_738 = arith.constant 0 : i32
    %dma_start3A_739 = tpu.memref_slice %arg17[%dma_start3A_733, %dma_start3A_734, %dma_start3A_738] : memref<2x4x128xi32, #tpu.memory_space<vmem>> -> memref<1x1x128xi32, #tpu.memory_space<vmem>>
    %dma_start3A_740 = tpu.memref_squeeze %dma_start3A_739 : memref<1x1x128xi32, #tpu.memory_space<vmem>> -> memref<128xi32, #tpu.memory_space<vmem>>
    %dma_start3A_741 = arith.constant 0 : i32
    %dma_start3A_742 = arith.constant 0 : i32
    %dma_start3A_743 = tpu.memref_slice %arg7[%dma_start3A_741, %dma_start3A_742] : memref<100000x48xf32, #tpu.memory_space<hbm>> -> memref<100000x48xf32, #tpu.memory_space<hbm>>
    tpu.enqueue_indirect_dma source(%dma_start3A_743 : memref<100000x48xf32, #tpu.memory_space<hbm>>) target(%dma_start3A_737 : memref<128x48xf32, #tpu.memory_space<vmem>>) offsets(%dma_start3A_740 : memref<128xi32, #tpu.memory_space<vmem>>) semaphore(%arg24 : memref<!tpu.dma_semaphore, #tpu.memory_space<semaphore_mem>>)
    %dma_start3A_744 = arith.constant 1 : i32
    %dma_start3A_745 = arith.constant 0 : i32
    %dma_start3A_746 = arith.constant 0 : i32
    %dma_start3A_747 = arith.constant 0 : i32
    %dma_start3A_748 = tpu.memref_slice %arg21[%dma_start3A_746, %dma_start3A_747] : memref<512x48xf32, #tpu.memory_space<vmem>> -> memref<128x48xf32, #tpu.memory_space<vmem>>
    %dma_start3A_749 = arith.constant 0 : i32
    %dma_start3A_750 = tpu.memref_slice %arg17[%dma_start3A_744, %dma_start3A_745, %dma_start3A_749] : memref<2x4x128xi32, #tpu.memory_space<vmem>> -> memref<1x1x128xi32, #tpu.memory_space<vmem>>
    %dma_start3A_751 = tpu.memref_squeeze %dma_start3A_750 : memref<1x1x128xi32, #tpu.memory_space<vmem>> -> memref<128xi32, #tpu.memory_space<vmem>>
    %dma_start3A_752 = arith.constant 0 : i32
    %dma_start3A_753 = arith.constant 0 : i32
    %dma_start3A_754 = tpu.memref_slice %arg7[%dma_start3A_752, %dma_start3A_753] : memref<100000x48xf32, #tpu.memory_space<hbm>> -> memref<100000x48xf32, #tpu.memory_space<hbm>>
    tpu.enqueue_indirect_dma source(%dma_start3A_754 : memref<100000x48xf32, #tpu.memory_space<hbm>>) target(%dma_start3A_748 : memref<128x48xf32, #tpu.memory_space<vmem>>) offsets(%dma_start3A_751 : memref<128xi32, #tpu.memory_space<vmem>>) semaphore(%arg24 : memref<!tpu.dma_semaphore, #tpu.memory_space<semaphore_mem>>)
    %dma_start3A_755 = arith.constant 0 : i32
    %dma_start3A_756 = arith.constant 0 : i32
    %dma_start3A_757 = arith.constant 0 : i32
    %dma_start3A_758 = tpu.memref_slice %arg22[%dma_start3A_756, %dma_start3A_757] : memref<512x16xf32, #tpu.memory_space<vmem>> -> memref<128x16xf32, #tpu.memory_space<vmem>>
    %dma_start3A_759 = arith.constant 0 : i32
    %dma_start3A_760 = tpu.memref_slice %arg16[%dma_start3A_755, %dma_start3A_759] : memref<4x128xi32, #tpu.memory_space<vmem>> -> memref<1x128xi32, #tpu.memory_space<vmem>>
    %dma_start3A_761 = tpu.memref_squeeze %dma_start3A_760 : memref<1x128xi32, #tpu.memory_space<vmem>> -> memref<128xi32, #tpu.memory_space<vmem>>
    %dma_start3A_762 = arith.constant 0 : i32
    %dma_start3A_763 = arith.constant 0 : i32
    %dma_start3A_764 = tpu.memref_slice %arg9[%dma_start3A_762, %dma_start3A_763] : memref<1000x16xf32, #tpu.memory_space<hbm>> -> memref<1000x16xf32, #tpu.memory_space<hbm>>
    tpu.enqueue_indirect_dma source(%dma_start3A_764 : memref<1000x16xf32, #tpu.memory_space<hbm>>) target(%dma_start3A_758 : memref<128x16xf32, #tpu.memory_space<vmem>>) offsets(%dma_start3A_761 : memref<128xi32, #tpu.memory_space<vmem>>) semaphore(%arg24 : memref<!tpu.dma_semaphore, #tpu.memory_space<semaphore_mem>>)
    %dma_start3A_765 = arith.constant 1 : i32
    %dma_start3A_766 = arith.constant 128 : i32
    %dma_start3A_767 = arith.constant 0 : i32
    %dma_start3A_768 = tpu.memref_slice %arg19[%dma_start3A_766, %dma_start3A_767] : memref<512x32xf32, #tpu.memory_space<vmem>> -> memref<128x32xf32, #tpu.memory_space<vmem>>
    %dma_start3A_769 = arith.constant 0 : i32
    %dma_start3A_770 = tpu.memref_slice %arg15[%dma_start3A_765, %dma_start3A_769] : memref<4x128xi32, #tpu.memory_space<vmem>> -> memref<1x128xi32, #tpu.memory_space<vmem>>
    %dma_start3A_771 = tpu.memref_squeeze %dma_start3A_770 : memref<1x128xi32, #tpu.memory_space<vmem>> -> memref<128xi32, #tpu.memory_space<vmem>>
    %dma_start3A_772 = arith.constant 0 : i32
    %dma_start3A_773 = arith.constant 0 : i32
    %dma_start3A_774 = tpu.memref_slice %arg6[%dma_start3A_772, %dma_start3A_773] : memref<100000x32xf32, #tpu.memory_space<hbm>> -> memref<100000x32xf32, #tpu.memory_space<hbm>>
    tpu.enqueue_indirect_dma source(%dma_start3A_774 : memref<100000x32xf32, #tpu.memory_space<hbm>>) target(%dma_start3A_768 : memref<128x32xf32, #tpu.memory_space<vmem>>) offsets(%dma_start3A_771 : memref<128xi32, #tpu.memory_space<vmem>>) semaphore(%arg24 : memref<!tpu.dma_semaphore, #tpu.memory_space<semaphore_mem>>)
    %dma_start3A_775 = arith.constant 0 : i32
    %dma_start3A_776 = arith.constant 1 : i32
    %dma_start3A_777 = arith.constant 128 : i32
    %dma_start3A_778 = arith.constant 0 : i32
    %dma_start3A_779 = tpu.memref_slice %arg20[%dma_start3A_777, %dma_start3A_778] : memref<512x48xf32, #tpu.memory_space<vmem>> -> memref<128x48xf32, #tpu.memory_space<vmem>>
    %dma_start3A_780 = arith.constant 0 : i32
    %dma_start3A_781 = tpu.memref_slice %arg17[%dma_start3A_775, %dma_start3A_776, %dma_start3A_780] : memref<2x4x128xi32, #tpu.memory_space<vmem>> -> memref<1x1x128xi32, #tpu.memory_space<vmem>>
    %dma_start3A_782 = tpu.memref_squeeze %dma_start3A_781 : memref<1x1x128xi32, #tpu.memory_space<vmem>> -> memref<128xi32, #tpu.memory_space<vmem>>
    %dma_start3A_783 = arith.constant 0 : i32
    %dma_start3A_784 = arith.constant 0 : i32
    %dma_start3A_785 = tpu.memref_slice %arg7[%dma_start3A_783, %dma_start3A_784] : memref<100000x48xf32, #tpu.memory_space<hbm>> -> memref<100000x48xf32, #tpu.memory_space<hbm>>
    tpu.enqueue_indirect_dma source(%dma_start3A_785 : memref<100000x48xf32, #tpu.memory_space<hbm>>) target(%dma_start3A_779 : memref<128x48xf32, #tpu.memory_space<vmem>>) offsets(%dma_start3A_782 : memref<128xi32, #tpu.memory_space<vmem>>) semaphore(%arg24 : memref<!tpu.dma_semaphore, #tpu.memory_space<semaphore_mem>>)
    %dma_start3A_786 = arith.constant 1 : i32
    %dma_start3A_787 = arith.constant 1 : i32
    %dma_start3A_788 = arith.constant 128 : i32
    %dma_start3A_789 = arith.constant 0 : i32
    %dma_start3A_790 = tpu.memref_slice %arg21[%dma_start3A_788, %dma_start3A_789] : memref<512x48xf32, #tpu.memory_space<vmem>> -> memref<128x48xf32, #tpu.memory_space<vmem>>
    %dma_start3A_791 = arith.constant 0 : i32
    %dma_start3A_792 = tpu.memref_slice %arg17[%dma_start3A_786, %dma_start3A_787, %dma_start3A_791] : memref<2x4x128xi32, #tpu.memory_space<vmem>> -> memref<1x1x128xi32, #tpu.memory_space<vmem>>
    %dma_start3A_793 = tpu.memref_squeeze %dma_start3A_792 : memref<1x1x128xi32, #tpu.memory_space<vmem>> -> memref<128xi32, #tpu.memory_space<vmem>>
    %dma_start3A_794 = arith.constant 0 : i32
    %dma_start3A_795 = arith.constant 0 : i32
    %dma_start3A_796 = tpu.memref_slice %arg7[%dma_start3A_794, %dma_start3A_795] : memref<100000x48xf32, #tpu.memory_space<hbm>> -> memref<100000x48xf32, #tpu.memory_space<hbm>>
    tpu.enqueue_indirect_dma source(%dma_start3A_796 : memref<100000x48xf32, #tpu.memory_space<hbm>>) target(%dma_start3A_790 : memref<128x48xf32, #tpu.memory_space<vmem>>) offsets(%dma_start3A_793 : memref<128xi32, #tpu.memory_space<vmem>>) semaphore(%arg24 : memref<!tpu.dma_semaphore, #tpu.memory_space<semaphore_mem>>)
    %dma_start3A_797 = arith.constant 1 : i32
    %dma_start3A_798 = arith.constant 128 : i32
    %dma_start3A_799 = arith.constant 0 : i32
    %dma_start3A_800 = tpu.memref_slice %arg22[%dma_start3A_798, %dma_start3A_799] : memref<512x16xf32, #tpu.memory_space<vmem>> -> memref<128x16xf32, #tpu.memory_space<vmem>>
    %dma_start3A_801 = arith.constant 0 : i32
    %dma_start3A_802 = tpu.memref_slice %arg16[%dma_start3A_797, %dma_start3A_801] : memref<4x128xi32, #tpu.memory_space<vmem>> -> memref<1x128xi32, #tpu.memory_space<vmem>>
    %dma_start3A_803 = tpu.memref_squeeze %dma_start3A_802 : memref<1x128xi32, #tpu.memory_space<vmem>> -> memref<128xi32, #tpu.memory_space<vmem>>
    %dma_start3A_804 = arith.constant 0 : i32
    %dma_start3A_805 = arith.constant 0 : i32
    %dma_start3A_806 = tpu.memref_slice %arg9[%dma_start3A_804, %dma_start3A_805] : memref<1000x16xf32, #tpu.memory_space<hbm>> -> memref<1000x16xf32, #tpu.memory_space<hbm>>
    tpu.enqueue_indirect_dma source(%dma_start3A_806 : memref<1000x16xf32, #tpu.memory_space<hbm>>) target(%dma_start3A_800 : memref<128x16xf32, #tpu.memory_space<vmem>>) offsets(%dma_start3A_803 : memref<128xi32, #tpu.memory_space<vmem>>) semaphore(%arg24 : memref<!tpu.dma_semaphore, #tpu.memory_space<semaphore_mem>>)
    %dma_start3A_807 = arith.constant 2 : i32
    %dma_start3A_808 = arith.constant 256 : i32
    %dma_start3A_809 = arith.constant 0 : i32
    %dma_start3A_810 = tpu.memref_slice %arg19[%dma_start3A_808, %dma_start3A_809] : memref<512x32xf32, #tpu.memory_space<vmem>> -> memref<128x32xf32, #tpu.memory_space<vmem>>
    %dma_start3A_811 = arith.constant 0 : i32
    %dma_start3A_812 = tpu.memref_slice %arg15[%dma_start3A_807, %dma_start3A_811] : memref<4x128xi32, #tpu.memory_space<vmem>> -> memref<1x128xi32, #tpu.memory_space<vmem>>
    %dma_start3A_813 = tpu.memref_squeeze %dma_start3A_812 : memref<1x128xi32, #tpu.memory_space<vmem>> -> memref<128xi32, #tpu.memory_space<vmem>>
    %dma_start3A_814 = arith.constant 0 : i32
    %dma_start3A_815 = arith.constant 0 : i32
    %dma_start3A_816 = tpu.memref_slice %arg6[%dma_start3A_814, %dma_start3A_815] : memref<100000x32xf32, #tpu.memory_space<hbm>> -> memref<100000x32xf32, #tpu.memory_space<hbm>>
    tpu.enqueue_indirect_dma source(%dma_start3A_816 : memref<100000x32xf32, #tpu.memory_space<hbm>>) target(%dma_start3A_810 : memref<128x32xf32, #tpu.memory_space<vmem>>) offsets(%dma_start3A_813 : memref<128xi32, #tpu.memory_space<vmem>>) semaphore(%arg24 : memref<!tpu.dma_semaphore, #tpu.memory_space<semaphore_mem>>)
    %dma_start3A_817 = arith.constant 0 : i32
    %dma_start3A_818 = arith.constant 2 : i32
    %dma_start3A_819 = arith.constant 256 : i32
    %dma_start3A_820 = arith.constant 0 : i32
    %dma_start3A_821 = tpu.memref_slice %arg20[%dma_start3A_819, %dma_start3A_820] : memref<512x48xf32, #tpu.memory_space<vmem>> -> memref<128x48xf32, #tpu.memory_space<vmem>>
    %dma_start3A_822 = arith.constant 0 : i32
    %dma_start3A_823 = tpu.memref_slice %arg17[%dma_start3A_817, %dma_start3A_818, %dma_start3A_822] : memref<2x4x128xi32, #tpu.memory_space<vmem>> -> memref<1x1x128xi32, #tpu.memory_space<vmem>>
    %dma_start3A_824 = tpu.memref_squeeze %dma_start3A_823 : memref<1x1x128xi32, #tpu.memory_space<vmem>> -> memref<128xi32, #tpu.memory_space<vmem>>
    %dma_start3A_825 = arith.constant 0 : i32
    %dma_start3A_826 = arith.constant 0 : i32
    %dma_start3A_827 = tpu.memref_slice %arg7[%dma_start3A_825, %dma_start3A_826] : memref<100000x48xf32, #tpu.memory_space<hbm>> -> memref<100000x48xf32, #tpu.memory_space<hbm>>
    tpu.enqueue_indirect_dma source(%dma_start3A_827 : memref<100000x48xf32, #tpu.memory_space<hbm>>) target(%dma_start3A_821 : memref<128x48xf32, #tpu.memory_space<vmem>>) offsets(%dma_start3A_824 : memref<128xi32, #tpu.memory_space<vmem>>) semaphore(%arg24 : memref<!tpu.dma_semaphore, #tpu.memory_space<semaphore_mem>>)
    %dma_start3A_828 = arith.constant 1 : i32
    %dma_start3A_829 = arith.constant 2 : i32
    %dma_start3A_830 = arith.constant 256 : i32
    %dma_start3A_831 = arith.constant 0 : i32
    %dma_start3A_832 = tpu.memref_slice %arg21[%dma_start3A_830, %dma_start3A_831] : memref<512x48xf32, #tpu.memory_space<vmem>> -> memref<128x48xf32, #tpu.memory_space<vmem>>
    %dma_start3A_833 = arith.constant 0 : i32
    %dma_start3A_834 = tpu.memref_slice %arg17[%dma_start3A_828, %dma_start3A_829, %dma_start3A_833] : memref<2x4x128xi32, #tpu.memory_space<vmem>> -> memref<1x1x128xi32, #tpu.memory_space<vmem>>
    %dma_start3A_835 = tpu.memref_squeeze %dma_start3A_834 : memref<1x1x128xi32, #tpu.memory_space<vmem>> -> memref<128xi32, #tpu.memory_space<vmem>>
    %dma_start3A_836 = arith.constant 0 : i32
    %dma_start3A_837 = arith.constant 0 : i32
    %dma_start3A_838 = tpu.memref_slice %arg7[%dma_start3A_836, %dma_start3A_837] : memref<100000x48xf32, #tpu.memory_space<hbm>> -> memref<100000x48xf32, #tpu.memory_space<hbm>>
    tpu.enqueue_indirect_dma source(%dma_start3A_838 : memref<100000x48xf32, #tpu.memory_space<hbm>>) target(%dma_start3A_832 : memref<128x48xf32, #tpu.memory_space<vmem>>) offsets(%dma_start3A_835 : memref<128xi32, #tpu.memory_space<vmem>>) semaphore(%arg24 : memref<!tpu.dma_semaphore, #tpu.memory_space<semaphore_mem>>)
    %dma_start3A_839 = arith.constant 2 : i32
    %dma_start3A_840 = arith.constant 256 : i32
    %dma_start3A_841 = arith.constant 0 : i32
    %dma_start3A_842 = tpu.memref_slice %arg22[%dma_start3A_840, %dma_start3A_841] : memref<512x16xf32, #tpu.memory_space<vmem>> -> memref<128x16xf32, #tpu.memory_space<vmem>>
    %dma_start3A_843 = arith.constant 0 : i32
    %dma_start3A_844 = tpu.memref_slice %arg16[%dma_start3A_839, %dma_start3A_843] : memref<4x128xi32, #tpu.memory_space<vmem>> -> memref<1x128xi32, #tpu.memory_space<vmem>>
    %dma_start3A_845 = tpu.memref_squeeze %dma_start3A_844 : memref<1x128xi32, #tpu.memory_space<vmem>> -> memref<128xi32, #tpu.memory_space<vmem>>
    %dma_start3A_846 = arith.constant 0 : i32
    %dma_start3A_847 = arith.constant 0 : i32
    %dma_start3A_848 = tpu.memref_slice %arg9[%dma_start3A_846, %dma_start3A_847] : memref<1000x16xf32, #tpu.memory_space<hbm>> -> memref<1000x16xf32, #tpu.memory_space<hbm>>
    tpu.enqueue_indirect_dma source(%dma_start3A_848 : memref<1000x16xf32, #tpu.memory_space<hbm>>) target(%dma_start3A_842 : memref<128x16xf32, #tpu.memory_space<vmem>>) offsets(%dma_start3A_845 : memref<128xi32, #tpu.memory_space<vmem>>) semaphore(%arg24 : memref<!tpu.dma_semaphore, #tpu.memory_space<semaphore_mem>>)
    %dma_start3A_849 = arith.constant 3 : i32
    %dma_start3A_850 = arith.constant 384 : i32
    %dma_start3A_851 = arith.constant 0 : i32
    %dma_start3A_852 = tpu.memref_slice %arg19[%dma_start3A_850, %dma_start3A_851] : memref<512x32xf32, #tpu.memory_space<vmem>> -> memref<128x32xf32, #tpu.memory_space<vmem>>
    %dma_start3A_853 = arith.constant 0 : i32
    %dma_start3A_854 = tpu.memref_slice %arg15[%dma_start3A_849, %dma_start3A_853] : memref<4x128xi32, #tpu.memory_space<vmem>> -> memref<1x128xi32, #tpu.memory_space<vmem>>
    %dma_start3A_855 = tpu.memref_squeeze %dma_start3A_854 : memref<1x128xi32, #tpu.memory_space<vmem>> -> memref<128xi32, #tpu.memory_space<vmem>>
    %dma_start3A_856 = arith.constant 0 : i32
    %dma_start3A_857 = arith.constant 0 : i32
    %dma_start3A_858 = tpu.memref_slice %arg6[%dma_start3A_856, %dma_start3A_857] : memref<100000x32xf32, #tpu.memory_space<hbm>> -> memref<100000x32xf32, #tpu.memory_space<hbm>>
    tpu.enqueue_indirect_dma source(%dma_start3A_858 : memref<100000x32xf32, #tpu.memory_space<hbm>>) target(%dma_start3A_852 : memref<128x32xf32, #tpu.memory_space<vmem>>) offsets(%dma_start3A_855 : memref<128xi32, #tpu.memory_space<vmem>>) semaphore(%arg24 : memref<!tpu.dma_semaphore, #tpu.memory_space<semaphore_mem>>)
    %dma_start3A_859 = arith.constant 0 : i32
    %dma_start3A_860 = arith.constant 3 : i32
    %dma_start3A_861 = arith.constant 384 : i32
    %dma_start3A_862 = arith.constant 0 : i32
    %dma_start3A_863 = tpu.memref_slice %arg20[%dma_start3A_861, %dma_start3A_862] : memref<512x48xf32, #tpu.memory_space<vmem>> -> memref<128x48xf32, #tpu.memory_space<vmem>>
    %dma_start3A_864 = arith.constant 0 : i32
    %dma_start3A_865 = tpu.memref_slice %arg17[%dma_start3A_859, %dma_start3A_860, %dma_start3A_864] : memref<2x4x128xi32, #tpu.memory_space<vmem>> -> memref<1x1x128xi32, #tpu.memory_space<vmem>>
    %dma_start3A_866 = tpu.memref_squeeze %dma_start3A_865 : memref<1x1x128xi32, #tpu.memory_space<vmem>> -> memref<128xi32, #tpu.memory_space<vmem>>
    %dma_start3A_867 = arith.constant 0 : i32
    %dma_start3A_868 = arith.constant 0 : i32
    %dma_start3A_869 = tpu.memref_slice %arg7[%dma_start3A_867, %dma_start3A_868] : memref<100000x48xf32, #tpu.memory_space<hbm>> -> memref<100000x48xf32, #tpu.memory_space<hbm>>
    tpu.enqueue_indirect_dma source(%dma_start3A_869 : memref<100000x48xf32, #tpu.memory_space<hbm>>) target(%dma_start3A_863 : memref<128x48xf32, #tpu.memory_space<vmem>>) offsets(%dma_start3A_866 : memref<128xi32, #tpu.memory_space<vmem>>) semaphore(%arg24 : memref<!tpu.dma_semaphore, #tpu.memory_space<semaphore_mem>>)
    %dma_start3A_870 = arith.constant 1 : i32
    %dma_start3A_871 = arith.constant 3 : i32
    %dma_start3A_872 = arith.constant 384 : i32
    %dma_start3A_873 = arith.constant 0 : i32
    %dma_start3A_874 = tpu.memref_slice %arg21[%dma_start3A_872, %dma_start3A_873] : memref<512x48xf32, #tpu.memory_space<vmem>> -> memref<128x48xf32, #tpu.memory_space<vmem>>
    %dma_start3A_875 = arith.constant 0 : i32
    %dma_start3A_876 = tpu.memref_slice %arg17[%dma_start3A_870, %dma_start3A_871, %dma_start3A_875] : memref<2x4x128xi32, #tpu.memory_space<vmem>> -> memref<1x1x128xi32, #tpu.memory_space<vmem>>
    %dma_start3A_877 = tpu.memref_squeeze %dma_start3A_876 : memref<1x1x128xi32, #tpu.memory_space<vmem>> -> memref<128xi32, #tpu.memory_space<vmem>>
    %dma_start3A_878 = arith.constant 0 : i32
    %dma_start3A_879 = arith.constant 0 : i32
    %dma_start3A_880 = tpu.memref_slice %arg7[%dma_start3A_878, %dma_start3A_879] : memref<100000x48xf32, #tpu.memory_space<hbm>> -> memref<100000x48xf32, #tpu.memory_space<hbm>>
    tpu.enqueue_indirect_dma source(%dma_start3A_880 : memref<100000x48xf32, #tpu.memory_space<hbm>>) target(%dma_start3A_874 : memref<128x48xf32, #tpu.memory_space<vmem>>) offsets(%dma_start3A_877 : memref<128xi32, #tpu.memory_space<vmem>>) semaphore(%arg24 : memref<!tpu.dma_semaphore, #tpu.memory_space<semaphore_mem>>)
    %dma_start3A_881 = arith.constant 3 : i32
    %dma_start3A_882 = arith.constant 384 : i32
    %dma_start3A_883 = arith.constant 0 : i32
    %dma_start3A_884 = tpu.memref_slice %arg22[%dma_start3A_882, %dma_start3A_883] : memref<512x16xf32, #tpu.memory_space<vmem>> -> memref<128x16xf32, #tpu.memory_space<vmem>>
    %dma_start3A_885 = arith.constant 0 : i32
    %dma_start3A_886 = tpu.memref_slice %arg16[%dma_start3A_881, %dma_start3A_885] : memref<4x128xi32, #tpu.memory_space<vmem>> -> memref<1x128xi32, #tpu.memory_space<vmem>>
    %dma_start3A_887 = tpu.memref_squeeze %dma_start3A_886 : memref<1x128xi32, #tpu.memory_space<vmem>> -> memref<128xi32, #tpu.memory_space<vmem>>
    %dma_start3A_888 = arith.constant 0 : i32
    %dma_start3A_889 = arith.constant 0 : i32
    %dma_start3A_890 = tpu.memref_slice %arg9[%dma_start3A_888, %dma_start3A_889] : memref<1000x16xf32, #tpu.memory_space<hbm>> -> memref<1000x16xf32, #tpu.memory_space<hbm>>
    tpu.enqueue_indirect_dma source(%dma_start3A_890 : memref<1000x16xf32, #tpu.memory_space<hbm>>) target(%dma_start3A_884 : memref<128x16xf32, #tpu.memory_space<vmem>>) offsets(%dma_start3A_887 : memref<128xi32, #tpu.memory_space<vmem>>) semaphore(%arg24 : memref<!tpu.dma_semaphore, #tpu.memory_space<semaphore_mem>>)
    %dma_start3A_891 = arith.constant 0 : i32
    %dma_start3A_892 = arith.constant 0 : i32
    %dma_start3A_893 = arith.constant 0 : i32
    %dma_start3A_894 = arith.constant 0 : i32
    %dma_start3A_895 = tpu.memref_slice %arg23[%dma_start3A_893, %dma_start3A_894] : memref<512x48xf32, #tpu.memory_space<vmem>> -> memref<128x48xf32, #tpu.memory_space<vmem>>
    %dma_start3A_896 = arith.constant 0 : i32
    %dma_start3A_897 = tpu.memref_slice %arg18[%dma_start3A_891, %dma_start3A_892, %dma_start3A_896] : memref<20x4x128xi32, #tpu.memory_space<vmem>> -> memref<1x1x128xi32, #tpu.memory_space<vmem>>
    %dma_start3A_898 = tpu.memref_squeeze %dma_start3A_897 : memref<1x1x128xi32, #tpu.memory_space<vmem>> -> memref<128xi32, #tpu.memory_space<vmem>>
    %dma_start3A_899 = arith.constant 0 : i32
    %dma_start3A_900 = arith.constant 0 : i32
    %dma_start3A_901 = tpu.memref_slice %arg8[%dma_start3A_899, %dma_start3A_900] : memref<1000x48xf32, #tpu.memory_space<hbm>> -> memref<1000x48xf32, #tpu.memory_space<hbm>>
    tpu.enqueue_indirect_dma source(%dma_start3A_901 : memref<1000x48xf32, #tpu.memory_space<hbm>>) target(%dma_start3A_895 : memref<128x48xf32, #tpu.memory_space<vmem>>) offsets(%dma_start3A_898 : memref<128xi32, #tpu.memory_space<vmem>>) semaphore(%arg25 : memref<!tpu.dma_semaphore, #tpu.memory_space<semaphore_mem>>)
    %dma_start3A_902 = arith.constant 0 : i32
    %dma_start3A_903 = arith.constant 1 : i32
    %dma_start3A_904 = arith.constant 128 : i32
    %dma_start3A_905 = arith.constant 0 : i32
    %dma_start3A_906 = tpu.memref_slice %arg23[%dma_start3A_904, %dma_start3A_905] : memref<512x48xf32, #tpu.memory_space<vmem>> -> memref<128x48xf32, #tpu.memory_space<vmem>>
    %dma_start3A_907 = arith.constant 0 : i32
    %dma_start3A_908 = tpu.memref_slice %arg18[%dma_start3A_902, %dma_start3A_903, %dma_start3A_907] : memref<20x4x128xi32, #tpu.memory_space<vmem>> -> memref<1x1x128xi32, #tpu.memory_space<vmem>>
    %dma_start3A_909 = tpu.memref_squeeze %dma_start3A_908 : memref<1x1x128xi32, #tpu.memory_space<vmem>> -> memref<128xi32, #tpu.memory_space<vmem>>
    %dma_start3A_910 = arith.constant 0 : i32
    %dma_start3A_911 = arith.constant 0 : i32
    %dma_start3A_912 = tpu.memref_slice %arg8[%dma_start3A_910, %dma_start3A_911] : memref<1000x48xf32, #tpu.memory_space<hbm>> -> memref<1000x48xf32, #tpu.memory_space<hbm>>
    tpu.enqueue_indirect_dma source(%dma_start3A_912 : memref<1000x48xf32, #tpu.memory_space<hbm>>) target(%dma_start3A_906 : memref<128x48xf32, #tpu.memory_space<vmem>>) offsets(%dma_start3A_909 : memref<128xi32, #tpu.memory_space<vmem>>) semaphore(%arg25 : memref<!tpu.dma_semaphore, #tpu.memory_space<semaphore_mem>>)
    %dma_start3A_913 = arith.constant 0 : i32
    %dma_start3A_914 = arith.constant 2 : i32
    %dma_start3A_915 = arith.constant 256 : i32
    %dma_start3A_916 = arith.constant 0 : i32
    %dma_start3A_917 = tpu.memref_slice %arg23[%dma_start3A_915, %dma_start3A_916] : memref<512x48xf32, #tpu.memory_space<vmem>> -> memref<128x48xf32, #tpu.memory_space<vmem>>
    %dma_start3A_918 = arith.constant 0 : i32
    %dma_start3A_919 = tpu.memref_slice %arg18[%dma_start3A_913, %dma_start3A_914, %dma_start3A_918] : memref<20x4x128xi32, #tpu.memory_space<vmem>> -> memref<1x1x128xi32, #tpu.memory_space<vmem>>
    %dma_start3A_920 = tpu.memref_squeeze %dma_start3A_919 : memref<1x1x128xi32, #tpu.memory_space<vmem>> -> memref<128xi32, #tpu.memory_space<vmem>>
    %dma_start3A_921 = arith.constant 0 : i32
    %dma_start3A_922 = arith.constant 0 : i32
    %dma_start3A_923 = tpu.memref_slice %arg8[%dma_start3A_921, %dma_start3A_922] : memref<1000x48xf32, #tpu.memory_space<hbm>> -> memref<1000x48xf32, #tpu.memory_space<hbm>>
    tpu.enqueue_indirect_dma source(%dma_start3A_923 : memref<1000x48xf32, #tpu.memory_space<hbm>>) target(%dma_start3A_917 : memref<128x48xf32, #tpu.memory_space<vmem>>) offsets(%dma_start3A_920 : memref<128xi32, #tpu.memory_space<vmem>>) semaphore(%arg25 : memref<!tpu.dma_semaphore, #tpu.memory_space<semaphore_mem>>)
    %dma_start3A_924 = arith.constant 0 : i32
    %dma_start3A_925 = arith.constant 3 : i32
    %dma_start3A_926 = arith.constant 384 : i32
    %dma_start3A_927 = arith.constant 0 : i32
    %dma_start3A_928 = tpu.memref_slice %arg23[%dma_start3A_926, %dma_start3A_927] : memref<512x48xf32, #tpu.memory_space<vmem>> -> memref<128x48xf32, #tpu.memory_space<vmem>>
    %dma_start3A_929 = arith.constant 0 : i32
    %dma_start3A_930 = tpu.memref_slice %arg18[%dma_start3A_924, %dma_start3A_925, %dma_start3A_929] : memref<20x4x128xi32, #tpu.memory_space<vmem>> -> memref<1x1x128xi32, #tpu.memory_space<vmem>>
    %dma_start3A_931 = tpu.memref_squeeze %dma_start3A_930 : memref<1x1x128xi32, #tpu.memory_space<vmem>> -> memref<128xi32, #tpu.memory_space<vmem>>
    %dma_start3A_932 = arith.constant 0 : i32
    %dma_start3A_933 = arith.constant 0 : i32
    %dma_start3A_934 = tpu.memref_slice %arg8[%dma_start3A_932, %dma_start3A_933] : memref<1000x48xf32, #tpu.memory_space<hbm>> -> memref<1000x48xf32, #tpu.memory_space<hbm>>
    tpu.enqueue_indirect_dma source(%dma_start3A_934 : memref<1000x48xf32, #tpu.memory_space<hbm>>) target(%dma_start3A_928 : memref<128x48xf32, #tpu.memory_space<vmem>>) offsets(%dma_start3A_931 : memref<128xi32, #tpu.memory_space<vmem>>) semaphore(%arg25 : memref<!tpu.dma_semaphore, #tpu.memory_space<semaphore_mem>>)
    %dma_wait3A_935 = arith.constant 0 : i32
    %dma_wait3A_936 = arith.constant 0 : i32
    %dma_wait3A_937 = arith.constant 0 : i32
    %dma_wait3A_938 = arith.constant 0 : i32
    %dma_wait3A_939 = tpu.memref_slice %arg23[%dma_wait3A_937, %dma_wait3A_938] : memref<512x48xf32, #tpu.memory_space<vmem>> -> memref<128x48xf32, #tpu.memory_space<vmem>>
    %dma_wait3A_940 = arith.constant 0 : i32
    %dma_wait3A_941 = tpu.memref_slice %arg18[%dma_wait3A_935, %dma_wait3A_936, %dma_wait3A_940] : memref<20x4x128xi32, #tpu.memory_space<vmem>> -> memref<1x1x128xi32, #tpu.memory_space<vmem>>
    %dma_wait3A_942 = tpu.memref_squeeze %dma_wait3A_941 : memref<1x1x128xi32, #tpu.memory_space<vmem>> -> memref<128xi32, #tpu.memory_space<vmem>>
    %dma_wait3A_943 = arith.constant 0 : i32
    %dma_wait3A_944 = arith.constant 0 : i32
    %dma_wait3A_945 = tpu.memref_slice %arg8[%dma_wait3A_943, %dma_wait3A_944] : memref<1000x48xf32, #tpu.memory_space<hbm>> -> memref<1000x48xf32, #tpu.memory_space<hbm>>
    tpu.wait_indirect_dma semaphore(%arg25 : memref<!tpu.dma_semaphore, #tpu.memory_space<semaphore_mem>>) src(%dma_wait3A_945 : memref<1000x48xf32, #tpu.memory_space<hbm>>) dst(%dma_wait3A_939 : memref<128x48xf32, #tpu.memory_space<vmem>>)
    %dma_wait3A_946 = arith.constant 0 : i32
    %dma_wait3A_947 = arith.constant 1 : i32
    %dma_wait3A_948 = arith.constant 128 : i32
    %dma_wait3A_949 = arith.constant 0 : i32
    %dma_wait3A_950 = tpu.memref_slice %arg23[%dma_wait3A_948, %dma_wait3A_949] : memref<512x48xf32, #tpu.memory_space<vmem>> -> memref<128x48xf32, #tpu.memory_space<vmem>>
    %dma_wait3A_951 = arith.constant 0 : i32
    %dma_wait3A_952 = tpu.memref_slice %arg18[%dma_wait3A_946, %dma_wait3A_947, %dma_wait3A_951] : memref<20x4x128xi32, #tpu.memory_space<vmem>> -> memref<1x1x128xi32, #tpu.memory_space<vmem>>
    %dma_wait3A_953 = tpu.memref_squeeze %dma_wait3A_952 : memref<1x1x128xi32, #tpu.memory_space<vmem>> -> memref<128xi32, #tpu.memory_space<vmem>>
    %dma_wait3A_954 = arith.constant 0 : i32
    %dma_wait3A_955 = arith.constant 0 : i32
    %dma_wait3A_956 = tpu.memref_slice %arg8[%dma_wait3A_954, %dma_wait3A_955] : memref<1000x48xf32, #tpu.memory_space<hbm>> -> memref<1000x48xf32, #tpu.memory_space<hbm>>
    tpu.wait_indirect_dma semaphore(%arg25 : memref<!tpu.dma_semaphore, #tpu.memory_space<semaphore_mem>>) src(%dma_wait3A_956 : memref<1000x48xf32, #tpu.memory_space<hbm>>) dst(%dma_wait3A_950 : memref<128x48xf32, #tpu.memory_space<vmem>>)
    %dma_wait3A_957 = arith.constant 0 : i32
    %dma_wait3A_958 = arith.constant 2 : i32
    %dma_wait3A_959 = arith.constant 256 : i32
    %dma_wait3A_960 = arith.constant 0 : i32
    %dma_wait3A_961 = tpu.memref_slice %arg23[%dma_wait3A_959, %dma_wait3A_960] : memref<512x48xf32, #tpu.memory_space<vmem>> -> memref<128x48xf32, #tpu.memory_space<vmem>>
    %dma_wait3A_962 = arith.constant 0 : i32
    %dma_wait3A_963 = tpu.memref_slice %arg18[%dma_wait3A_957, %dma_wait3A_958, %dma_wait3A_962] : memref<20x4x128xi32, #tpu.memory_space<vmem>> -> memref<1x1x128xi32, #tpu.memory_space<vmem>>
    %dma_wait3A_964 = tpu.memref_squeeze %dma_wait3A_963 : memref<1x1x128xi32, #tpu.memory_space<vmem>> -> memref<128xi32, #tpu.memory_space<vmem>>
    %dma_wait3A_965 = arith.constant 0 : i32
    %dma_wait3A_966 = arith.constant 0 : i32
    %dma_wait3A_967 = tpu.memref_slice %arg8[%dma_wait3A_965, %dma_wait3A_966] : memref<1000x48xf32, #tpu.memory_space<hbm>> -> memref<1000x48xf32, #tpu.memory_space<hbm>>
    tpu.wait_indirect_dma semaphore(%arg25 : memref<!tpu.dma_semaphore, #tpu.memory_space<semaphore_mem>>) src(%dma_wait3A_967 : memref<1000x48xf32, #tpu.memory_space<hbm>>) dst(%dma_wait3A_961 : memref<128x48xf32, #tpu.memory_space<vmem>>)
    %dma_wait3A_968 = arith.constant 0 : i32
    %dma_wait3A_969 = arith.constant 3 : i32
    %dma_wait3A_970 = arith.constant 384 : i32
    %dma_wait3A_971 = arith.constant 0 : i32
    %dma_wait3A_972 = tpu.memref_slice %arg23[%dma_wait3A_970, %dma_wait3A_971] : memref<512x48xf32, #tpu.memory_space<vmem>> -> memref<128x48xf32, #tpu.memory_space<vmem>>
    %dma_wait3A_973 = arith.constant 0 : i32
    %dma_wait3A_974 = tpu.memref_slice %arg18[%dma_wait3A_968, %dma_wait3A_969, %dma_wait3A_973] : memref<20x4x128xi32, #tpu.memory_space<vmem>> -> memref<1x1x128xi32, #tpu.memory_space<vmem>>
    %dma_wait3A_975 = tpu.memref_squeeze %dma_wait3A_974 : memref<1x1x128xi32, #tpu.memory_space<vmem>> -> memref<128xi32, #tpu.memory_space<vmem>>
    %dma_wait3A_976 = arith.constant 0 : i32
    %dma_wait3A_977 = arith.constant 0 : i32
    %dma_wait3A_978 = tpu.memref_slice %arg8[%dma_wait3A_976, %dma_wait3A_977] : memref<1000x48xf32, #tpu.memory_space<hbm>> -> memref<1000x48xf32, #tpu.memory_space<hbm>>
    tpu.wait_indirect_dma semaphore(%arg25 : memref<!tpu.dma_semaphore, #tpu.memory_space<semaphore_mem>>) src(%dma_wait3A_978 : memref<1000x48xf32, #tpu.memory_space<hbm>>) dst(%dma_wait3A_972 : memref<128x48xf32, #tpu.memory_space<vmem>>)
    %scan3A = arith.constant 0 : i32
    %scan3A_979 = arith.constant 1 : i32
    %scan3A_980 = arith.constant 19 : i32
    %scan3A_981 = arith.addi %scan3A_979, %scan3A_980 : i32
    %scan3A_982 = arith.constant 1 : i32
    scf.for %scan3A_1298 = %scan3A_979 to %scan3A_981 step %scan3A_982  : i32 {
      %dma_start3A_1299 = arith.constant 0 : i32
      %dma_start3A_1300 = arith.constant 0 : i32
      %dma_start3A_1301 = arith.constant 0 : i32
      %dma_start3A_1302 = tpu.memref_slice %arg23[%dma_start3A_1300, %dma_start3A_1301] : memref<512x48xf32, #tpu.memory_space<vmem>> -> memref<128x48xf32, #tpu.memory_space<vmem>>
      %dma_start3A_1303 = arith.constant 0 : i32
      %dma_start3A_1304 = tpu.memref_slice %arg18[%scan3A_1298, %dma_start3A_1299, %dma_start3A_1303] : memref<20x4x128xi32, #tpu.memory_space<vmem>> -> memref<1x1x128xi32, #tpu.memory_space<vmem>>
      %dma_start3A_1305 = tpu.memref_squeeze %dma_start3A_1304 : memref<1x1x128xi32, #tpu.memory_space<vmem>> -> memref<128xi32, #tpu.memory_space<vmem>>
      %dma_start3A_1306 = arith.constant 0 : i32
      %dma_start3A_1307 = arith.constant 0 : i32
      %dma_start3A_1308 = tpu.memref_slice %arg8[%dma_start3A_1306, %dma_start3A_1307] : memref<1000x48xf32, #tpu.memory_space<hbm>> -> memref<1000x48xf32, #tpu.memory_space<hbm>>
      tpu.enqueue_indirect_dma source(%dma_start3A_1308 : memref<1000x48xf32, #tpu.memory_space<hbm>>) target(%dma_start3A_1302 : memref<128x48xf32, #tpu.memory_space<vmem>>) offsets(%dma_start3A_1305 : memref<128xi32, #tpu.memory_space<vmem>>) semaphore(%arg25 : memref<!tpu.dma_semaphore, #tpu.memory_space<semaphore_mem>>) {add = true}
      %dma_start3A_1309 = arith.constant 1 : i32
      %dma_start3A_1310 = arith.constant 128 : i32
      %dma_start3A_1311 = arith.constant 0 : i32
      %dma_start3A_1312 = tpu.memref_slice %arg23[%dma_start3A_1310, %dma_start3A_1311] : memref<512x48xf32, #tpu.memory_space<vmem>> -> memref<128x48xf32, #tpu.memory_space<vmem>>
      %dma_start3A_1313 = arith.constant 0 : i32
      %dma_start3A_1314 = tpu.memref_slice %arg18[%scan3A_1298, %dma_start3A_1309, %dma_start3A_1313] : memref<20x4x128xi32, #tpu.memory_space<vmem>> -> memref<1x1x128xi32, #tpu.memory_space<vmem>>
      %dma_start3A_1315 = tpu.memref_squeeze %dma_start3A_1314 : memref<1x1x128xi32, #tpu.memory_space<vmem>> -> memref<128xi32, #tpu.memory_space<vmem>>
      %dma_start3A_1316 = arith.constant 0 : i32
      %dma_start3A_1317 = arith.constant 0 : i32
      %dma_start3A_1318 = tpu.memref_slice %arg8[%dma_start3A_1316, %dma_start3A_1317] : memref<1000x48xf32, #tpu.memory_space<hbm>> -> memref<1000x48xf32, #tpu.memory_space<hbm>>
      tpu.enqueue_indirect_dma source(%dma_start3A_1318 : memref<1000x48xf32, #tpu.memory_space<hbm>>) target(%dma_start3A_1312 : memref<128x48xf32, #tpu.memory_space<vmem>>) offsets(%dma_start3A_1315 : memref<128xi32, #tpu.memory_space<vmem>>) semaphore(%arg25 : memref<!tpu.dma_semaphore, #tpu.memory_space<semaphore_mem>>) {add = true}
      %dma_start3A_1319 = arith.constant 2 : i32
      %dma_start3A_1320 = arith.constant 256 : i32
      %dma_start3A_1321 = arith.constant 0 : i32
      %dma_start3A_1322 = tpu.memref_slice %arg23[%dma_start3A_1320, %dma_start3A_1321] : memref<512x48xf32, #tpu.memory_space<vmem>> -> memref<128x48xf32, #tpu.memory_space<vmem>>
      %dma_start3A_1323 = arith.constant 0 : i32
      %dma_start3A_1324 = tpu.memref_slice %arg18[%scan3A_1298, %dma_start3A_1319, %dma_start3A_1323] : memref<20x4x128xi32, #tpu.memory_space<vmem>> -> memref<1x1x128xi32, #tpu.memory_space<vmem>>
      %dma_start3A_1325 = tpu.memref_squeeze %dma_start3A_1324 : memref<1x1x128xi32, #tpu.memory_space<vmem>> -> memref<128xi32, #tpu.memory_space<vmem>>
      %dma_start3A_1326 = arith.constant 0 : i32
      %dma_start3A_1327 = arith.constant 0 : i32
      %dma_start3A_1328 = tpu.memref_slice %arg8[%dma_start3A_1326, %dma_start3A_1327] : memref<1000x48xf32, #tpu.memory_space<hbm>> -> memref<1000x48xf32, #tpu.memory_space<hbm>>
      tpu.enqueue_indirect_dma source(%dma_start3A_1328 : memref<1000x48xf32, #tpu.memory_space<hbm>>) target(%dma_start3A_1322 : memref<128x48xf32, #tpu.memory_space<vmem>>) offsets(%dma_start3A_1325 : memref<128xi32, #tpu.memory_space<vmem>>) semaphore(%arg25 : memref<!tpu.dma_semaphore, #tpu.memory_space<semaphore_mem>>) {add = true}
      %dma_start3A_1329 = arith.constant 3 : i32
      %dma_start3A_1330 = arith.constant 384 : i32
      %dma_start3A_1331 = arith.constant 0 : i32
      %dma_start3A_1332 = tpu.memref_slice %arg23[%dma_start3A_1330, %dma_start3A_1331] : memref<512x48xf32, #tpu.memory_space<vmem>> -> memref<128x48xf32, #tpu.memory_space<vmem>>
      %dma_start3A_1333 = arith.constant 0 : i32
      %dma_start3A_1334 = tpu.memref_slice %arg18[%scan3A_1298, %dma_start3A_1329, %dma_start3A_1333] : memref<20x4x128xi32, #tpu.memory_space<vmem>> -> memref<1x1x128xi32, #tpu.memory_space<vmem>>
      %dma_start3A_1335 = tpu.memref_squeeze %dma_start3A_1334 : memref<1x1x128xi32, #tpu.memory_space<vmem>> -> memref<128xi32, #tpu.memory_space<vmem>>
      %dma_start3A_1336 = arith.constant 0 : i32
      %dma_start3A_1337 = arith.constant 0 : i32
      %dma_start3A_1338 = tpu.memref_slice %arg8[%dma_start3A_1336, %dma_start3A_1337] : memref<1000x48xf32, #tpu.memory_space<hbm>> -> memref<1000x48xf32, #tpu.memory_space<hbm>>
      tpu.enqueue_indirect_dma source(%dma_start3A_1338 : memref<1000x48xf32, #tpu.memory_space<hbm>>) target(%dma_start3A_1332 : memref<128x48xf32, #tpu.memory_space<vmem>>) offsets(%dma_start3A_1335 : memref<128xi32, #tpu.memory_space<vmem>>) semaphore(%arg25 : memref<!tpu.dma_semaphore, #tpu.memory_space<semaphore_mem>>) {add = true}
    }
    %scan3A_983 = arith.constant 19 : i32
    %dma_wait3A_984 = arith.constant 0 : i32
    %dma_wait3A_985 = arith.constant 0 : i32
    %dma_wait3A_986 = arith.constant 0 : i32
    %dma_wait3A_987 = tpu.memref_slice %arg19[%dma_wait3A_985, %dma_wait3A_986] : memref<512x32xf32, #tpu.memory_space<vmem>> -> memref<128x32xf32, #tpu.memory_space<vmem>>
    %dma_wait3A_988 = arith.constant 0 : i32
    %dma_wait3A_989 = tpu.memref_slice %arg15[%dma_wait3A_984, %dma_wait3A_988] : memref<4x128xi32, #tpu.memory_space<vmem>> -> memref<1x128xi32, #tpu.memory_space<vmem>>
    %dma_wait3A_990 = tpu.memref_squeeze %dma_wait3A_989 : memref<1x128xi32, #tpu.memory_space<vmem>> -> memref<128xi32, #tpu.memory_space<vmem>>
    %dma_wait3A_991 = arith.constant 0 : i32
    %dma_wait3A_992 = arith.constant 0 : i32
    %dma_wait3A_993 = tpu.memref_slice %arg6[%dma_wait3A_991, %dma_wait3A_992] : memref<100000x32xf32, #tpu.memory_space<hbm>> -> memref<100000x32xf32, #tpu.memory_space<hbm>>
    tpu.wait_indirect_dma semaphore(%arg24 : memref<!tpu.dma_semaphore, #tpu.memory_space<semaphore_mem>>) src(%dma_wait3A_993 : memref<100000x32xf32, #tpu.memory_space<hbm>>) dst(%dma_wait3A_987 : memref<128x32xf32, #tpu.memory_space<vmem>>)
    %dma_wait3A_994 = arith.constant 0 : i32
    %dma_wait3A_995 = arith.constant 0 : i32
    %dma_wait3A_996 = arith.constant 0 : i32
    %dma_wait3A_997 = arith.constant 0 : i32
    %dma_wait3A_998 = tpu.memref_slice %arg20[%dma_wait3A_996, %dma_wait3A_997] : memref<512x48xf32, #tpu.memory_space<vmem>> -> memref<128x48xf32, #tpu.memory_space<vmem>>
    %dma_wait3A_999 = arith.constant 0 : i32
    %dma_wait3A_1000 = tpu.memref_slice %arg17[%dma_wait3A_994, %dma_wait3A_995, %dma_wait3A_999] : memref<2x4x128xi32, #tpu.memory_space<vmem>> -> memref<1x1x128xi32, #tpu.memory_space<vmem>>
    %dma_wait3A_1001 = tpu.memref_squeeze %dma_wait3A_1000 : memref<1x1x128xi32, #tpu.memory_space<vmem>> -> memref<128xi32, #tpu.memory_space<vmem>>
    %dma_wait3A_1002 = arith.constant 0 : i32
    %dma_wait3A_1003 = arith.constant 0 : i32
    %dma_wait3A_1004 = tpu.memref_slice %arg7[%dma_wait3A_1002, %dma_wait3A_1003] : memref<100000x48xf32, #tpu.memory_space<hbm>> -> memref<100000x48xf32, #tpu.memory_space<hbm>>
    tpu.wait_indirect_dma semaphore(%arg24 : memref<!tpu.dma_semaphore, #tpu.memory_space<semaphore_mem>>) src(%dma_wait3A_1004 : memref<100000x48xf32, #tpu.memory_space<hbm>>) dst(%dma_wait3A_998 : memref<128x48xf32, #tpu.memory_space<vmem>>)
    %dma_wait3A_1005 = arith.constant 1 : i32
    %dma_wait3A_1006 = arith.constant 0 : i32
    %dma_wait3A_1007 = arith.constant 0 : i32
    %dma_wait3A_1008 = arith.constant 0 : i32
    %dma_wait3A_1009 = tpu.memref_slice %arg21[%dma_wait3A_1007, %dma_wait3A_1008] : memref<512x48xf32, #tpu.memory_space<vmem>> -> memref<128x48xf32, #tpu.memory_space<vmem>>
    %dma_wait3A_1010 = arith.constant 0 : i32
    %dma_wait3A_1011 = tpu.memref_slice %arg17[%dma_wait3A_1005, %dma_wait3A_1006, %dma_wait3A_1010] : memref<2x4x128xi32, #tpu.memory_space<vmem>> -> memref<1x1x128xi32, #tpu.memory_space<vmem>>
    %dma_wait3A_1012 = tpu.memref_squeeze %dma_wait3A_1011 : memref<1x1x128xi32, #tpu.memory_space<vmem>> -> memref<128xi32, #tpu.memory_space<vmem>>
    %dma_wait3A_1013 = arith.constant 0 : i32
    %dma_wait3A_1014 = arith.constant 0 : i32
    %dma_wait3A_1015 = tpu.memref_slice %arg7[%dma_wait3A_1013, %dma_wait3A_1014] : memref<100000x48xf32, #tpu.memory_space<hbm>> -> memref<100000x48xf32, #tpu.memory_space<hbm>>
    tpu.wait_indirect_dma semaphore(%arg24 : memref<!tpu.dma_semaphore, #tpu.memory_space<semaphore_mem>>) src(%dma_wait3A_1015 : memref<100000x48xf32, #tpu.memory_space<hbm>>) dst(%dma_wait3A_1009 : memref<128x48xf32, #tpu.memory_space<vmem>>)
    %dma_wait3A_1016 = arith.constant 0 : i32
    %dma_wait3A_1017 = arith.constant 0 : i32
    %dma_wait3A_1018 = arith.constant 0 : i32
    %dma_wait3A_1019 = tpu.memref_slice %arg22[%dma_wait3A_1017, %dma_wait3A_1018] : memref<512x16xf32, #tpu.memory_space<vmem>> -> memref<128x16xf32, #tpu.memory_space<vmem>>
    %dma_wait3A_1020 = arith.constant 0 : i32
    %dma_wait3A_1021 = tpu.memref_slice %arg16[%dma_wait3A_1016, %dma_wait3A_1020] : memref<4x128xi32, #tpu.memory_space<vmem>> -> memref<1x128xi32, #tpu.memory_space<vmem>>
    %dma_wait3A_1022 = tpu.memref_squeeze %dma_wait3A_1021 : memref<1x128xi32, #tpu.memory_space<vmem>> -> memref<128xi32, #tpu.memory_space<vmem>>
    %dma_wait3A_1023 = arith.constant 0 : i32
    %dma_wait3A_1024 = arith.constant 0 : i32
    %dma_wait3A_1025 = tpu.memref_slice %arg9[%dma_wait3A_1023, %dma_wait3A_1024] : memref<1000x16xf32, #tpu.memory_space<hbm>> -> memref<1000x16xf32, #tpu.memory_space<hbm>>
    tpu.wait_indirect_dma semaphore(%arg24 : memref<!tpu.dma_semaphore, #tpu.memory_space<semaphore_mem>>) src(%dma_wait3A_1025 : memref<1000x16xf32, #tpu.memory_space<hbm>>) dst(%dma_wait3A_1019 : memref<128x16xf32, #tpu.memory_space<vmem>>)
    %dma_wait3A_1026 = arith.constant 1 : i32
    %dma_wait3A_1027 = arith.constant 128 : i32
    %dma_wait3A_1028 = arith.constant 0 : i32
    %dma_wait3A_1029 = tpu.memref_slice %arg19[%dma_wait3A_1027, %dma_wait3A_1028] : memref<512x32xf32, #tpu.memory_space<vmem>> -> memref<128x32xf32, #tpu.memory_space<vmem>>
    %dma_wait3A_1030 = arith.constant 0 : i32
    %dma_wait3A_1031 = tpu.memref_slice %arg15[%dma_wait3A_1026, %dma_wait3A_1030] : memref<4x128xi32, #tpu.memory_space<vmem>> -> memref<1x128xi32, #tpu.memory_space<vmem>>
    %dma_wait3A_1032 = tpu.memref_squeeze %dma_wait3A_1031 : memref<1x128xi32, #tpu.memory_space<vmem>> -> memref<128xi32, #tpu.memory_space<vmem>>
    %dma_wait3A_1033 = arith.constant 0 : i32
    %dma_wait3A_1034 = arith.constant 0 : i32
    %dma_wait3A_1035 = tpu.memref_slice %arg6[%dma_wait3A_1033, %dma_wait3A_1034] : memref<100000x32xf32, #tpu.memory_space<hbm>> -> memref<100000x32xf32, #tpu.memory_space<hbm>>
    tpu.wait_indirect_dma semaphore(%arg24 : memref<!tpu.dma_semaphore, #tpu.memory_space<semaphore_mem>>) src(%dma_wait3A_1035 : memref<100000x32xf32, #tpu.memory_space<hbm>>) dst(%dma_wait3A_1029 : memref<128x32xf32, #tpu.memory_space<vmem>>)
    %dma_wait3A_1036 = arith.constant 0 : i32
    %dma_wait3A_1037 = arith.constant 1 : i32
    %dma_wait3A_1038 = arith.constant 128 : i32
    %dma_wait3A_1039 = arith.constant 0 : i32
    %dma_wait3A_1040 = tpu.memref_slice %arg20[%dma_wait3A_1038, %dma_wait3A_1039] : memref<512x48xf32, #tpu.memory_space<vmem>> -> memref<128x48xf32, #tpu.memory_space<vmem>>
    %dma_wait3A_1041 = arith.constant 0 : i32
    %dma_wait3A_1042 = tpu.memref_slice %arg17[%dma_wait3A_1036, %dma_wait3A_1037, %dma_wait3A_1041] : memref<2x4x128xi32, #tpu.memory_space<vmem>> -> memref<1x1x128xi32, #tpu.memory_space<vmem>>
    %dma_wait3A_1043 = tpu.memref_squeeze %dma_wait3A_1042 : memref<1x1x128xi32, #tpu.memory_space<vmem>> -> memref<128xi32, #tpu.memory_space<vmem>>
    %dma_wait3A_1044 = arith.constant 0 : i32
    %dma_wait3A_1045 = arith.constant 0 : i32
    %dma_wait3A_1046 = tpu.memref_slice %arg7[%dma_wait3A_1044, %dma_wait3A_1045] : memref<100000x48xf32, #tpu.memory_space<hbm>> -> memref<100000x48xf32, #tpu.memory_space<hbm>>
    tpu.wait_indirect_dma semaphore(%arg24 : memref<!tpu.dma_semaphore, #tpu.memory_space<semaphore_mem>>) src(%dma_wait3A_1046 : memref<100000x48xf32, #tpu.memory_space<hbm>>) dst(%dma_wait3A_1040 : memref<128x48xf32, #tpu.memory_space<vmem>>)
    %dma_wait3A_1047 = arith.constant 1 : i32
    %dma_wait3A_1048 = arith.constant 1 : i32
    %dma_wait3A_1049 = arith.constant 128 : i32
    %dma_wait3A_1050 = arith.constant 0 : i32
    %dma_wait3A_1051 = tpu.memref_slice %arg21[%dma_wait3A_1049, %dma_wait3A_1050] : memref<512x48xf32, #tpu.memory_space<vmem>> -> memref<128x48xf32, #tpu.memory_space<vmem>>
    %dma_wait3A_1052 = arith.constant 0 : i32
    %dma_wait3A_1053 = tpu.memref_slice %arg17[%dma_wait3A_1047, %dma_wait3A_1048, %dma_wait3A_1052] : memref<2x4x128xi32, #tpu.memory_space<vmem>> -> memref<1x1x128xi32, #tpu.memory_space<vmem>>
    %dma_wait3A_1054 = tpu.memref_squeeze %dma_wait3A_1053 : memref<1x1x128xi32, #tpu.memory_space<vmem>> -> memref<128xi32, #tpu.memory_space<vmem>>
    %dma_wait3A_1055 = arith.constant 0 : i32
    %dma_wait3A_1056 = arith.constant 0 : i32
    %dma_wait3A_1057 = tpu.memref_slice %arg7[%dma_wait3A_1055, %dma_wait3A_1056] : memref<100000x48xf32, #tpu.memory_space<hbm>> -> memref<100000x48xf32, #tpu.memory_space<hbm>>
    tpu.wait_indirect_dma semaphore(%arg24 : memref<!tpu.dma_semaphore, #tpu.memory_space<semaphore_mem>>) src(%dma_wait3A_1057 : memref<100000x48xf32, #tpu.memory_space<hbm>>) dst(%dma_wait3A_1051 : memref<128x48xf32, #tpu.memory_space<vmem>>)
    %dma_wait3A_1058 = arith.constant 1 : i32
    %dma_wait3A_1059 = arith.constant 128 : i32
    %dma_wait3A_1060 = arith.constant 0 : i32
    %dma_wait3A_1061 = tpu.memref_slice %arg22[%dma_wait3A_1059, %dma_wait3A_1060] : memref<512x16xf32, #tpu.memory_space<vmem>> -> memref<128x16xf32, #tpu.memory_space<vmem>>
    %dma_wait3A_1062 = arith.constant 0 : i32
    %dma_wait3A_1063 = tpu.memref_slice %arg16[%dma_wait3A_1058, %dma_wait3A_1062] : memref<4x128xi32, #tpu.memory_space<vmem>> -> memref<1x128xi32, #tpu.memory_space<vmem>>
    %dma_wait3A_1064 = tpu.memref_squeeze %dma_wait3A_1063 : memref<1x128xi32, #tpu.memory_space<vmem>> -> memref<128xi32, #tpu.memory_space<vmem>>
    %dma_wait3A_1065 = arith.constant 0 : i32
    %dma_wait3A_1066 = arith.constant 0 : i32
    %dma_wait3A_1067 = tpu.memref_slice %arg9[%dma_wait3A_1065, %dma_wait3A_1066] : memref<1000x16xf32, #tpu.memory_space<hbm>> -> memref<1000x16xf32, #tpu.memory_space<hbm>>
    tpu.wait_indirect_dma semaphore(%arg24 : memref<!tpu.dma_semaphore, #tpu.memory_space<semaphore_mem>>) src(%dma_wait3A_1067 : memref<1000x16xf32, #tpu.memory_space<hbm>>) dst(%dma_wait3A_1061 : memref<128x16xf32, #tpu.memory_space<vmem>>)
    %dma_wait3A_1068 = arith.constant 2 : i32
    %dma_wait3A_1069 = arith.constant 256 : i32
    %dma_wait3A_1070 = arith.constant 0 : i32
    %dma_wait3A_1071 = tpu.memref_slice %arg19[%dma_wait3A_1069, %dma_wait3A_1070] : memref<512x32xf32, #tpu.memory_space<vmem>> -> memref<128x32xf32, #tpu.memory_space<vmem>>
    %dma_wait3A_1072 = arith.constant 0 : i32
    %dma_wait3A_1073 = tpu.memref_slice %arg15[%dma_wait3A_1068, %dma_wait3A_1072] : memref<4x128xi32, #tpu.memory_space<vmem>> -> memref<1x128xi32, #tpu.memory_space<vmem>>
    %dma_wait3A_1074 = tpu.memref_squeeze %dma_wait3A_1073 : memref<1x128xi32, #tpu.memory_space<vmem>> -> memref<128xi32, #tpu.memory_space<vmem>>
    %dma_wait3A_1075 = arith.constant 0 : i32
    %dma_wait3A_1076 = arith.constant 0 : i32
    %dma_wait3A_1077 = tpu.memref_slice %arg6[%dma_wait3A_1075, %dma_wait3A_1076] : memref<100000x32xf32, #tpu.memory_space<hbm>> -> memref<100000x32xf32, #tpu.memory_space<hbm>>
    tpu.wait_indirect_dma semaphore(%arg24 : memref<!tpu.dma_semaphore, #tpu.memory_space<semaphore_mem>>) src(%dma_wait3A_1077 : memref<100000x32xf32, #tpu.memory_space<hbm>>) dst(%dma_wait3A_1071 : memref<128x32xf32, #tpu.memory_space<vmem>>)
    %dma_wait3A_1078 = arith.constant 0 : i32
    %dma_wait3A_1079 = arith.constant 2 : i32
    %dma_wait3A_1080 = arith.constant 256 : i32
    %dma_wait3A_1081 = arith.constant 0 : i32
    %dma_wait3A_1082 = tpu.memref_slice %arg20[%dma_wait3A_1080, %dma_wait3A_1081] : memref<512x48xf32, #tpu.memory_space<vmem>> -> memref<128x48xf32, #tpu.memory_space<vmem>>
    %dma_wait3A_1083 = arith.constant 0 : i32
    %dma_wait3A_1084 = tpu.memref_slice %arg17[%dma_wait3A_1078, %dma_wait3A_1079, %dma_wait3A_1083] : memref<2x4x128xi32, #tpu.memory_space<vmem>> -> memref<1x1x128xi32, #tpu.memory_space<vmem>>
    %dma_wait3A_1085 = tpu.memref_squeeze %dma_wait3A_1084 : memref<1x1x128xi32, #tpu.memory_space<vmem>> -> memref<128xi32, #tpu.memory_space<vmem>>
    %dma_wait3A_1086 = arith.constant 0 : i32
    %dma_wait3A_1087 = arith.constant 0 : i32
    %dma_wait3A_1088 = tpu.memref_slice %arg7[%dma_wait3A_1086, %dma_wait3A_1087] : memref<100000x48xf32, #tpu.memory_space<hbm>> -> memref<100000x48xf32, #tpu.memory_space<hbm>>
    tpu.wait_indirect_dma semaphore(%arg24 : memref<!tpu.dma_semaphore, #tpu.memory_space<semaphore_mem>>) src(%dma_wait3A_1088 : memref<100000x48xf32, #tpu.memory_space<hbm>>) dst(%dma_wait3A_1082 : memref<128x48xf32, #tpu.memory_space<vmem>>)
    %dma_wait3A_1089 = arith.constant 1 : i32
    %dma_wait3A_1090 = arith.constant 2 : i32
    %dma_wait3A_1091 = arith.constant 256 : i32
    %dma_wait3A_1092 = arith.constant 0 : i32
    %dma_wait3A_1093 = tpu.memref_slice %arg21[%dma_wait3A_1091, %dma_wait3A_1092] : memref<512x48xf32, #tpu.memory_space<vmem>> -> memref<128x48xf32, #tpu.memory_space<vmem>>
    %dma_wait3A_1094 = arith.constant 0 : i32
    %dma_wait3A_1095 = tpu.memref_slice %arg17[%dma_wait3A_1089, %dma_wait3A_1090, %dma_wait3A_1094] : memref<2x4x128xi32, #tpu.memory_space<vmem>> -> memref<1x1x128xi32, #tpu.memory_space<vmem>>
    %dma_wait3A_1096 = tpu.memref_squeeze %dma_wait3A_1095 : memref<1x1x128xi32, #tpu.memory_space<vmem>> -> memref<128xi32, #tpu.memory_space<vmem>>
    %dma_wait3A_1097 = arith.constant 0 : i32
    %dma_wait3A_1098 = arith.constant 0 : i32
    %dma_wait3A_1099 = tpu.memref_slice %arg7[%dma_wait3A_1097, %dma_wait3A_1098] : memref<100000x48xf32, #tpu.memory_space<hbm>> -> memref<100000x48xf32, #tpu.memory_space<hbm>>
    tpu.wait_indirect_dma semaphore(%arg24 : memref<!tpu.dma_semaphore, #tpu.memory_space<semaphore_mem>>) src(%dma_wait3A_1099 : memref<100000x48xf32, #tpu.memory_space<hbm>>) dst(%dma_wait3A_1093 : memref<128x48xf32, #tpu.memory_space<vmem>>)
    %dma_wait3A_1100 = arith.constant 2 : i32
    %dma_wait3A_1101 = arith.constant 256 : i32
    %dma_wait3A_1102 = arith.constant 0 : i32
    %dma_wait3A_1103 = tpu.memref_slice %arg22[%dma_wait3A_1101, %dma_wait3A_1102] : memref<512x16xf32, #tpu.memory_space<vmem>> -> memref<128x16xf32, #tpu.memory_space<vmem>>
    %dma_wait3A_1104 = arith.constant 0 : i32
    %dma_wait3A_1105 = tpu.memref_slice %arg16[%dma_wait3A_1100, %dma_wait3A_1104] : memref<4x128xi32, #tpu.memory_space<vmem>> -> memref<1x128xi32, #tpu.memory_space<vmem>>
    %dma_wait3A_1106 = tpu.memref_squeeze %dma_wait3A_1105 : memref<1x128xi32, #tpu.memory_space<vmem>> -> memref<128xi32, #tpu.memory_space<vmem>>
    %dma_wait3A_1107 = arith.constant 0 : i32
    %dma_wait3A_1108 = arith.constant 0 : i32
    %dma_wait3A_1109 = tpu.memref_slice %arg9[%dma_wait3A_1107, %dma_wait3A_1108] : memref<1000x16xf32, #tpu.memory_space<hbm>> -> memref<1000x16xf32, #tpu.memory_space<hbm>>
    tpu.wait_indirect_dma semaphore(%arg24 : memref<!tpu.dma_semaphore, #tpu.memory_space<semaphore_mem>>) src(%dma_wait3A_1109 : memref<1000x16xf32, #tpu.memory_space<hbm>>) dst(%dma_wait3A_1103 : memref<128x16xf32, #tpu.memory_space<vmem>>)
    %dma_wait3A_1110 = arith.constant 3 : i32
    %dma_wait3A_1111 = arith.constant 384 : i32
    %dma_wait3A_1112 = arith.constant 0 : i32
    %dma_wait3A_1113 = tpu.memref_slice %arg19[%dma_wait3A_1111, %dma_wait3A_1112] : memref<512x32xf32, #tpu.memory_space<vmem>> -> memref<128x32xf32, #tpu.memory_space<vmem>>
    %dma_wait3A_1114 = arith.constant 0 : i32
    %dma_wait3A_1115 = tpu.memref_slice %arg15[%dma_wait3A_1110, %dma_wait3A_1114] : memref<4x128xi32, #tpu.memory_space<vmem>> -> memref<1x128xi32, #tpu.memory_space<vmem>>
    %dma_wait3A_1116 = tpu.memref_squeeze %dma_wait3A_1115 : memref<1x128xi32, #tpu.memory_space<vmem>> -> memref<128xi32, #tpu.memory_space<vmem>>
    %dma_wait3A_1117 = arith.constant 0 : i32
    %dma_wait3A_1118 = arith.constant 0 : i32
    %dma_wait3A_1119 = tpu.memref_slice %arg6[%dma_wait3A_1117, %dma_wait3A_1118] : memref<100000x32xf32, #tpu.memory_space<hbm>> -> memref<100000x32xf32, #tpu.memory_space<hbm>>
    tpu.wait_indirect_dma semaphore(%arg24 : memref<!tpu.dma_semaphore, #tpu.memory_space<semaphore_mem>>) src(%dma_wait3A_1119 : memref<100000x32xf32, #tpu.memory_space<hbm>>) dst(%dma_wait3A_1113 : memref<128x32xf32, #tpu.memory_space<vmem>>)
    %dma_wait3A_1120 = arith.constant 0 : i32
    %dma_wait3A_1121 = arith.constant 3 : i32
    %dma_wait3A_1122 = arith.constant 384 : i32
    %dma_wait3A_1123 = arith.constant 0 : i32
    %dma_wait3A_1124 = tpu.memref_slice %arg20[%dma_wait3A_1122, %dma_wait3A_1123] : memref<512x48xf32, #tpu.memory_space<vmem>> -> memref<128x48xf32, #tpu.memory_space<vmem>>
    %dma_wait3A_1125 = arith.constant 0 : i32
    %dma_wait3A_1126 = tpu.memref_slice %arg17[%dma_wait3A_1120, %dma_wait3A_1121, %dma_wait3A_1125] : memref<2x4x128xi32, #tpu.memory_space<vmem>> -> memref<1x1x128xi32, #tpu.memory_space<vmem>>
    %dma_wait3A_1127 = tpu.memref_squeeze %dma_wait3A_1126 : memref<1x1x128xi32, #tpu.memory_space<vmem>> -> memref<128xi32, #tpu.memory_space<vmem>>
    %dma_wait3A_1128 = arith.constant 0 : i32
    %dma_wait3A_1129 = arith.constant 0 : i32
    %dma_wait3A_1130 = tpu.memref_slice %arg7[%dma_wait3A_1128, %dma_wait3A_1129] : memref<100000x48xf32, #tpu.memory_space<hbm>> -> memref<100000x48xf32, #tpu.memory_space<hbm>>
    tpu.wait_indirect_dma semaphore(%arg24 : memref<!tpu.dma_semaphore, #tpu.memory_space<semaphore_mem>>) src(%dma_wait3A_1130 : memref<100000x48xf32, #tpu.memory_space<hbm>>) dst(%dma_wait3A_1124 : memref<128x48xf32, #tpu.memory_space<vmem>>)
    %dma_wait3A_1131 = arith.constant 1 : i32
    %dma_wait3A_1132 = arith.constant 3 : i32
    %dma_wait3A_1133 = arith.constant 384 : i32
    %dma_wait3A_1134 = arith.constant 0 : i32
    %dma_wait3A_1135 = tpu.memref_slice %arg21[%dma_wait3A_1133, %dma_wait3A_1134] : memref<512x48xf32, #tpu.memory_space<vmem>> -> memref<128x48xf32, #tpu.memory_space<vmem>>
    %dma_wait3A_1136 = arith.constant 0 : i32
    %dma_wait3A_1137 = tpu.memref_slice %arg17[%dma_wait3A_1131, %dma_wait3A_1132, %dma_wait3A_1136] : memref<2x4x128xi32, #tpu.memory_space<vmem>> -> memref<1x1x128xi32, #tpu.memory_space<vmem>>
    %dma_wait3A_1138 = tpu.memref_squeeze %dma_wait3A_1137 : memref<1x1x128xi32, #tpu.memory_space<vmem>> -> memref<128xi32, #tpu.memory_space<vmem>>
    %dma_wait3A_1139 = arith.constant 0 : i32
    %dma_wait3A_1140 = arith.constant 0 : i32
    %dma_wait3A_1141 = tpu.memref_slice %arg7[%dma_wait3A_1139, %dma_wait3A_1140] : memref<100000x48xf32, #tpu.memory_space<hbm>> -> memref<100000x48xf32, #tpu.memory_space<hbm>>
    tpu.wait_indirect_dma semaphore(%arg24 : memref<!tpu.dma_semaphore, #tpu.memory_space<semaphore_mem>>) src(%dma_wait3A_1141 : memref<100000x48xf32, #tpu.memory_space<hbm>>) dst(%dma_wait3A_1135 : memref<128x48xf32, #tpu.memory_space<vmem>>)
    %dma_wait3A_1142 = arith.constant 3 : i32
    %dma_wait3A_1143 = arith.constant 384 : i32
    %dma_wait3A_1144 = arith.constant 0 : i32
    %dma_wait3A_1145 = tpu.memref_slice %arg22[%dma_wait3A_1143, %dma_wait3A_1144] : memref<512x16xf32, #tpu.memory_space<vmem>> -> memref<128x16xf32, #tpu.memory_space<vmem>>
    %dma_wait3A_1146 = arith.constant 0 : i32
    %dma_wait3A_1147 = tpu.memref_slice %arg16[%dma_wait3A_1142, %dma_wait3A_1146] : memref<4x128xi32, #tpu.memory_space<vmem>> -> memref<1x128xi32, #tpu.memory_space<vmem>>
    %dma_wait3A_1148 = tpu.memref_squeeze %dma_wait3A_1147 : memref<1x128xi32, #tpu.memory_space<vmem>> -> memref<128xi32, #tpu.memory_space<vmem>>
    %dma_wait3A_1149 = arith.constant 0 : i32
    %dma_wait3A_1150 = arith.constant 0 : i32
    %dma_wait3A_1151 = tpu.memref_slice %arg9[%dma_wait3A_1149, %dma_wait3A_1150] : memref<1000x16xf32, #tpu.memory_space<hbm>> -> memref<1000x16xf32, #tpu.memory_space<hbm>>
    tpu.wait_indirect_dma semaphore(%arg24 : memref<!tpu.dma_semaphore, #tpu.memory_space<semaphore_mem>>) src(%dma_wait3A_1151 : memref<1000x16xf32, #tpu.memory_space<hbm>>) dst(%dma_wait3A_1145 : memref<128x16xf32, #tpu.memory_space<vmem>>)
    %dma_start3A_1152 = arith.constant 0 : i32
    %dma_start3A_1153 = tpu.memref_slice %arg10[%mul3A_4, %dma_start3A_1152] : memref<16384x32xf32, #tpu.memory_space<hbm>> -> memref<512x32xf32, #tpu.memory_space<hbm>>
    %dma_start3A_1154 = arith.constant 0 : i32
    %dma_start3A_1155 = tpu.memref_slice %arg10[%mul3A_4, %dma_start3A_1154] : memref<16384x32xf32, #tpu.memory_space<hbm>> -> memref<512x32xf32, #tpu.memory_space<hbm>>
    tpu.enqueue_dma source(%arg19 : memref<512x32xf32, #tpu.memory_space<vmem>>) target(%dma_start3A_1155 : memref<512x32xf32, #tpu.memory_space<hbm>>) target_semaphore(%arg26 : memref<!tpu.dma_semaphore, #tpu.memory_space<semaphore_mem>>)
    %dma_start3A_1156 = arith.constant 0 : i32
    %dma_start3A_1157 = tpu.memref_slice %arg11[%mul3A_4, %dma_start3A_1156] : memref<16384x48xf32, #tpu.memory_space<hbm>> -> memref<512x48xf32, #tpu.memory_space<hbm>>
    %dma_start3A_1158 = arith.constant 0 : i32
    %dma_start3A_1159 = tpu.memref_slice %arg11[%mul3A_4, %dma_start3A_1158] : memref<16384x48xf32, #tpu.memory_space<hbm>> -> memref<512x48xf32, #tpu.memory_space<hbm>>
    tpu.enqueue_dma source(%arg20 : memref<512x48xf32, #tpu.memory_space<vmem>>) target(%dma_start3A_1159 : memref<512x48xf32, #tpu.memory_space<hbm>>) target_semaphore(%arg26 : memref<!tpu.dma_semaphore, #tpu.memory_space<semaphore_mem>>)
    %dma_start3A_1160 = arith.constant 0 : i32
    %dma_start3A_1161 = tpu.memref_slice %arg12[%mul3A_4, %dma_start3A_1160] : memref<16384x48xf32, #tpu.memory_space<hbm>> -> memref<512x48xf32, #tpu.memory_space<hbm>>
    %dma_start3A_1162 = arith.constant 0 : i32
    %dma_start3A_1163 = tpu.memref_slice %arg12[%mul3A_4, %dma_start3A_1162] : memref<16384x48xf32, #tpu.memory_space<hbm>> -> memref<512x48xf32, #tpu.memory_space<hbm>>
    tpu.enqueue_dma source(%arg21 : memref<512x48xf32, #tpu.memory_space<vmem>>) target(%dma_start3A_1163 : memref<512x48xf32, #tpu.memory_space<hbm>>) target_semaphore(%arg26 : memref<!tpu.dma_semaphore, #tpu.memory_space<semaphore_mem>>)
    %dma_start3A_1164 = arith.constant 0 : i32
    %dma_start3A_1165 = tpu.memref_slice %arg14[%mul3A_4, %dma_start3A_1164] : memref<16384x16xf32, #tpu.memory_space<hbm>> -> memref<512x16xf32, #tpu.memory_space<hbm>>
    %dma_start3A_1166 = arith.constant 0 : i32
    %dma_start3A_1167 = tpu.memref_slice %arg14[%mul3A_4, %dma_start3A_1166] : memref<16384x16xf32, #tpu.memory_space<hbm>> -> memref<512x16xf32, #tpu.memory_space<hbm>>
    tpu.enqueue_dma source(%arg22 : memref<512x16xf32, #tpu.memory_space<vmem>>) target(%dma_start3A_1167 : memref<512x16xf32, #tpu.memory_space<hbm>>) target_semaphore(%arg26 : memref<!tpu.dma_semaphore, #tpu.memory_space<semaphore_mem>>)
    %dma_wait3A_1168 = arith.constant 0 : i32
    %dma_wait3A_1169 = arith.constant 0 : i32
    %dma_wait3A_1170 = tpu.memref_slice %arg8[%dma_wait3A_1168, %dma_wait3A_1169] : memref<1000x48xf32, #tpu.memory_space<hbm>> -> memref<512x48xf32, #tpu.memory_space<hbm>>
    %dma_wait3A_1171 = arith.constant 0 : i32
    %dma_wait3A_1172 = arith.constant 0 : i32
    %dma_wait3A_1173 = tpu.memref_slice %arg8[%dma_wait3A_1171, %dma_wait3A_1172] : memref<1000x48xf32, #tpu.memory_space<hbm>> -> memref<512x48xf32, #tpu.memory_space<hbm>>
    tpu.wait_dma2 semaphore(%arg25 : memref<!tpu.dma_semaphore, #tpu.memory_space<semaphore_mem>>) src(%dma_wait3A_1173 : memref<512x48xf32, #tpu.memory_space<hbm>>) dst(%arg23 : memref<512x48xf32, #tpu.memory_space<vmem>>)
    %dma_wait3A_1174 = arith.constant 0 : i32
    %dma_wait3A_1175 = arith.constant 0 : i32
    %dma_wait3A_1176 = tpu.memref_slice %arg8[%dma_wait3A_1174, %dma_wait3A_1175] : memref<1000x48xf32, #tpu.memory_space<hbm>> -> memref<512x48xf32, #tpu.memory_space<hbm>>
    %dma_wait3A_1177 = arith.constant 0 : i32
    %dma_wait3A_1178 = arith.constant 0 : i32
    %dma_wait3A_1179 = tpu.memref_slice %arg8[%dma_wait3A_1177, %dma_wait3A_1178] : memref<1000x48xf32, #tpu.memory_space<hbm>> -> memref<512x48xf32, #tpu.memory_space<hbm>>
    tpu.wait_dma2 semaphore(%arg25 : memref<!tpu.dma_semaphore, #tpu.memory_space<semaphore_mem>>) src(%dma_wait3A_1179 : memref<512x48xf32, #tpu.memory_space<hbm>>) dst(%arg23 : memref<512x48xf32, #tpu.memory_space<vmem>>)
    %dma_wait3A_1180 = arith.constant 0 : i32
    %dma_wait3A_1181 = arith.constant 0 : i32
    %dma_wait3A_1182 = tpu.memref_slice %arg8[%dma_wait3A_1180, %dma_wait3A_1181] : memref<1000x48xf32, #tpu.memory_space<hbm>> -> memref<512x48xf32, #tpu.memory_space<hbm>>
    %dma_wait3A_1183 = arith.constant 0 : i32
    %dma_wait3A_1184 = arith.constant 0 : i32
    %dma_wait3A_1185 = tpu.memref_slice %arg8[%dma_wait3A_1183, %dma_wait3A_1184] : memref<1000x48xf32, #tpu.memory_space<hbm>> -> memref<512x48xf32, #tpu.memory_space<hbm>>
    tpu.wait_dma2 semaphore(%arg25 : memref<!tpu.dma_semaphore, #tpu.memory_space<semaphore_mem>>) src(%dma_wait3A_1185 : memref<512x48xf32, #tpu.memory_space<hbm>>) dst(%arg23 : memref<512x48xf32, #tpu.memory_space<vmem>>)
    %dma_wait3A_1186 = arith.constant 0 : i32
    %dma_wait3A_1187 = arith.constant 0 : i32
    %dma_wait3A_1188 = tpu.memref_slice %arg8[%dma_wait3A_1186, %dma_wait3A_1187] : memref<1000x48xf32, #tpu.memory_space<hbm>> -> memref<512x48xf32, #tpu.memory_space<hbm>>
    %dma_wait3A_1189 = arith.constant 0 : i32
    %dma_wait3A_1190 = arith.constant 0 : i32
    %dma_wait3A_1191 = tpu.memref_slice %arg8[%dma_wait3A_1189, %dma_wait3A_1190] : memref<1000x48xf32, #tpu.memory_space<hbm>> -> memref<512x48xf32, #tpu.memory_space<hbm>>
    tpu.wait_dma2 semaphore(%arg25 : memref<!tpu.dma_semaphore, #tpu.memory_space<semaphore_mem>>) src(%dma_wait3A_1191 : memref<512x48xf32, #tpu.memory_space<hbm>>) dst(%arg23 : memref<512x48xf32, #tpu.memory_space<vmem>>)
    %dma_wait3A_1192 = arith.constant 0 : i32
    %dma_wait3A_1193 = arith.constant 0 : i32
    %dma_wait3A_1194 = tpu.memref_slice %arg8[%dma_wait3A_1192, %dma_wait3A_1193] : memref<1000x48xf32, #tpu.memory_space<hbm>> -> memref<512x48xf32, #tpu.memory_space<hbm>>
    %dma_wait3A_1195 = arith.constant 0 : i32
    %dma_wait3A_1196 = arith.constant 0 : i32
    %dma_wait3A_1197 = tpu.memref_slice %arg8[%dma_wait3A_1195, %dma_wait3A_1196] : memref<1000x48xf32, #tpu.memory_space<hbm>> -> memref<512x48xf32, #tpu.memory_space<hbm>>
    tpu.wait_dma2 semaphore(%arg25 : memref<!tpu.dma_semaphore, #tpu.memory_space<semaphore_mem>>) src(%dma_wait3A_1197 : memref<512x48xf32, #tpu.memory_space<hbm>>) dst(%arg23 : memref<512x48xf32, #tpu.memory_space<vmem>>)
    %dma_wait3A_1198 = arith.constant 0 : i32
    %dma_wait3A_1199 = arith.constant 0 : i32
    %dma_wait3A_1200 = tpu.memref_slice %arg8[%dma_wait3A_1198, %dma_wait3A_1199] : memref<1000x48xf32, #tpu.memory_space<hbm>> -> memref<512x48xf32, #tpu.memory_space<hbm>>
    %dma_wait3A_1201 = arith.constant 0 : i32
    %dma_wait3A_1202 = arith.constant 0 : i32
    %dma_wait3A_1203 = tpu.memref_slice %arg8[%dma_wait3A_1201, %dma_wait3A_1202] : memref<1000x48xf32, #tpu.memory_space<hbm>> -> memref<512x48xf32, #tpu.memory_space<hbm>>
    tpu.wait_dma2 semaphore(%arg25 : memref<!tpu.dma_semaphore, #tpu.memory_space<semaphore_mem>>) src(%dma_wait3A_1203 : memref<512x48xf32, #tpu.memory_space<hbm>>) dst(%arg23 : memref<512x48xf32, #tpu.memory_space<vmem>>)
    %dma_wait3A_1204 = arith.constant 0 : i32
    %dma_wait3A_1205 = arith.constant 0 : i32
    %dma_wait3A_1206 = tpu.memref_slice %arg8[%dma_wait3A_1204, %dma_wait3A_1205] : memref<1000x48xf32, #tpu.memory_space<hbm>> -> memref<512x48xf32, #tpu.memory_space<hbm>>
    %dma_wait3A_1207 = arith.constant 0 : i32
    %dma_wait3A_1208 = arith.constant 0 : i32
    %dma_wait3A_1209 = tpu.memref_slice %arg8[%dma_wait3A_1207, %dma_wait3A_1208] : memref<1000x48xf32, #tpu.memory_space<hbm>> -> memref<512x48xf32, #tpu.memory_space<hbm>>
    tpu.wait_dma2 semaphore(%arg25 : memref<!tpu.dma_semaphore, #tpu.memory_space<semaphore_mem>>) src(%dma_wait3A_1209 : memref<512x48xf32, #tpu.memory_space<hbm>>) dst(%arg23 : memref<512x48xf32, #tpu.memory_space<vmem>>)
    %dma_wait3A_1210 = arith.constant 0 : i32
    %dma_wait3A_1211 = arith.constant 0 : i32
    %dma_wait3A_1212 = tpu.memref_slice %arg8[%dma_wait3A_1210, %dma_wait3A_1211] : memref<1000x48xf32, #tpu.memory_space<hbm>> -> memref<512x48xf32, #tpu.memory_space<hbm>>
    %dma_wait3A_1213 = arith.constant 0 : i32
    %dma_wait3A_1214 = arith.constant 0 : i32
    %dma_wait3A_1215 = tpu.memref_slice %arg8[%dma_wait3A_1213, %dma_wait3A_1214] : memref<1000x48xf32, #tpu.memory_space<hbm>> -> memref<512x48xf32, #tpu.memory_space<hbm>>
    tpu.wait_dma2 semaphore(%arg25 : memref<!tpu.dma_semaphore, #tpu.memory_space<semaphore_mem>>) src(%dma_wait3A_1215 : memref<512x48xf32, #tpu.memory_space<hbm>>) dst(%arg23 : memref<512x48xf32, #tpu.memory_space<vmem>>)
    %dma_wait3A_1216 = arith.constant 0 : i32
    %dma_wait3A_1217 = arith.constant 0 : i32
    %dma_wait3A_1218 = tpu.memref_slice %arg8[%dma_wait3A_1216, %dma_wait3A_1217] : memref<1000x48xf32, #tpu.memory_space<hbm>> -> memref<512x48xf32, #tpu.memory_space<hbm>>
    %dma_wait3A_1219 = arith.constant 0 : i32
    %dma_wait3A_1220 = arith.constant 0 : i32
    %dma_wait3A_1221 = tpu.memref_slice %arg8[%dma_wait3A_1219, %dma_wait3A_1220] : memref<1000x48xf32, #tpu.memory_space<hbm>> -> memref<512x48xf32, #tpu.memory_space<hbm>>
    tpu.wait_dma2 semaphore(%arg25 : memref<!tpu.dma_semaphore, #tpu.memory_space<semaphore_mem>>) src(%dma_wait3A_1221 : memref<512x48xf32, #tpu.memory_space<hbm>>) dst(%arg23 : memref<512x48xf32, #tpu.memory_space<vmem>>)
    %dma_wait3A_1222 = arith.constant 0 : i32
    %dma_wait3A_1223 = arith.constant 0 : i32
    %dma_wait3A_1224 = tpu.memref_slice %arg8[%dma_wait3A_1222, %dma_wait3A_1223] : memref<1000x48xf32, #tpu.memory_space<hbm>> -> memref<512x48xf32, #tpu.memory_space<hbm>>
    %dma_wait3A_1225 = arith.constant 0 : i32
    %dma_wait3A_1226 = arith.constant 0 : i32
    %dma_wait3A_1227 = tpu.memref_slice %arg8[%dma_wait3A_1225, %dma_wait3A_1226] : memref<1000x48xf32, #tpu.memory_space<hbm>> -> memref<512x48xf32, #tpu.memory_space<hbm>>
    tpu.wait_dma2 semaphore(%arg25 : memref<!tpu.dma_semaphore, #tpu.memory_space<semaphore_mem>>) src(%dma_wait3A_1227 : memref<512x48xf32, #tpu.memory_space<hbm>>) dst(%arg23 : memref<512x48xf32, #tpu.memory_space<vmem>>)
    %dma_wait3A_1228 = arith.constant 0 : i32
    %dma_wait3A_1229 = arith.constant 0 : i32
    %dma_wait3A_1230 = tpu.memref_slice %arg8[%dma_wait3A_1228, %dma_wait3A_1229] : memref<1000x48xf32, #tpu.memory_space<hbm>> -> memref<512x48xf32, #tpu.memory_space<hbm>>
    %dma_wait3A_1231 = arith.constant 0 : i32
    %dma_wait3A_1232 = arith.constant 0 : i32
    %dma_wait3A_1233 = tpu.memref_slice %arg8[%dma_wait3A_1231, %dma_wait3A_1232] : memref<1000x48xf32, #tpu.memory_space<hbm>> -> memref<512x48xf32, #tpu.memory_space<hbm>>
    tpu.wait_dma2 semaphore(%arg25 : memref<!tpu.dma_semaphore, #tpu.memory_space<semaphore_mem>>) src(%dma_wait3A_1233 : memref<512x48xf32, #tpu.memory_space<hbm>>) dst(%arg23 : memref<512x48xf32, #tpu.memory_space<vmem>>)
    %dma_wait3A_1234 = arith.constant 0 : i32
    %dma_wait3A_1235 = arith.constant 0 : i32
    %dma_wait3A_1236 = tpu.memref_slice %arg8[%dma_wait3A_1234, %dma_wait3A_1235] : memref<1000x48xf32, #tpu.memory_space<hbm>> -> memref<512x48xf32, #tpu.memory_space<hbm>>
    %dma_wait3A_1237 = arith.constant 0 : i32
    %dma_wait3A_1238 = arith.constant 0 : i32
    %dma_wait3A_1239 = tpu.memref_slice %arg8[%dma_wait3A_1237, %dma_wait3A_1238] : memref<1000x48xf32, #tpu.memory_space<hbm>> -> memref<512x48xf32, #tpu.memory_space<hbm>>
    tpu.wait_dma2 semaphore(%arg25 : memref<!tpu.dma_semaphore, #tpu.memory_space<semaphore_mem>>) src(%dma_wait3A_1239 : memref<512x48xf32, #tpu.memory_space<hbm>>) dst(%arg23 : memref<512x48xf32, #tpu.memory_space<vmem>>)
    %dma_wait3A_1240 = arith.constant 0 : i32
    %dma_wait3A_1241 = arith.constant 0 : i32
    %dma_wait3A_1242 = tpu.memref_slice %arg8[%dma_wait3A_1240, %dma_wait3A_1241] : memref<1000x48xf32, #tpu.memory_space<hbm>> -> memref<512x48xf32, #tpu.memory_space<hbm>>
    %dma_wait3A_1243 = arith.constant 0 : i32
    %dma_wait3A_1244 = arith.constant 0 : i32
    %dma_wait3A_1245 = tpu.memref_slice %arg8[%dma_wait3A_1243, %dma_wait3A_1244] : memref<1000x48xf32, #tpu.memory_space<hbm>> -> memref<512x48xf32, #tpu.memory_space<hbm>>
    tpu.wait_dma2 semaphore(%arg25 : memref<!tpu.dma_semaphore, #tpu.memory_space<semaphore_mem>>) src(%dma_wait3A_1245 : memref<512x48xf32, #tpu.memory_space<hbm>>) dst(%arg23 : memref<512x48xf32, #tpu.memory_space<vmem>>)
    %dma_wait3A_1246 = arith.constant 0 : i32
    %dma_wait3A_1247 = arith.constant 0 : i32
    %dma_wait3A_1248 = tpu.memref_slice %arg8[%dma_wait3A_1246, %dma_wait3A_1247] : memref<1000x48xf32, #tpu.memory_space<hbm>> -> memref<512x48xf32, #tpu.memory_space<hbm>>
    %dma_wait3A_1249 = arith.constant 0 : i32
    %dma_wait3A_1250 = arith.constant 0 : i32
    %dma_wait3A_1251 = tpu.memref_slice %arg8[%dma_wait3A_1249, %dma_wait3A_1250] : memref<1000x48xf32, #tpu.memory_space<hbm>> -> memref<512x48xf32, #tpu.memory_space<hbm>>
    tpu.wait_dma2 semaphore(%arg25 : memref<!tpu.dma_semaphore, #tpu.memory_space<semaphore_mem>>) src(%dma_wait3A_1251 : memref<512x48xf32, #tpu.memory_space<hbm>>) dst(%arg23 : memref<512x48xf32, #tpu.memory_space<vmem>>)
    %dma_wait3A_1252 = arith.constant 0 : i32
    %dma_wait3A_1253 = arith.constant 0 : i32
    %dma_wait3A_1254 = tpu.memref_slice %arg8[%dma_wait3A_1252, %dma_wait3A_1253] : memref<1000x48xf32, #tpu.memory_space<hbm>> -> memref<512x48xf32, #tpu.memory_space<hbm>>
    %dma_wait3A_1255 = arith.constant 0 : i32
    %dma_wait3A_1256 = arith.constant 0 : i32
    %dma_wait3A_1257 = tpu.memref_slice %arg8[%dma_wait3A_1255, %dma_wait3A_1256] : memref<1000x48xf32, #tpu.memory_space<hbm>> -> memref<512x48xf32, #tpu.memory_space<hbm>>
    tpu.wait_dma2 semaphore(%arg25 : memref<!tpu.dma_semaphore, #tpu.memory_space<semaphore_mem>>) src(%dma_wait3A_1257 : memref<512x48xf32, #tpu.memory_space<hbm>>) dst(%arg23 : memref<512x48xf32, #tpu.memory_space<vmem>>)
    %dma_wait3A_1258 = arith.constant 0 : i32
    %dma_wait3A_1259 = arith.constant 0 : i32
    %dma_wait3A_1260 = tpu.memref_slice %arg8[%dma_wait3A_1258, %dma_wait3A_1259] : memref<1000x48xf32, #tpu.memory_space<hbm>> -> memref<512x48xf32, #tpu.memory_space<hbm>>
    %dma_wait3A_1261 = arith.constant 0 : i32
    %dma_wait3A_1262 = arith.constant 0 : i32
    %dma_wait3A_1263 = tpu.memref_slice %arg8[%dma_wait3A_1261, %dma_wait3A_1262] : memref<1000x48xf32, #tpu.memory_space<hbm>> -> memref<512x48xf32, #tpu.memory_space<hbm>>
    tpu.wait_dma2 semaphore(%arg25 : memref<!tpu.dma_semaphore, #tpu.memory_space<semaphore_mem>>) src(%dma_wait3A_1263 : memref<512x48xf32, #tpu.memory_space<hbm>>) dst(%arg23 : memref<512x48xf32, #tpu.memory_space<vmem>>)
    %dma_wait3A_1264 = arith.constant 0 : i32
    %dma_wait3A_1265 = arith.constant 0 : i32
    %dma_wait3A_1266 = tpu.memref_slice %arg8[%dma_wait3A_1264, %dma_wait3A_1265] : memref<1000x48xf32, #tpu.memory_space<hbm>> -> memref<512x48xf32, #tpu.memory_space<hbm>>
    %dma_wait3A_1267 = arith.constant 0 : i32
    %dma_wait3A_1268 = arith.constant 0 : i32
    %dma_wait3A_1269 = tpu.memref_slice %arg8[%dma_wait3A_1267, %dma_wait3A_1268] : memref<1000x48xf32, #tpu.memory_space<hbm>> -> memref<512x48xf32, #tpu.memory_space<hbm>>
    tpu.wait_dma2 semaphore(%arg25 : memref<!tpu.dma_semaphore, #tpu.memory_space<semaphore_mem>>) src(%dma_wait3A_1269 : memref<512x48xf32, #tpu.memory_space<hbm>>) dst(%arg23 : memref<512x48xf32, #tpu.memory_space<vmem>>)
    %dma_wait3A_1270 = arith.constant 0 : i32
    %dma_wait3A_1271 = arith.constant 0 : i32
    %dma_wait3A_1272 = tpu.memref_slice %arg8[%dma_wait3A_1270, %dma_wait3A_1271] : memref<1000x48xf32, #tpu.memory_space<hbm>> -> memref<512x48xf32, #tpu.memory_space<hbm>>
    %dma_wait3A_1273 = arith.constant 0 : i32
    %dma_wait3A_1274 = arith.constant 0 : i32
    %dma_wait3A_1275 = tpu.memref_slice %arg8[%dma_wait3A_1273, %dma_wait3A_1274] : memref<1000x48xf32, #tpu.memory_space<hbm>> -> memref<512x48xf32, #tpu.memory_space<hbm>>
    tpu.wait_dma2 semaphore(%arg25 : memref<!tpu.dma_semaphore, #tpu.memory_space<semaphore_mem>>) src(%dma_wait3A_1275 : memref<512x48xf32, #tpu.memory_space<hbm>>) dst(%arg23 : memref<512x48xf32, #tpu.memory_space<vmem>>)
    %dma_wait3A_1276 = arith.constant 0 : i32
    %dma_wait3A_1277 = arith.constant 0 : i32
    %dma_wait3A_1278 = tpu.memref_slice %arg8[%dma_wait3A_1276, %dma_wait3A_1277] : memref<1000x48xf32, #tpu.memory_space<hbm>> -> memref<512x48xf32, #tpu.memory_space<hbm>>
    %dma_wait3A_1279 = arith.constant 0 : i32
    %dma_wait3A_1280 = arith.constant 0 : i32
    %dma_wait3A_1281 = tpu.memref_slice %arg8[%dma_wait3A_1279, %dma_wait3A_1280] : memref<1000x48xf32, #tpu.memory_space<hbm>> -> memref<512x48xf32, #tpu.memory_space<hbm>>
    tpu.wait_dma2 semaphore(%arg25 : memref<!tpu.dma_semaphore, #tpu.memory_space<semaphore_mem>>) src(%dma_wait3A_1281 : memref<512x48xf32, #tpu.memory_space<hbm>>) dst(%arg23 : memref<512x48xf32, #tpu.memory_space<vmem>>)
    "tpu.region"() ({
      %run_scoped3A = tpu.sem_alloc : memref<!tpu.dma_semaphore, #tpu.memory_space<semaphore_mem>>
      %dma_start3A_1298 = arith.constant 0 : i32
      %dma_start3A_1299 = tpu.memref_slice %arg13[%mul3A_4, %dma_start3A_1298] : memref<16384x48xf32, #tpu.memory_space<hbm>> -> memref<512x48xf32, #tpu.memory_space<hbm>>
      %dma_start3A_1300 = arith.constant 0 : i32
      %dma_start3A_1301 = tpu.memref_slice %arg13[%mul3A_4, %dma_start3A_1300] : memref<16384x48xf32, #tpu.memory_space<hbm>> -> memref<512x48xf32, #tpu.memory_space<hbm>>
      tpu.enqueue_dma source(%arg23 : memref<512x48xf32, #tpu.memory_space<vmem>>) target(%dma_start3A_1301 : memref<512x48xf32, #tpu.memory_space<hbm>>) target_semaphore(%run_scoped3A : memref<!tpu.dma_semaphore, #tpu.memory_space<semaphore_mem>>)
      %dma_wait3A_1302 = arith.constant 0 : i32
      %dma_wait3A_1303 = tpu.memref_slice %arg13[%mul3A_4, %dma_wait3A_1302] : memref<16384x48xf32, #tpu.memory_space<hbm>> -> memref<512x48xf32, #tpu.memory_space<hbm>>
      %dma_wait3A_1304 = arith.constant 0 : i32
      %dma_wait3A_1305 = tpu.memref_slice %arg13[%mul3A_4, %dma_wait3A_1304] : memref<16384x48xf32, #tpu.memory_space<hbm>> -> memref<512x48xf32, #tpu.memory_space<hbm>>
      tpu.wait_dma2 semaphore(%run_scoped3A : memref<!tpu.dma_semaphore, #tpu.memory_space<semaphore_mem>>) src(%arg23 : memref<512x48xf32, #tpu.memory_space<vmem>>) dst(%dma_wait3A_1305 : memref<512x48xf32, #tpu.memory_space<hbm>>)
      tpu.yield
    }) : () -> ()
    %dma_wait3A_1282 = arith.constant 0 : i32
    %dma_wait3A_1283 = tpu.memref_slice %arg10[%mul3A_4, %dma_wait3A_1282] : memref<16384x32xf32, #tpu.memory_space<hbm>> -> memref<512x32xf32, #tpu.memory_space<hbm>>
    %dma_wait3A_1284 = arith.constant 0 : i32
    %dma_wait3A_1285 = tpu.memref_slice %arg10[%mul3A_4, %dma_wait3A_1284] : memref<16384x32xf32, #tpu.memory_space<hbm>> -> memref<512x32xf32, #tpu.memory_space<hbm>>
    tpu.wait_dma2 semaphore(%arg26 : memref<!tpu.dma_semaphore, #tpu.memory_space<semaphore_mem>>) src(%arg19 : memref<512x32xf32, #tpu.memory_space<vmem>>) dst(%dma_wait3A_1285 : memref<512x32xf32, #tpu.memory_space<hbm>>)
    %dma_wait3A_1286 = arith.constant 0 : i32
    %dma_wait3A_1287 = tpu.memref_slice %arg11[%mul3A_4, %dma_wait3A_1286] : memref<16384x48xf32, #tpu.memory_space<hbm>> -> memref<512x48xf32, #tpu.memory_space<hbm>>
    %dma_wait3A_1288 = arith.constant 0 : i32
    %dma_wait3A_1289 = tpu.memref_slice %arg11[%mul3A_4, %dma_wait3A_1288] : memref<16384x48xf32, #tpu.memory_space<hbm>> -> memref<512x48xf32, #tpu.memory_space<hbm>>
    tpu.wait_dma2 semaphore(%arg26 : memref<!tpu.dma_semaphore, #tpu.memory_space<semaphore_mem>>) src(%arg20 : memref<512x48xf32, #tpu.memory_space<vmem>>) dst(%dma_wait3A_1289 : memref<512x48xf32, #tpu.memory_space<hbm>>)
    %dma_wait3A_1290 = arith.constant 0 : i32
    %dma_wait3A_1291 = tpu.memref_slice %arg12[%mul3A_4, %dma_wait3A_1290] : memref<16384x48xf32, #tpu.memory_space<hbm>> -> memref<512x48xf32, #tpu.memory_space<hbm>>
    %dma_wait3A_1292 = arith.constant 0 : i32
    %dma_wait3A_1293 = tpu.memref_slice %arg12[%mul3A_4, %dma_wait3A_1292] : memref<16384x48xf32, #tpu.memory_space<hbm>> -> memref<512x48xf32, #tpu.memory_space<hbm>>
    tpu.wait_dma2 semaphore(%arg26 : memref<!tpu.dma_semaphore, #tpu.memory_space<semaphore_mem>>) src(%arg21 : memref<512x48xf32, #tpu.memory_space<vmem>>) dst(%dma_wait3A_1293 : memref<512x48xf32, #tpu.memory_space<hbm>>)
    %dma_wait3A_1294 = arith.constant 0 : i32
    %dma_wait3A_1295 = tpu.memref_slice %arg14[%mul3A_4, %dma_wait3A_1294] : memref<16384x16xf32, #tpu.memory_space<hbm>> -> memref<512x16xf32, #tpu.memory_space<hbm>>
    %dma_wait3A_1296 = arith.constant 0 : i32
    %dma_wait3A_1297 = tpu.memref_slice %arg14[%mul3A_4, %dma_wait3A_1296] : memref<16384x16xf32, #tpu.memory_space<hbm>> -> memref<512x16xf32, #tpu.memory_space<hbm>>
    tpu.wait_dma2 semaphore(%arg26 : memref<!tpu.dma_semaphore, #tpu.memory_space<semaphore_mem>>) src(%arg22 : memref<512x16xf32, #tpu.memory_space<vmem>>) dst(%dma_wait3A_1297 : memref<512x16xf32, #tpu.memory_space<hbm>>)
    return
  }
}

module attributes {stable_mosaic.version = 14 : i64} {
  func.func @body(%arg0: i32, %arg1: memref<2048x32xf32, #tpu.memory_space<vmem>>, %arg2: memref<2048x48xf32, #tpu.memory_space<vmem>>, %arg3: memref<2048x48xf32, #tpu.memory_space<vmem>>, %arg4: memref<2048x48xf32, #tpu.memory_space<vmem>>, %arg5: memref<2048x16xf32, #tpu.memory_space<vmem>>, %arg6: memref<48x48xf32, #tpu.memory_space<vmem>>, %arg7: memref<48x48xf32, #tpu.memory_space<vmem>>, %arg8: memref<1x48xf32, #tpu.memory_space<vmem>>, %arg9: memref<2048x144xf32, #tpu.memory_space<vmem>>) attributes {dimension_semantics = [#tpu.dimension_semantics<arbitrary>], iteration_bounds = array<i64: 8>, scalar_prefetch = 0 : i64, scratch_operands = 0 : i64, tpu.core_type = #tpu.core_type<tc>, window_params = [{transform_indices = @transform_0, window_bounds = array<i64: 2048, 32>}, {transform_indices = @transform_1, window_bounds = array<i64: 2048, 48>}, {transform_indices = @transform_2, window_bounds = array<i64: 2048, 48>}, {transform_indices = @transform_3, window_bounds = array<i64: 2048, 48>}, {transform_indices = @transform_4, window_bounds = array<i64: 2048, 16>}, {pipeline_mode = #tpu.pipeline_mode<synchronous>, transform_indices = @transform_5, window_bounds = array<i64: 48, 48>}, {pipeline_mode = #tpu.pipeline_mode<synchronous>, transform_indices = @transform_6, window_bounds = array<i64: 48, 48>}, {pipeline_mode = #tpu.pipeline_mode<synchronous>, transform_indices = @transform_7, window_bounds = array<i64: 1, 48>}, {transform_indices = @transform_8, window_bounds = array<i64: 2048, 144>}]} {
    %get3A = arith.constant 0 : index
    %get3A_0 = arith.constant 0 : index
    %get3A_1 = vector.load %arg2[%get3A, %get3A_0] : memref<2048x48xf32, #tpu.memory_space<vmem>>, vector<2048x48xf32>
    %get3A_2 = arith.constant 0 : index
    %get3A_3 = arith.constant 0 : index
    %get3A_4 = vector.load %arg6[%get3A_2, %get3A_3] : memref<48x48xf32, #tpu.memory_space<vmem>>, vector<48x48xf32>
    %dot_general3A = arith.constant dense<0.000000e+00> : vector<2048x48xf32>
    %dot_general3A_5 = tpu.matmul %get3A_1, %get3A_4, %dot_general3A {dimension_numbers = #tpu.dot_dimension_numbers<[1], [0], [0], [1], [0, 0, 1, 1], [], []>, transpose_lhs_hint = false} : vector<2048x48xf32>, vector<48x48xf32>, vector<2048x48xf32> -> vector<2048x48xf32>
    %get3A_6 = arith.constant 0 : index
    %get3A_7 = arith.constant 0 : index
    %get3A_8 = vector.load %arg3[%get3A_6, %get3A_7] : memref<2048x48xf32, #tpu.memory_space<vmem>>, vector<2048x48xf32>
    %get3A_9 = arith.constant 0 : index
    %get3A_10 = arith.constant 0 : index
    %get3A_11 = vector.load %arg7[%get3A_9, %get3A_10] : memref<48x48xf32, #tpu.memory_space<vmem>>, vector<48x48xf32>
    %dot_general3A_12 = arith.constant dense<0.000000e+00> : vector<2048x48xf32>
    %dot_general3A_13 = tpu.matmul %get3A_8, %get3A_11, %dot_general3A_12 {dimension_numbers = #tpu.dot_dimension_numbers<[1], [0], [0], [1], [0, 0, 1, 1], [], []>, transpose_lhs_hint = false} : vector<2048x48xf32>, vector<48x48xf32>, vector<2048x48xf32> -> vector<2048x48xf32>
    %add3A = arith.addf %dot_general3A_5, %dot_general3A_13 : vector<2048x48xf32>
    %get3A_14 = arith.constant 0 : index
    %get3A_15 = arith.constant 0 : index
    %get3A_16 = vector.load %arg8[%get3A_14, %get3A_15] : memref<1x48xf32, #tpu.memory_space<vmem>>, vector<1x48xf32>
    %add3A_17 = vector.broadcast %get3A_16 : vector<1x48xf32> to vector<2048x48xf32>
    %add3A_18 = arith.addf %add3A, %add3A_17 : vector<2048x48xf32>
    %get3A_19 = arith.constant 0 : index
    %get3A_20 = arith.constant 0 : index
    %get3A_21 = vector.load %arg1[%get3A_19, %get3A_20] : memref<2048x32xf32, #tpu.memory_space<vmem>>, vector<2048x32xf32>
    %get3A_22 = arith.constant 0 : index
    %get3A_23 = arith.constant 0 : index
    %get3A_24 = vector.load %arg4[%get3A_22, %get3A_23] : memref<2048x48xf32, #tpu.memory_space<vmem>>, vector<2048x48xf32>
    %mul3A = arith.constant 5.000000e-02 : f32
    %mul3A_25 = vector.broadcast %mul3A : f32 to vector<2048x48xf32>
    %mul3A_26 = arith.mulf %get3A_24, %mul3A_25 : vector<2048x48xf32>
    %get3A_27 = arith.constant 0 : index
    %get3A_28 = arith.constant 0 : index
    %get3A_29 = vector.load %arg5[%get3A_27, %get3A_28] : memref<2048x16xf32, #tpu.memory_space<vmem>>, vector<2048x16xf32>
    %concatenate3A = tpu.concatenate %get3A_21, %add3A_18, %mul3A_26, %get3A_29 in 1 : vector<2048x32xf32>, vector<2048x48xf32>, vector<2048x48xf32>, vector<2048x16xf32> -> vector<2048x144xf32>
    %swap3A = arith.constant 0 : index
    %swap3A_30 = arith.constant 0 : index
    %swap3A_31 = vector.load %arg9[%swap3A, %swap3A_30] : memref<2048x144xf32, #tpu.memory_space<vmem>>, vector<2048x144xf32>
    tpu.vector_store %arg9[%swap3A, %swap3A_30], %concatenate3A {strides = array<i32>} : memref<2048x144xf32, #tpu.memory_space<vmem>>, vector<2048x144xf32>,
    return
  }
  func.func @transform_0(%arg0: i32) -> (i32, i32) {
    %c0_i32 = arith.constant 0 : i32
    %c0_i32_0 = arith.constant 0 : i32
    return %arg0, %c0_i32 : i32, i32
  }
  func.func @transform_1(%arg0: i32) -> (i32, i32) {
    %c0_i32 = arith.constant 0 : i32
    %c0_i32_0 = arith.constant 0 : i32
    return %arg0, %c0_i32 : i32, i32
  }
  func.func @transform_2(%arg0: i32) -> (i32, i32) {
    %c0_i32 = arith.constant 0 : i32
    %c0_i32_0 = arith.constant 0 : i32
    return %arg0, %c0_i32 : i32, i32
  }
  func.func @transform_3(%arg0: i32) -> (i32, i32) {
    %c0_i32 = arith.constant 0 : i32
    %c0_i32_0 = arith.constant 0 : i32
    return %arg0, %c0_i32 : i32, i32
  }
  func.func @transform_4(%arg0: i32) -> (i32, i32) {
    %c0_i32 = arith.constant 0 : i32
    %c0_i32_0 = arith.constant 0 : i32
    return %arg0, %c0_i32 : i32, i32
  }
  func.func @transform_5(%arg0: i32) -> (i32, i32) {
    %c0_i32 = arith.constant 0 : i32
    %c0_i32_0 = arith.constant 0 : i32
    %c0_i32_1 = arith.constant 0 : i32
    return %c0_i32, %c0_i32_0 : i32, i32
  }
  func.func @transform_6(%arg0: i32) -> (i32, i32) {
    %c0_i32 = arith.constant 0 : i32
    %c0_i32_0 = arith.constant 0 : i32
    %c0_i32_1 = arith.constant 0 : i32
    return %c0_i32, %c0_i32_0 : i32, i32
  }
  func.func @transform_7(%arg0: i32) -> (i32, i32) {
    %c0_i32 = arith.constant 0 : i32
    %c0_i32_0 = arith.constant 0 : i32
    %c0_i32_1 = arith.constant 0 : i32
    return %c0_i32, %c0_i32_0 : i32, i32
  }
  func.func @transform_8(%arg0: i32) -> (i32, i32) {
    %c0_i32 = arith.constant 0 : i32
    %c0_i32_0 = arith.constant 0 : i32
    return %arg0, %c0_i32 : i32, i32
  }
}

</mosaic_0001>

<sc_bundles>
// kernel: kernel.4.cloned.1.call-start
scs
__scs_entry_jumppad:
0x0: {  	(pc) =	sbr.rel $0x88, $3  }
0x1: {  	(tag) =	ssettag $0x0;
	lr =	simm.s32 $0x1  }
0x2: {  	[smem:$0x3F97] =	sst lr;
	_ =	strace $0xD0000000  }
0x3: {  	_ = 	snop  }
0x4: {  	_ = 	snop  }
0x5: {  	_ = 	snop  }
0x6: {  	_ = 	snop  }
0x7: {  	_ = 	snop  }
__scs_overlays_trampoline_lowered:
0x8: {  	[smem:$0x3FA6] =	sst s0  }
0x9: {  	[smem:$0x3FA7] =	sst s1  }
0xa: {  	[smem:$0x3FA8] =	sst s2  }
0xb: {  	[smem:$0x3FA9] =	sst s3  }
0xc: {  	[smem:$0x3FAA] =	sst s4  }
0xd: {  	[smem:$0x3FAB] =	sst s5  }
0xe: {  	[smem:$0x3FAC] =	sst s6  }
0xf: {  	[smem:$0x3FAD] =	sst s7  }
0x10: {  	[smem:$0x3FAE] =	sst s8  }
0x11: {  	[smem:$0x3FAF] =	sst s9;
	s0 =	simm.s32 @!p0 $0x0  }
0x12: {  	s1 =	sld [smem:$0x3F95];
	s0 =	simm.s32 @p0 $0x1  }
0x13: {  	[smem:$0x3FB0] =	sst s0;
	s0 =	simm.s32 @!p1 $0x0  }
0x14: {  	s2 =	sld [smem:$0x3F94];
	s0 =	simm.s32 @p1 $0x1  }
0x15: {  	[smem:$0x3FB1] =	sst s0;
	s0 =	simm.s32 @!p2 $0x0  }
0x16: {  	s3 =	sld [smem:$0x3FDB];
	s0 =	simm.s32 @p2 $0x1  }
0x17: {  	s4 =	simm.s32 $0x1BF5;
	[smem:$0x3FB3] =	sst s0  }
0x18: {  	s0 =	sld [smem:$0x3F96];
	_ =	swait.ge [sflag:s4], $0x0  }
0x19: {  	s7 =	sld [smem:$0x3F97]  }
0x1a: {  	s8 =	sadd.s32 $0xFFFFE003, lr  }
0x1b: {  	s9 =	sadd.s32 $0xFFFFFEF7, lr;
	s5 =	simm.s32 $0xFFFFFFFF;
	p2 =	slt.u32 s8, $0xFFFFF086  }
0x1c: {  	p1 =	slt.u32 s9, $0xF7A;
	s5 =	simm.s32 @!p2 $0x0  }
0x1d: {  	s5 =	simm.s32 @p1 $0x1;
	p0 =	seq.s32 s7, s2  }
0x1e: {  	s7 =	smul.u32 @!p0 $0xF7A, s2;
	p2 =	seq.s32 @!p0 s5, $0x0  }
0x1f: {  	s9 =	smul.u32 $0xF7A, s1;
	s8 =	simm.s32 @!p0 $0x1BF5;
	p2 =	por !p2, p0  }
0x20: {  	[sflag:s8] =	ssyncset.s32 @!p0 $0xFFFFF086;
	s6 =	sadd.s32 @!p0 s3, s7;
	s7 =	simm.s32 @!p0 $0x108  }
0x21: {  	s3 =	sadd.s32 s3, s9;
	s6 =	sadd.s32 @!p0 $0x88, s6;
	s7 =	simm.s32 @p2 $0x1082  }
0x22: {  	[simem:s7], [sflag:s8] =	dma.local @!p0 [hbm:s6], $0xF7A  }
0x23: {  	s9 =	sor.u32 $0xD0000000, s2;
	s6 =	simm.s32 $0x108;
	_ =	swait.ge @!p0 [sflag:s8], $0x0  }
0x24: {  	s3 =	sadd.s32 $0x88, s3;
	s6 =	simm.s32 @!p1 $0x1082;
	[sflag:s4] =	ssyncset.s32 $0xFFFFF086  }
0x25: {  	[simem:s6], [sflag:s4] =	dma.local [hbm:s3], $0xF7A  }
0x26: {  	[smem:$0x3F97] =	sst s1;
	(tag) =	ssettag s2;
	_ =	strace s9  }
0x27: {  	s1 =	sld [smem:$0x3FA7]  }
0x28: {  	s2 =	sld [smem:$0x3FA8]  }
0x29: {  	s4 =	sld [smem:$0x3FAA]  }
0x2a: {  	p0 =	seq.s32 s5, $0x0;
	s5 =	sld [smem:$0x3FAB]  }
0x2b: {  	s6 =	sld [smem:$0x3FAC]  }
0x2c: {  	s7 =	sld [smem:$0x3FAD]  }
0x2d: {  	s3 =	simm.s32 $0x108;
	s8 =	sld [smem:$0x3FAE]  }
0x2e: {  	s3 =	simm.s32 @!p0 $0x1082;
	s9 =	sld [smem:$0x3FAF]  }
0x2f: {  	lr =	sadd.s32 s0, s3;
	s0 =	sld [smem:$0x3FA6]  }
0x30: {  	s3 =	sld [smem:$0x3FA9]  }
0x31: {  	[smem:$0x3FB2] =	sst s10  }
0x32: {  	s10 =	sld [smem:$0x3FB0];
	_ =	sdelay $0x3  }
0x33: {  	p0 =	seq.s32 s10, $0x1;
	s10 =	sld [smem:$0x3FB2];
	_ =	sdelay $0x3  }
0x34: {  	[smem:$0x3FB2] =	sst s10  }
0x35: {  	s10 =	sld [smem:$0x3FB1];
	_ =	sdelay $0x3  }
0x36: {  	p1 =	seq.s32 s10, $0x1;
	s10 =	sld [smem:$0x3FB2];
	_ =	sdelay $0x3  }
0x37: {  	[smem:$0x3FB2] =	sst s10  }
0x38: {  	s10 =	sld [smem:$0x3FB3]  }
0x39: {  	_ = 	snop;
	(pc) =	sbr.ind lr, $3  }
0x3a: {  	_ = 	snop  }
0x3b: {  	_ = 	snop  }
0x3c: {  	p2 =	seq.s32 s10, $0x1;
	s10 =	sld [smem:$0x3FB2]  }
0x3d: {  	_ =	shalt  }
0x3e: {  	_ =	shalt  }
0x3f: {  	_ =	shalt  }
0x40: {  	_ =	shalt  }
0x41: {  	_ =	shalt  }
0x42: {  	_ =	shalt  }
0x43: {  	_ =	shalt  }
0x44: {  	_ =	shalt  }
0x45: {  	_ =	shalt  }
0x46: {  	_ =	shalt  }
0x47: {  	_ =	shalt  }
0x48: {  	_ =	shalt  }
0x49: {  	_ =	shalt  }
0x4a: {  	_ =	shalt  }
0x4b: {  	_ =	shalt  }
0x4c: {  	_ =	shalt  }
0x4d: {  	_ =	shalt  }
0x4e: {  	_ =	shalt  }
0x4f: {  	_ =	shalt  }
0x50: {  	_ =	shalt  }
0x51: {  	_ =	shalt  }
0x52: {  	_ =	shalt  }
0x53: {  	_ =	shalt  }
0x54: {  	_ =	shalt  }
0x55: {  	_ =	shalt  }
0x56: {  	_ =	shalt  }
0x57: {  	_ =	shalt  }
0x58: {  	_ =	shalt  }
0x59: {  	_ =	shalt  }
0x5a: {  	_ =	shalt  }
0x5b: {  	_ =	shalt  }
0x5c: {  	_ =	shalt  }
0x5d: {  	_ =	shalt  }
0x5e: {  	_ =	shalt  }
0x5f: {  	_ =	shalt  }
0x60: {  	_ =	shalt  }
0x61: {  	_ =	shalt  }
0x62: {  	_ =	shalt  }
0x63: {  	_ =	shalt  }
0x64: {  	_ =	shalt  }
0x65: {  	_ =	shalt  }
0x66: {  	_ =	shalt  }
0x67: {  	_ =	shalt  }
0x68: {  	_ =	shalt  }
0x69: {  	_ =	shalt  }
0x6a: {  	_ =	shalt  }
0x6b: {  	_ =	shalt  }
0x6c: {  	_ =	shalt  }
0x6d: {  	_ =	shalt  }
0x6e: {  	_ =	shalt  }
0x6f: {  	_ =	shalt  }
0x70: {  	_ =	shalt  }
0x71: {  	_ =	shalt  }
0x72: {  	_ =	shalt  }
0x73: {  	_ =	shalt  }
0x74: {  	_ =	shalt  }
0x75: {  	_ =	shalt  }
0x76: {  	_ =	shalt  }
0x77: {  	_ =	shalt  }
0x78: {  	_ =	shalt  }
0x79: {  	_ =	shalt  }
0x7a: {  	_ =	shalt  }
0x7b: {  	_ =	shalt  }
0x7c: {  	_ =	shalt  }
0x7d: {  	_ =	shalt  }
0x7e: {  	_ =	shalt  }
0x7f: {  	_ =	shalt  }
0x80: {  	_ =	shalt  }
0x81: {  	_ =	shalt  }
0x82: {  	_ =	shalt  }
0x83: {  	_ =	shalt  }
0x84: {  	_ =	shalt  }
0x85: {  	_ =	shalt  }
0x86: {  	_ =	shalt  }
0x87: {  	_ =	shalt  }
.Lfunc_end0:
.L_simem_size_0:
called_computation_lowered:
.L_overlay_start_0:
0x88: {  	s2 =	sld [smem:$0x3FD9]  }
0x89: {  	s3 =	sld [smem:$0x3FFE];
	_ =	sdelay $0x1  }
0x8a: {  	s1 =	srdreg.scid  }
0x8b: {  	s0 =	sand.u32 $0x1, s1  }
0x8c: {  	s17 =	sshll.u32 s0, $0xA;
	s2 =	sadd.s32 s3, s2  }
0x8d: {  	s2 =	sadd.s32 s2, s17  }
0x8e: {  	[smem:$0x3FBE] =	sst s2  }
0x8f: {  	_ = 	snop  }
0x90: {  	s2 =	sld [smem:$0x3FC9]  }
0x91: {  	s18 =	sld [smem:$0x3FC6]  }
0x92: {  	s4 =	sld [smem:$0x3FD0];
	(tm) =	ssettm $0x1  }
0x93: {  	s5 =	sld [smem:$0x3FFB];
	_ =	sdelay $0x3  }
0x94: {  	_ =	strace s5  }
0x95: {  	s5 =	sld [smem:$0x3FFC];
	_ =	sdelay $0x3  }
0x96: {  	_ =	strace s5  }
0x97: {  	s5 =	sld [smem:$0x3FFD];
	_ =	sdelay $0x3  }
0x98: {  	_ =	strace s5  }
0x99: {  	_ =	strace $0x8FFFFFFF  }
0x9a: {  	s19 =	sld [smem:$0x3FDB];
	_ =	sdelay $0x1  }
0x9b: {  	s6 =	simm.s32 $_scs_section_size  }
0x9c: {  	s7 =	simm.s32 $_size__tile_overlayer_lowered;
	s8 =	simm.s32 $_tile_overlayer_lowered  }
0x9d: {  	s22 =	simm.s32 $0x1BFF;
	s21 =	sshll.u32 s8, $0x1;
	s5 =	sadd.s32 s6, s19  }
0x9e: {  	s9 =	simm.s32 $0x0;
	s20 =	sshll.u32 s7, $0x1;
	s7 =	sadd.s32 s21, s5  }
0x9f: {  	[timem:s9], [sflag:s22] =	dma.local [hbm:s7], s20  }
0xa0: {  	_ =	swait.ge [sflag:s22], s20  }
0xa1: {  	s6 =	ssub.s32 $0x0, s20;
	[sflag:s22] =	ssyncset.done $0x0  }
0xa2: {  	[sflag:s22] =	ssyncadd.s32 s6;
	_ =	sdelay $0x1  }
0xa3: {  	s23 =	simm.s32 $0x1B8B  }
0xa4: {  	_ =	swait.ge [sflag:s23], $0x1  }
0xa5: {  	[sflag:s23] =	ssyncset.done $0x0  }
0xa6: {  	s25 =	simm.s32 $0x1B8E;
	s24 =	sld [smem:$0x3FFE];
	[sflag:s23] =	ssyncadd.s32 $0xFFFFFFFF  }
0xa7: {  	s26 =	simm.s32 $execute0_lowered;
	[smem:$0x3FD2] =	sst s25  }
0xa8: {  	s7 =	sshll.u32 s26, $0x1;
	_ =	strace $0x80000046;
	[dreg:$0x1] =	wrdreg $0xFFFFFFFF  }
0xa9: {  	s28 =	simm.s32 $_size_execute0_lowered;
	s5 =	sadd.s32 s5, s7;
	[dreg:$0x0] =	wrdreg $0x0  }
0xaa: {  	s7 =	sshll.u32 s28, $0x1;
	[dreg:$0x2] =	wrdreg s5  }
0xab: {  	[dreg:$0x3] =	wrdreg s7  }
0xac: {  	[dreg:$0x4] =	wrdreg $0xC0  }
0xad: {  	_ =	task [dreg:s9], $0x5FFFF  }
0xae: {  	[dreg:$0x1] =	wrdreg $0xFFFFFFFF  }
0xaf: {  	[dreg:$0x0] =	wrdreg $0x60  }
0xb0: {  	[dreg:$0x2] =	wrdreg s2  }
0xb1: {  	[dreg:$0x3] =	wrdreg s24  }
0xb2: {  	[dreg:$0x4] =	wrdreg s18  }
0xb3: {  	[dreg:$0x5] =	wrdreg s4  }
0xb4: {  	[dreg:$0x6] =	wrdreg $0x9  }
0xb5: {  	_ =	task.clear_ibuf [dreg:s9], $0x7FFFF;
	_ =	strace $0x90000046  }
0xb6: {  	s29 =	simm.s32 $0x9;
	_ =	strace $0x80000048  }
0xb7: {  	_ =	swait.ge [sflag:s29], $0x1  }
0xb8: {  	[sflag:s29] =	ssyncadd.s32 $0xFFFFFFFF  }
0xb9: {  	_ =	strace $0x90000048  }
0xba: {  	_ =	sfence  }
0xbb: {  	s30 =	sld [smem:$0x0];
	_ =	sdelay $0x2  }
0xbc: {  	s31 =	sshll.u32 s1, $0xD;
	s1 =	sshrl.u32 s1, $0x2  }
0xbd: {  	s3 =	sand.u32 $0x4000, s31;
	s1 =	sadd.s32 s1, s30  }
0xbe: {  	s0 =	sor.u32 s3, s0;
	s1 =	sshll.u32 s1, $0x11  }
0xbf: {  	s0 =	sor.u32 s1, s0  }
0xc0: {  	s0 =	sadd.s32 $0x8F2B, s0  }
0xc1: {  	[sflag:s0] =	ssyncadd.remote.s32 $0x1  }
0xc2: {  	_ =	sfence.sel $0xFFFF  }
0xc3: {  	[dreg:$0x0] =	wrdreg $0xFFFFFFFF;
	(pc) =	sbr.abs _section_cstart, $3  }
0xc4: {  	[dreg:$0x1] =	wrdreg $0xFFFFFFFF  }
0xc5: {  	_ =	task.clear_ibuf [dreg:s9], $0x2FFFF;
	_ =	strace $0x9FFFFFFF  }
0xc6: {  	(tm) =	ssettm $0x7FFFFFFF  }
0xc7: {  	_ =	shalt  }
tec
execute0_lowered:
.L_overlay_start_1:
0x0: {  	(tag) =	ssettag $0x1  }
0x1: {  	s3 =	rddreg [dreg:$0x0]  }
0x2: {  	s1 =	srdreg.scid;
	s2 =	stileid.u32  }
0x3: {  	s6 =	rddreg [dreg:$0x1];
	s15 =	sand.u32 $0x1, s1;
	s12 =	sshll.u32 s2, $0x1  }
0x4: {  	s4 =	rddreg [dreg:$0x2];
	s1 =	sor.u32 s15, s12  }
0x5: {  	s0 =	rddreg [dreg:$0x3];
	s2 =	simm.s32 $0x0;
	s5 =	sshll.u32 s1, $0x6  }
0x6: {  	s7 =	sadd.s32 $0xEE00, s6;
	[smem:$0x7FF] =	sst s2;
	s3 =	sadd.s32 s3, s5  }
0x7: {  	_ =	strace $0x80000047;
	s13 =	sadd.s32 s4, s5;
	[dreg:$0x5] =	wrdreg s3  }
0x8: {  	s14 =	sadd.s32 s7, s5;
	s16 =	sor.u32 $0x800, s5;
	[dreg:$0x6] =	wrdreg s13  }
0x9: {  	s8 =	sadd.s32 $0x2E00, s6;
	[dreg:$0x7] =	wrdreg s14;
	s17 =	sadd.s32 s7, s16  }
0xa: {  	s18 =	sadd.s32 s8, s16;
	[dreg:$0x8] =	wrdreg s17  }
0xb: {  	[dreg:$0x9] =	wrdreg s18  }
0xc: {  	s14 =	rddreg [dreg:$0x5]  }
0xd: {  	s16 =	rddreg [dreg:$0x6]  }
0xe: {  	s7 =	sadd.s32 s8, s5;
	s17 =	rddreg [dreg:$0x7]  }
0xf: {  	s19 =	sadd.s32 $0x1000, s7;
	[smem:$0x7A7] =	sst s7  }
0x10: {  	s20 =	sadd.s32 $0x1800, s7;
	[dreg:$0xa] =	wrdreg s19  }
0x11: {  	s21 =	sadd.s32 $0x2000, s7;
	[dreg:$0xb] =	wrdreg s20  }
0x12: {  	s22 =	sadd.s32 $0x2800, s7;
	[dreg:$0xc] =	wrdreg s21  }
0x13: {  	s23 =	sadd.s32 $0x3000, s7;
	[dreg:$0xd] =	wrdreg s22  }
0x14: {  	s24 =	sadd.s32 $0x3800, s7;
	[dreg:$0xe] =	wrdreg s23  }
0x15: {  	s25 =	sadd.s32 $0x4000, s7;
	[dreg:$0xf] =	wrdreg s24  }
0x16: {  	s26 =	sadd.s32 $0x4800, s7;
	[dreg:$0x10] =	wrdreg s25  }
0x17: {  	s31 =	sadd.s32 $0x5000, s7;
	[dreg:$0x11] =	wrdreg s26  }
0x18: {  	s4 =	sadd.s32 $0x5800, s7;
	[dreg:$0x12] =	wrdreg s31  }
0x19: {  	s5 =	sadd.s32 $0x6000, s7;
	[dreg:$0x13] =	wrdreg s4  }
0x1a: {  	s8 =	sadd.s32 $0x6800, s7;
	[dreg:$0x14] =	wrdreg s5  }
0x1b: {  	s9 =	sadd.s32 $0x7000, s7;
	[dreg:$0x15] =	wrdreg s8  }
0x1c: {  	s10 =	sadd.s32 $0x7800, s7;
	[dreg:$0x16] =	wrdreg s9  }
0x1d: {  	s11 =	sadd.s32 $0x8000, s7;
	[dreg:$0x17] =	wrdreg s10  }
0x1e: {  	s12 =	sadd.s32 $0x8800, s7;
	[dreg:$0x18] =	wrdreg s11  }
0x1f: {  	s13 =	sadd.s32 $0x9000, s7;
	[dreg:$0x19] =	wrdreg s12  }
0x20: {  	[dreg:$0x1a] =	wrdreg s13  }
0x21: {  	[tilespmem:s2], [sflag:$0x1] =	stream.linear.gather [hbm4b:s14+s2], $0x200, $0x38;
	[tilespmem:$0x1B000] =	vst v63  }
0x22: {  	s18 =	sadd.s32 $0x9800, s7;
	s19 =	rddreg [dreg:$0x8]  }
0x23: {  	[dreg:$0x1b] =	wrdreg s18  }
0x24: {  	s20 =	rddreg [dreg:$0x9]  }
0x25: {  	s21 =	rddreg [dreg:$0xa]  }
0x26: {  	s22 =	rddreg [dreg:$0xb]  }
0x27: {  	s23 =	rddreg [dreg:$0xc]  }
0x28: {  	s24 =	rddreg [dreg:$0xd]  }
0x29: {  	s25 =	rddreg [dreg:$0xe]  }
0x2a: {  	s26 =	rddreg [dreg:$0xf]  }
0x2b: {  	s31 =	rddreg [dreg:$0x10]  }
0x2c: {  	s5 =	rddreg [dreg:$0x11]  }
0x2d: {  	s8 =	simm.s32 $0x200;
	s12 =	rddreg [dreg:$0x13]  }
0x2e: {  	[tilespmem:s8], [sflag:$0x1] =	stream.linear.gather [hbm4b:s16+s2], $0x200, $0x38;
	[tilespmem:$0x1B000] =	vst v63  }
0x2f: {  	s9 =	simm.s32 $0x400;
	s4 =	simm.s32 $0x680;
	s13 =	rddreg [dreg:$0x14]  }
0x30: {  	[tilespmem:s9], [sflag:$0x1] =	stream.linear.gather [hbm4b:s17+s2], $0x200, $0x38;
	[tilespmem:$0x1B000] =	vst v63  }
0x31: {  	s10 =	simm.s32 $0x600;
	[smem:$0x7AC] =	sst s4;
	s4 =	simm.s32 $0xA000  }
0x32: {  	[tilespmem:s10], [sflag:$0x1] =	stream.linear.gather [hbm4b:s19+s2], $0x200, $0x38;
	[tilespmem:$0x1B000] =	vst v63  }
0x33: {  	s11 =	simm.s32 $0x800;
	[smem:$0x7B1] =	sst s4;
	s4 =	simm.s32 $0x580  }
0x34: {  	[tilespmem:s11], [sflag:$0x1] =	stream.linear.gather [hbm4b:s7+s2], $0x200, $0x38;
	[tilespmem:$0x1B000] =	vst v63  }
0x35: {  	s14 =	simm.s32 $0xA00;
	[smem:$0x7BA] =	sst s4;
	s4 =	simm.s32 $0x900  }
0x36: {  	[tilespmem:s14], [sflag:$0x1] =	stream.linear.gather [hbm4b:s20+s2], $0x200, $0x38;
	[tilespmem:$0x1B000] =	vst v63  }
0x37: {  	s16 =	simm.s32 $0xC00;
	[smem:$0x7C2] =	sst s4;
	s4 =	simm.s32 $0xD80  }
0x38: {  	[tilespmem:s16], [sflag:$0x1] =	stream.linear.gather [hbm4b:s21+s2], $0x200, $0x38;
	[tilespmem:$0x1B000] =	vst v63  }
0x39: {  	s17 =	simm.s32 $0xE00;
	[smem:$0x7C9] =	sst s4;
	s4 =	simm.s32 $0x1280  }
0x3a: {  	[tilespmem:s17], [sflag:$0x1] =	stream.linear.gather [hbm4b:s22+s2], $0x200, $0x38;
	[tilespmem:$0x1B000] =	vst v63  }
0x3b: {  	s18 =	simm.s32 $0x1000;
	[smem:$0x7D0] =	sst s4;
	s4 =	simm.s32 $0x1700  }
0x3c: {  	[tilespmem:s18], [sflag:$0x1] =	stream.linear.gather [hbm4b:s23+s2], $0x200, $0x38;
	[tilespmem:$0x1B000] =	vst v63  }
0x3d: {  	s19 =	simm.s32 $0x1200;
	[smem:$0x7D7] =	sst s4  }
0x3e: {  	[tilespmem:s19], [sflag:$0x1] =	stream.linear.gather [hbm4b:s24+s2], $0x200, $0x38;
	[tilespmem:$0x1B000] =	vst v63  }
0x3f: {  	s4 =	simm.s32 $0x1B80;
	s7 =	rddreg [dreg:$0x12];
	s20 =	simm.s32 $0x1400  }
0x40: {  	[tilespmem:s20], [sflag:$0x1] =	stream.linear.gather [hbm4b:s25+s2], $0x200, $0x38;
	[tilespmem:$0x1B000] =	vst v63  }
0x41: {  	[smem:$0x7DE] =	sst s4;
	s4 =	simm.s32 $0x2080;
	s21 =	simm.s32 $0x1600  }
0x42: {  	[tilespmem:s21], [sflag:$0x1] =	stream.linear.gather [hbm4b:s26+s2], $0x200, $0x38;
	[tilespmem:$0x1B000] =	vst v63  }
0x43: {  	[smem:$0x7E5] =	sst s4;
	s4 =	simm.s32 $0x2500;
	s22 =	simm.s32 $0x1800  }
0x44: {  	[tilespmem:s22], [sflag:$0x1] =	stream.linear.gather [hbm4b:s31+s2], $0x200, $0x38;
	[tilespmem:$0x1B000] =	vst v63  }
0x45: {  	[smem:$0x7EC] =	sst s4;
	s4 =	simm.s32 $0x2980;
	s23 =	simm.s32 $0x1A00  }
0x46: {  	[tilespmem:s23], [sflag:$0x1] =	stream.linear.gather [hbm4b:s5+s2], $0x200, $0x38;
	[tilespmem:$0x1B000] =	vst v63  }
0x47: {  	[smem:$0x7F3] =	sst s4;
	s4 =	simm.s32 $0x2E80;
	s24 =	simm.s32 $0x1C00  }
0x48: {  	[tilespmem:s24], [sflag:$0x1] =	stream.linear.gather [hbm4b:s7+s2], $0x200, $0x38;
	[tilespmem:$0x1B000] =	vst v63  }
0x49: {  	[smem:$0x7FA] =	sst s4;
	s25 =	simm.s32 $0x1E00  }
0x4a: {  	[tilespmem:s25], [sflag:$0x1] =	stream.linear.gather [hbm4b:s12+s2], $0x200, $0x38;
	[tilespmem:$0x1B000] =	vst v63  }
0x4b: {  	s26 =	simm.s32 $0x2000;
	s31 =	rddreg [dreg:$0x15]  }
0x4c: {  	[tilespmem:s26], [sflag:$0x1] =	stream.linear.gather [hbm4b:s13+s2], $0x200, $0x38;
	[tilespmem:$0x1B000] =	vst v63  }
0x4d: {  	s29 =	simm.s32 $0x2200;
	s5 =	rddreg [dreg:$0x16]  }
0x4e: {  	[tilespmem:s29], [sflag:$0x1] =	stream.linear.gather [hbm4b:s31+s2], $0x200, $0x38;
	[tilespmem:$0x1B000] =	vst v63  }
0x4f: {  	s7 =	rddreg [dreg:$0x17];
	s31 =	simm.s32 $0x2400  }
0x50: {  	[tilespmem:s31], [sflag:$0x1] =	stream.linear.gather [hbm4b:s5+s2], $0x200, $0x38;
	[tilespmem:$0x1B000] =	vst v63  }
0x51: {  	s12 =	simm.s32 $0x2600;
	s13 =	rddreg [dreg:$0x18]  }
0x52: {  	[tilespmem:s12], [sflag:$0x1] =	stream.linear.gather [hbm4b:s7+s2], $0x200, $0x38;
	[tilespmem:$0x1B000] =	vst v63  }
0x53: {  	s3 =	simm.s32 $0x2800;
	s5 =	sshll.u32 s1, $0xB;
	s7 =	rddreg [dreg:$0x19]  }
0x54: {  	[tilespmem:s3], [sflag:$0x1] =	stream.linear.gather [hbm4b:s13+s2], $0x200, $0x38;
	[tilespmem:$0x1B000] =	vst v63  }
0x55: {  	s13 =	rddreg [dreg:$0x1a];
	s3 =	sadd.s32 s5, s6;
	s5 =	simm.s32 $0xE800  }
0x56: {  	s12 =	simm.s32 $0x2A00;
	[smem:$0x7AB] =	sst s5  }
0x57: {  	[tilespmem:s12], [sflag:$0x1] =	stream.linear.gather [hbm4b:s7+s2], $0x200, $0x38;
	[tilespmem:$0x1B000] =	vst v63  }
0x58: {  	s3 =	sadd.s32 $0x47E00, s3;
	s12 =	rddreg [dreg:$0x1b]  }
0x59: {  	s5 =	simm.s32 $0x700;
	[dreg:$0x1c] =	wrdreg s3  }
0x5a: {  	s3 =	simm.s32 $0x8800;
	[smem:$0x7B4] =	sst s5  }
0x5b: {  	s5 =	simm.s32 $0xB800;
	[smem:$0x7A9] =	sst s3  }
0x5c: {  	s7 =	simm.s32 $0x2C00;
	s3 =	simm.s32 $0x500;
	[smem:$0x7B9] =	sst s5  }
0x5d: {  	[tilespmem:s7], [sflag:$0x1] =	stream.linear.gather [hbm4b:s13+s2], $0x200, $0x38;
	[tilespmem:$0x1B000] =	vst v63  }
0x5e: {  	s5 =	simm.s32 $0x980;
	[smem:$0x7B2] =	sst s3  }
0x5f: {  	s3 =	simm.s32 $0x6000;
	[smem:$0x7C3] =	sst s5  }
0x60: {  	s13 =	simm.s32 $0x2E00;
	s5 =	simm.s32 $0xE80;
	[smem:$0x7B7] =	sst s3  }
0x61: {  	s7 =	smul.u32 $0xC00, s1;
	s3 =	simm.s32 $0x880;
	[smem:$0x7CA] =	sst s5  }
0x62: {  	[tilespmem:s13], [sflag:$0x1] =	stream.linear.gather [hbm4b:s12+s2], $0x200, $0x38;
	[tilespmem:$0x1B000] =	vst v63  }
0x63: {  	s1 =	sshll.u32 s1, $0xA;
	s5 =	simm.s32 $0x1300;
	[smem:$0x7C1] =	sst s3  }
0x64: {  	s1 =	sadd.s32 s1, s6;
	s0 =	sadd.s32 s0, s7;
	[smem:$0x7D1] =	sst s5  }
0x65: {  	s12 =	sadd.s32 s7, s6;
	s7 =	sadd.s32 $0xFE00, s1;
	[dreg:$0x1e] =	wrdreg s0  }
0x66: {  	s1 =	simm.s32 $0x480;
	[dreg:$0x1f] =	wrdreg s7  }
0x67: {  	s3 =	simm.s32 $0xD00;
	[smem:$0x7AA] =	sst s1  }
0x68: {  	s5 =	simm.s32 $0x1780;
	[smem:$0x7C8] =	sst s3  }
0x69: {  	s13 =	sadd.s32 $0x2FE00, s12;
	[smem:$0x7D8] =	sst s5  }
0x6a: {  	s12 =	sadd.s32 $0x17E00, s12;
	[dreg:$0x1d] =	wrdreg s13  }
0x6b: {  	s7 =	simm.s32 $0x280;
	[smem:$0x7FD] =	sst s12  }
0x6c: {  	s1 =	simm.s32 $0x5000;
	[smem:$0x7AE] =	sst s7  }
0x6d: {  	s3 =	simm.s32 $0x1180;
	[smem:$0x7AF] =	sst s1  }
0x6e: {  	s5 =	simm.s32 $0x1C80;
	[smem:$0x7CF] =	sst s3  }
0x6f: {  	s13 =	simm.s32 $0x4000;
	[smem:$0x7DF] =	sst s5  }
0x70: {  	s12 =	simm.s32 $0x13800;
	[smem:$0x7A8] =	sst s13  }
0x71: {  	s7 =	simm.s32 $0x10000;
	[smem:$0x7AD] =	sst s12  }
0x72: {  	s1 =	simm.s32 $0x180;
	[smem:$0x7B3] =	sst s7  }
0x73: {  	s3 =	simm.s32 $0x1680;
	[smem:$0x7B8] =	sst s1  }
0x74: {  	s5 =	simm.s32 $0x2100;
	[smem:$0x7D6] =	sst s3  }
0x75: {  	s13 =	simm.s32 $0x100;
	[smem:$0x7E6] =	sst s5  }
0x76: {  	s12 =	simm.s32 $0x300;
	[smem:$0x7B0] =	sst s13  }
0x77: {  	s7 =	simm.s32 $0x780;
	[smem:$0x7B6] =	sst s12  }
0x78: {  	s1 =	simm.s32 $0x14800;
	[smem:$0x7BD] =	sst s7  }
0x79: {  	s3 =	simm.s32 $0x1B00;
	[smem:$0x7BE] =	sst s1  }
0x7a: {  	s5 =	simm.s32 $0x2580;
	[smem:$0x7DD] =	sst s3  }
0x7b: {  	s13 =	simm.s32 $0x14000;
	[smem:$0x7ED] =	sst s5  }
0x7c: {  	s12 =	simm.s32 $0x11800;
	[smem:$0x7B5] =	sst s13  }
0x7d: {  	s7 =	simm.s32 $0xA80;
	[smem:$0x7BC] =	sst s12  }
0x7e: {  	s1 =	simm.s32 $0xC80;
	[smem:$0x7C4] =	sst s7  }
0x7f: {  	s3 =	simm.s32 $0x1F80;
	[smem:$0x7C7] =	sst s1  }
0x80: {  	s5 =	simm.s32 $0x2A80;
	[smem:$0x7E4] =	sst s3  }
0x81: {  	s13 =	simm.s32 $0x380;
	[smem:$0x7F4] =	sst s5  }
0x82: {  	s12 =	simm.s32 $0xB00;
	[smem:$0x7BF] =	sst s13  }
0x83: {  	s7 =	simm.s32 $0xF00;
	[smem:$0x7C5] =	sst s12  }
0x84: {  	s1 =	simm.s32 $0x1100;
	[smem:$0x7CB] =	sst s7  }
0x85: {  	s3 =	simm.s32 $0x2480;
	[smem:$0x7CE] =	sst s1  }
0x86: {  	s5 =	simm.s32 $0x2F00;
	[smem:$0x7EB] =	sst s3  }
0x87: {  	s13 =	simm.s32 $0xB80;
	[smem:$0x7FB] =	sst s5  }
0x88: {  	s12 =	simm.s32 $0xF80;
	[smem:$0x7C6] =	sst s13  }
0x89: {  	s7 =	simm.s32 $0x1380;
	[smem:$0x7CC] =	sst s12  }
0x8a: {  	s1 =	simm.s32 $0x1580;
	[smem:$0x7D2] =	sst s7  }
0x8b: {  	s3 =	simm.s32 $0x2900;
	[smem:$0x7D5] =	sst s1  }
0x8c: {  	s13 =	simm.s32 $0x1080;
	[smem:$0x7F2] =	sst s3  }
0x8d: {  	s12 =	simm.s32 $0x1480;
	[smem:$0x7CD] =	sst s13  }
0x8e: {  	s7 =	simm.s32 $0x1880;
	[smem:$0x7D3] =	sst s12  }
0x8f: {  	s1 =	simm.s32 $0x1A80;
	[smem:$0x7D9] =	sst s7  }
0x90: {  	s3 =	simm.s32 $0x2D80;
	[smem:$0x7DC] =	sst s1  }
0x91: {  	s13 =	simm.s32 $0x1500;
	[smem:$0x7F9] =	sst s3  }
0x92: {  	s12 =	simm.s32 $0x1900;
	[smem:$0x7D4] =	sst s13  }
0x93: {  	s7 =	simm.s32 $0x1D00;
	[smem:$0x7DA] =	sst s12  }
0x94: {  	s1 =	simm.s32 $0x1F00;
	[smem:$0x7E0] =	sst s7  }
0x95: {  	s13 =	simm.s32 $0x1980;
	[smem:$0x7E3] =	sst s1  }
0x96: {  	s12 =	simm.s32 $0x1D80;
	[smem:$0x7DB] =	sst s13  }
0x97: {  	s7 =	simm.s32 $0x2180;
	[smem:$0x7E1] =	sst s12  }
0x98: {  	s1 =	simm.s32 $0x2380;
	[smem:$0x7E7] =	sst s7  }
0x99: {  	s13 =	simm.s32 $0x1E80;
	[smem:$0x7EA] =	sst s1  }
0x9a: {  	s12 =	simm.s32 $0x2280;
	[smem:$0x7E2] =	sst s13  }
0x9b: {  	s7 =	simm.s32 $0x2680;
	[smem:$0x7E8] =	sst s12  }
0x9c: {  	s1 =	simm.s32 $0x2880;
	[smem:$0x7EE] =	sst s7  }
0x9d: {  	s13 =	simm.s32 $0x2300;
	[smem:$0x7F1] =	sst s1  }
0x9e: {  	s12 =	simm.s32 $0x2700;
	[smem:$0x7E9] =	sst s13  }
0x9f: {  	s7 =	simm.s32 $0x2B00;
	[smem:$0x7EF] =	sst s12  }
0xa0: {  	s1 =	simm.s32 $0x2D00;
	[smem:$0x7F5] =	sst s7  }
0xa1: {  	s13 =	simm.s32 $0x2780;
	[smem:$0x7F8] =	sst s1  }
0xa2: {  	s12 =	simm.s32 $0x2B80;
	[smem:$0x7F0] =	sst s13  }
0xa3: {  	s7 =	simm.s32 $0x2F80;
	[smem:$0x7F6] =	sst s12  }
0xa4: {  	s13 =	simm.s32 $0x2C80;
	[smem:$0x7FC] =	sst s7  }
0xa5: {  	s28 =	simm.s32 $0x1;
	[smem:$0x7F7] =	sst s13  }
0xa6: {  	_ =	swait.ge [sflag:s28], $0x200  }
0xa7: {  	[sflag:s28] =	ssyncset.done $0x0  }
0xa8: {  	[sflag:s28] =	ssyncadd.s32 $0xFFFFFE00  }
0xa9: {  	_ =	swait.ge [sflag:s28], $0x200  }
0xaa: {  	[sflag:s28] =	ssyncset.done $0x0  }
0xab: {  	[sflag:s28] =	ssyncadd.s32 $0xFFFFFE00  }
0xac: {  	_ =	swait.ge [sflag:s28], $0x200  }
0xad: {  	[sflag:s28] =	ssyncset.done $0x0  }
0xae: {  	[sflag:s28] =	ssyncadd.s32 $0xFFFFFE00  }
0xaf: {  	_ =	swait.ge [sflag:s28], $0x200  }
0xb0: {  	[sflag:s28] =	ssyncset.done $0x0  }
0xb1: {  	[sflag:s28] =	ssyncadd.s32 $0xFFFFFE00  }
0xb2: {  	_ =	swait.ge [sflag:s28], $0x200  }
0xb3: {  	[sflag:s28] =	ssyncset.done $0x0  }
0xb4: {  	[sflag:s28] =	ssyncadd.s32 $0xFFFFFE00  }
0xb5: {  	_ =	swait.ge [sflag:s28], $0x200  }
0xb6: {  	[sflag:s28] =	ssyncset.done $0x0  }
0xb7: {  	[sflag:s28] =	ssyncadd.s32 $0xFFFFFE00  }
0xb8: {  	_ =	swait.ge [sflag:s28], $0x200  }
0xb9: {  	[sflag:s28] =	ssyncset.done $0x0  }
0xba: {  	[sflag:s28] =	ssyncadd.s32 $0xFFFFFE00  }
0xbb: {  	_ =	swait.ge [sflag:s28], $0x200  }
0xbc: {  	[sflag:s28] =	ssyncset.done $0x0  }
0xbd: {  	[sflag:s28] =	ssyncadd.s32 $0xFFFFFE00  }
0xbe: {  	_ =	swait.ge [sflag:s28], $0x200  }
0xbf: {  	[sflag:s28] =	ssyncset.done $0x0  }
0xc0: {  	[sflag:s28] =	ssyncadd.s32 $0xFFFFFE00  }
0xc1: {  	_ =	swait.ge [sflag:s28], $0x200  }
0xc2: {  	[sflag:s28] =	ssyncset.done $0x0  }
0xc3: {  	[sflag:s28] =	ssyncadd.s32 $0xFFFFFE00  }
0xc4: {  	_ =	swait.ge [sflag:s28], $0x200  }
0xc5: {  	[sflag:s28] =	ssyncset.done $0x0  }
0xc6: {  	[sflag:s28] =	ssyncadd.s32 $0xFFFFFE00  }
0xc7: {  	_ =	swait.ge [sflag:s28], $0x200  }
0xc8: {  	[sflag:s28] =	ssyncset.done $0x0  }
0xc9: {  	[sflag:s28] =	ssyncadd.s32 $0xFFFFFE00  }
0xca: {  	_ =	swait.ge [sflag:s28], $0x200  }
0xcb: {  	[sflag:s28] =	ssyncset.done $0x0  }
0xcc: {  	[sflag:s28] =	ssyncadd.s32 $0xFFFFFE00  }
0xcd: {  	_ =	swait.ge [sflag:s28], $0x200  }
0xce: {  	[sflag:s28] =	ssyncset.done $0x0  }
0xcf: {  	[sflag:s28] =	ssyncadd.s32 $0xFFFFFE00  }
0xd0: {  	_ =	swait.ge [sflag:s28], $0x200  }
0xd1: {  	[sflag:s28] =	ssyncset.done $0x0  }
0xd2: {  	[sflag:s28] =	ssyncadd.s32 $0xFFFFFE00  }
0xd3: {  	_ =	swait.ge [sflag:s28], $0x200  }
0xd4: {  	[sflag:s28] =	ssyncset.done $0x0  }
0xd5: {  	[sflag:s28] =	ssyncadd.s32 $0xFFFFFE00  }
0xd6: {  	_ =	swait.ge [sflag:s28], $0x200  }
0xd7: {  	[sflag:s28] =	ssyncset.done $0x0  }
0xd8: {  	[sflag:s28] =	ssyncadd.s32 $0xFFFFFE00  }
0xd9: {  	_ =	swait.ge [sflag:s28], $0x200  }
0xda: {  	[sflag:s28] =	ssyncset.done $0x0  }
0xdb: {  	[sflag:s28] =	ssyncadd.s32 $0xFFFFFE00  }
0xdc: {  	_ =	swait.ge [sflag:s28], $0x200  }
0xdd: {  	[sflag:s28] =	ssyncset.done $0x0  }
0xde: {  	[sflag:s28] =	ssyncadd.s32 $0xFFFFFE00  }
0xdf: {  	_ =	swait.ge [sflag:s28], $0x200  }
0xe0: {  	[sflag:s28] =	ssyncset.done $0x0  }
0xe1: {  	[sflag:s28] =	ssyncadd.s32 $0xFFFFFE00  }
0xe2: {  	_ =	swait.ge [sflag:s28], $0x200  }
0xe3: {  	[sflag:s28] =	ssyncset.done $0x0  }
0xe4: {  	[sflag:s28] =	ssyncadd.s32 $0xFFFFFE00  }
0xe5: {  	_ =	swait.ge [sflag:s28], $0x200  }
0xe6: {  	[sflag:s28] =	ssyncset.done $0x0  }
0xe7: {  	[sflag:s28] =	ssyncadd.s32 $0xFFFFFE00  }
0xe8: {  	_ =	swait.ge [sflag:s28], $0x200  }
0xe9: {  	[sflag:s28] =	ssyncset.done $0x0  }
0xea: {  	[sflag:s28] =	ssyncadd.s32 $0xFFFFFE00  }
0xeb: {  	_ =	swait.ge [sflag:s28], $0x200  }
0xec: {  	s30 =	simm.s32 $0x80;
	[sflag:s28] =	ssyncset.done $0x0  }
0xed: {  	s0 =	sadd.s32 $0x21C000, s6;
	s12 =	simm.s32 $0x3000;
	[sflag:s28] =	ssyncadd.s32 $0xFFFFFE00  }
0xee: {  	[tilespmem:s12], [sflag:$0x1] =	stream.indirect.gather [hbm4b:s0+s30], $0x20, s2, s30, $0xb8;
	[tilespmem:$0x1B000] =	vst v63  }
0xef: {  	s4 =	simm.s32 $0x7000;
	s1 =	sadd.s32 $0x189800, s6  }
0xf0: {  	[tilespmem:s4], [sflag:$0x1] =	stream.indirect.gather [hbm4b:s1+s30], $0x30, s9, s30, $0xb8;
	[tilespmem:$0x1B000] =	vst v63  }
0xf1: {  	s5 =	simm.s32 $0xD000;
	s7 =	sld [smem:$0x7AB]  }
0xf2: {  	[tilespmem:s5], [sflag:$0x1] =	stream.indirect.gather [hbm4b:s1+s30], $0x30, s10, s30, $0xb8;
	[tilespmem:$0x1B000] =	vst v63  }
0xf3: {  	s3 =	simm.s32 $0x13000;
	s13 =	sadd.s32 $0xE600, s6;
	[smem:$0x7BB] =	sst s0  }
0xf4: {  	[tilespmem:s3], [sflag:$0x1] =	stream.indirect.gather [hbm4b:s13+s30], $0x10, s8, s30, $0xb8;
	[tilespmem:$0x1B000] =	vst v63  }
0xf5: {  	s8 =	sld [smem:$0x7A8]  }
0xf6: {  	s9 =	sld [smem:$0x7A9]  }
0xf7: {  	s10 =	sld [smem:$0x7AA]  }
0xf8: {  	[tilespmem:s8], [sflag:$0x1] =	stream.indirect.gather [hbm4b:s0+s30], $0x20, s30, s30, $0xb8;
	[tilespmem:$0x1B000] =	vst v63  }
0xf9: {  	s8 =	sld [smem:$0x7AC]  }
0xfa: {  	[tilespmem:s9], [sflag:$0x1] =	stream.indirect.gather [hbm4b:s1+s30], $0x30, s10, s30, $0xb8;
	[tilespmem:$0x1B000] =	vst v63  }
0xfb: {  	s9 =	sld [smem:$0x7AD]  }
0xfc: {  	s10 =	sld [smem:$0x7AE]  }
0xfd: {  	[tilespmem:s7], [sflag:$0x1] =	stream.indirect.gather [hbm4b:s1+s30], $0x30, s8, s30, $0xb8;
	[tilespmem:$0x1B000] =	vst v63  }
0xfe: {  	s7 =	sld [smem:$0x7AF]  }
0xff: {  	s8 =	sld [smem:$0x7B0]  }
0x100: {  	[tilespmem:s9], [sflag:$0x1] =	stream.indirect.gather [hbm4b:s13+s30], $0x10, s10, s30, $0xb8;
	[tilespmem:$0x1B000] =	vst v63  }
0x101: {  	s9 =	sld [smem:$0x7B1]  }
0x102: {  	s10 =	sld [smem:$0x7B2]  }
0x103: {  	[tilespmem:s7], [sflag:$0x1] =	stream.indirect.gather [hbm4b:s0+s30], $0x20, s8, s30, $0xb8;
	[tilespmem:$0x1B000] =	vst v63  }
0x104: {  	s7 =	sld [smem:$0x7B3]  }
0x105: {  	s8 =	sld [smem:$0x7B4]  }
0x106: {  	[tilespmem:s9], [sflag:$0x1] =	stream.indirect.gather [hbm4b:s1+s30], $0x30, s10, s30, $0xb8;
	[tilespmem:$0x1B000] =	vst v63  }
0x107: {  	s9 =	sld [smem:$0x7B5]  }
0x108: {  	s10 =	sld [smem:$0x7B6]  }
0x109: {  	[tilespmem:s7], [sflag:$0x1] =	stream.indirect.gather [hbm4b:s1+s30], $0x30, s8, s30, $0xb8;
	[tilespmem:$0x1B000] =	vst v63  }
0x10a: {  	s7 =	sld [smem:$0x7B7]  }
0x10b: {  	s8 =	sld [smem:$0x7B8]  }
0x10c: {  	[tilespmem:s9], [sflag:$0x1] =	stream.indirect.gather [hbm4b:s13+s30], $0x10, s10, s30, $0xb8;
	[tilespmem:$0x1B000] =	vst v63  }
0x10d: {  	s9 =	sld [smem:$0x7B9]  }
0x10e: {  	s10 =	sld [smem:$0x7BA]  }
0x10f: {  	[tilespmem:s7], [sflag:$0x1] =	stream.indirect.gather [hbm4b:s0+s30], $0x20, s8, s30, $0xb8;
	[tilespmem:$0x1B000] =	vst v63  }
0x110: {  	s8 =	sld [smem:$0x7BC]  }
0x111: {  	[tilespmem:s9], [sflag:$0x1] =	stream.indirect.gather [hbm4b:s1+s30], $0x30, s10, s30, $0xb8;
	[tilespmem:$0x1B000] =	vst v63  }
0x112: {  	s9 =	sld [smem:$0x7BD]  }
0x113: {  	s0 =	sld [smem:$0x7BF]  }
0x114: {  	s10 =	sld [smem:$0x7BE]  }
0x115: {  	[tilespmem:s8], [sflag:$0x1] =	stream.indirect.gather [hbm4b:s1+s30], $0x30, s9, s30, $0xb8;
	[tilespmem:$0x1B000] =	vst v63  }
0x116: {  	[smem:$0x7C0] =	sst s13  }
0x117: {  	[tilespmem:s10], [sflag:$0x1] =	stream.indirect.gather [hbm4b:s13+s30], $0x10, s0, s30, $0xb8;
	[tilespmem:$0x1B000] =	vst v63  }
0x118: {  	s6 =	sadd.s32 $0xCE00, s6;
	s7 =	simm.s32 $0x15000;
	s10 =	sld [smem:$0x7C1]  }
0x119: {  	[tilespmem:s7], [sflag:$0x2] =	stream.indirect.gather [hbm4b:s6+s30], $0x30, s11, s30, $0xb8;
	[tilespmem:$0x1B000] =	vst v63  }
0x11a: {  	s8 =	simm.s32 $0x16800;
	s11 =	sld [smem:$0x7C2]  }
0x11b: {  	[tilespmem:s8], [sflag:$0x2] =	stream.indirect.gather [hbm4b:s6+s30], $0x30, s10, s30, $0xb8;
	[tilespmem:$0x1B000] =	vst v63  }
0x11c: {  	s9 =	simm.s32 $0x18000;
	s13 =	sld [smem:$0x7C3]  }
0x11d: {  	[tilespmem:s9], [sflag:$0x2] =	stream.indirect.gather [hbm4b:s6+s30], $0x30, s11, s30, $0xb8;
	[tilespmem:$0x1B000] =	vst v63  }
0x11e: {  	s10 =	simm.s32 $0x19800;
	s11 =	simm.s32 $0x2  }
0x11f: {  	[tilespmem:s10], [sflag:$0x2] =	stream.indirect.gather [hbm4b:s6+s30], $0x30, s13, s30, $0xb8;
	[tilespmem:$0x1B000] =	vst v63  }
0x120: {  	_ =	swait.ge [sflag:s11], $0x1800  }
0x121: {  	[sflag:s11] =	ssyncset.done $0x0  }
0x122: {  	[sflag:s11] =	ssyncadd.s32 $0xFFFFE800  }
0x123: {  	_ =	swait.ge [sflag:s11], $0x1800  }
0x124: {  	[sflag:s11] =	ssyncset.done $0x0  }
0x125: {  	[sflag:s11] =	ssyncadd.s32 $0xFFFFE800  }
0x126: {  	_ =	swait.ge [sflag:s11], $0x1800  }
0x127: {  	[sflag:s11] =	ssyncset.done $0x0  }
0x128: {  	[sflag:s11] =	ssyncadd.s32 $0xFFFFE800  }
0x129: {  	_ =	swait.ge [sflag:s11], $0x1800  }
0x12a: {  	[sflag:s11] =	ssyncset.done $0x0  }
0x12b: {  	s0 =	sld [smem:$0x7C4];
	[sflag:s11] =	ssyncadd.s32 $0xFFFFE800  }
0x12c: {  	[tilespmem:s7], [sflag:$0x2] =	stream.indirect.gather.add.f32 [hbm:s6], $0x30, s14, s30, $0xb8;
	[tilespmem:$0x1B000] =	vst v63  }
0x12d: {  	s14 =	sld [smem:$0x7C5]  }
0x12e: {  	[tilespmem:s8], [sflag:$0x2] =	stream.indirect.gather.add.f32 [hbm:s6], $0x30, s0, s30, $0xb8;
	[tilespmem:$0x1B000] =	vst v63  }
0x12f: {  	s0 =	sld [smem:$0x7C6]  }
0x130: {  	[tilespmem:s9], [sflag:$0x2] =	stream.indirect.gather.add.f32 [hbm:s6], $0x30, s14, s30, $0xb8;
	[tilespmem:$0x1B000] =	vst v63  }
0x131: {  	_ = 	snop  }
0x132: {  	[tilespmem:s10], [sflag:$0x2] =	stream.indirect.gather.add.f32 [hbm:s6], $0x30, s0, s30, $0xb8;
	[tilespmem:$0x1B000] =	vst v63  }
0x133: {  	s14 =	sld [smem:$0x7C7]  }
0x134: {  	[tilespmem:s7], [sflag:$0x2] =	stream.indirect.gather.add.f32 [hbm:s6], $0x30, s16, s30, $0xb8;
	[tilespmem:$0x1B000] =	vst v63  }
0x135: {  	s16 =	sld [smem:$0x7C8]  }
0x136: {  	[tilespmem:s8], [sflag:$0x2] =	stream.indirect.gather.add.f32 [hbm:s6], $0x30, s14, s30, $0xb8;
	[tilespmem:$0x1B000] =	vst v63  }
0x137: {  	s0 =	sld [smem:$0x7C9]  }
0x138: {  	[tilespmem:s9], [sflag:$0x2] =	stream.indirect.gather.add.f32 [hbm:s6], $0x30, s16, s30, $0xb8;
	[tilespmem:$0x1B000] =	vst v63  }
0x139: {  	_ = 	snop  }
0x13a: {  	[tilespmem:s10], [sflag:$0x2] =	stream.indirect.gather.add.f32 [hbm:s6], $0x30, s0, s30, $0xb8;
	[tilespmem:$0x1B000] =	vst v63  }
0x13b: {  	s16 =	sld [smem:$0x7CA]  }
0x13c: {  	[tilespmem:s7], [sflag:$0x2] =	stream.indirect.gather.add.f32 [hbm:s6], $0x30, s17, s30, $0xb8;
	[tilespmem:$0x1B000] =	vst v63  }
0x13d: {  	s17 =	sld [smem:$0x7CB]  }
0x13e: {  	[tilespmem:s8], [sflag:$0x2] =	stream.indirect.gather.add.f32 [hbm:s6], $0x30, s16, s30, $0xb8;
	[tilespmem:$0x1B000] =	vst v63  }
0x13f: {  	s0 =	sld [smem:$0x7CC]  }
0x140: {  	[tilespmem:s9], [sflag:$0x2] =	stream.indirect.gather.add.f32 [hbm:s6], $0x30, s17, s30, $0xb8;
	[tilespmem:$0x1B000] =	vst v63  }
0x141: {  	_ = 	snop  }
0x142: {  	[tilespmem:s10], [sflag:$0x2] =	stream.indirect.gather.add.f32 [hbm:s6], $0x30, s0, s30, $0xb8;
	[tilespmem:$0x1B000] =	vst v63  }
0x143: {  	s14 =	sld [smem:$0x7CD]  }
0x144: {  	[tilespmem:s7], [sflag:$0x2] =	stream.indirect.gather.add.f32 [hbm:s6], $0x30, s18, s30, $0xb8;
	[tilespmem:$0x1B000] =	vst v63  }
0x145: {  	s16 =	sld [smem:$0x7CE]  }
0x146: {  	[tilespmem:s8], [sflag:$0x2] =	stream.indirect.gather.add.f32 [hbm:s6], $0x30, s14, s30, $0xb8;
	[tilespmem:$0x1B000] =	vst v63  }
0x147: {  	s17 =	sld [smem:$0x7CF]  }
0x148: {  	[tilespmem:s9], [sflag:$0x2] =	stream.indirect.gather.add.f32 [hbm:s6], $0x30, s16, s30, $0xb8;
	[tilespmem:$0x1B000] =	vst v63  }
0x149: {  	_ = 	snop  }
0x14a: {  	[tilespmem:s10], [sflag:$0x2] =	stream.indirect.gather.add.f32 [hbm:s6], $0x30, s17, s30, $0xb8;
	[tilespmem:$0x1B000] =	vst v63  }
0x14b: {  	s18 =	sld [smem:$0x7D0]  }
0x14c: {  	[tilespmem:s7], [sflag:$0x2] =	stream.indirect.gather.add.f32 [hbm:s6], $0x30, s19, s30, $0xb8;
	[tilespmem:$0x1B000] =	vst v63  }
0x14d: {  	s0 =	sld [smem:$0x7D1]  }
0x14e: {  	[tilespmem:s8], [sflag:$0x2] =	stream.indirect.gather.add.f32 [hbm:s6], $0x30, s18, s30, $0xb8;
	[tilespmem:$0x1B000] =	vst v63  }
0x14f: {  	s16 =	sld [smem:$0x7D2]  }
0x150: {  	[tilespmem:s9], [sflag:$0x2] =	stream.indirect.gather.add.f32 [hbm:s6], $0x30, s0, s30, $0xb8;
	[tilespmem:$0x1B000] =	vst v63  }
0x151: {  	_ = 	snop  }
0x152: {  	[tilespmem:s10], [sflag:$0x2] =	stream.indirect.gather.add.f32 [hbm:s6], $0x30, s16, s30, $0xb8;
	[tilespmem:$0x1B000] =	vst v63  }
0x153: {  	s17 =	sld [smem:$0x7D3]  }
0x154: {  	[tilespmem:s7], [sflag:$0x2] =	stream.indirect.gather.add.f32 [hbm:s6], $0x30, s20, s30, $0xb8;
	[tilespmem:$0x1B000] =	vst v63  }
0x155: {  	s18 =	sld [smem:$0x7D4]  }
0x156: {  	[tilespmem:s8], [sflag:$0x2] =	stream.indirect.gather.add.f32 [hbm:s6], $0x30, s17, s30, $0xb8;
	[tilespmem:$0x1B000] =	vst v63  }
0x157: {  	s19 =	sld [smem:$0x7D5]  }
0x158: {  	[tilespmem:s9], [sflag:$0x2] =	stream.indirect.gather.add.f32 [hbm:s6], $0x30, s18, s30, $0xb8;
	[tilespmem:$0x1B000] =	vst v63  }
0x159: {  	_ = 	snop  }
0x15a: {  	[tilespmem:s10], [sflag:$0x2] =	stream.indirect.gather.add.f32 [hbm:s6], $0x30, s19, s30, $0xb8;
	[tilespmem:$0x1B000] =	vst v63  }
0x15b: {  	s20 =	sld [smem:$0x7D6]  }
0x15c: {  	[tilespmem:s7], [sflag:$0x2] =	stream.indirect.gather.add.f32 [hbm:s6], $0x30, s21, s30, $0xb8;
	[tilespmem:$0x1B000] =	vst v63  }
0x15d: {  	s0 =	sld [smem:$0x7D7]  }
0x15e: {  	[tilespmem:s8], [sflag:$0x2] =	stream.indirect.gather.add.f32 [hbm:s6], $0x30, s20, s30, $0xb8;
	[tilespmem:$0x1B000] =	vst v63  }
0x15f: {  	s16 =	sld [smem:$0x7D8]  }
0x160: {  	[tilespmem:s9], [sflag:$0x2] =	stream.indirect.gather.add.f32 [hbm:s6], $0x30, s0, s30, $0xb8;
	[tilespmem:$0x1B000] =	vst v63  }
0x161: {  	_ = 	snop  }
0x162: {  	[tilespmem:s10], [sflag:$0x2] =	stream.indirect.gather.add.f32 [hbm:s6], $0x30, s16, s30, $0xb8;
	[tilespmem:$0x1B000] =	vst v63  }
0x163: {  	s17 =	sld [smem:$0x7D9]  }
0x164: {  	[tilespmem:s7], [sflag:$0x2] =	stream.indirect.gather.add.f32 [hbm:s6], $0x30, s22, s30, $0xb8;
	[tilespmem:$0x1B000] =	vst v63  }
0x165: {  	s18 =	sld [smem:$0x7DA]  }
0x166: {  	[tilespmem:s8], [sflag:$0x2] =	stream.indirect.gather.add.f32 [hbm:s6], $0x30, s17, s30, $0xb8;
	[tilespmem:$0x1B000] =	vst v63  }
0x167: {  	s19 =	sld [smem:$0x7DB]  }
0x168: {  	[tilespmem:s9], [sflag:$0x2] =	stream.indirect.gather.add.f32 [hbm:s6], $0x30, s18, s30, $0xb8;
	[tilespmem:$0x1B000] =	vst v63  }
0x169: {  	_ = 	snop  }
0x16a: {  	[tilespmem:s10], [sflag:$0x2] =	stream.indirect.gather.add.f32 [hbm:s6], $0x30, s19, s30, $0xb8;
	[tilespmem:$0x1B000] =	vst v63  }
0x16b: {  	s20 =	sld [smem:$0x7DC]  }
0x16c: {  	[tilespmem:s7], [sflag:$0x2] =	stream.indirect.gather.add.f32 [hbm:s6], $0x30, s23, s30, $0xb8;
	[tilespmem:$0x1B000] =	vst v63  }
0x16d: {  	s21 =	sld [smem:$0x7DD]  }
0x16e: {  	[tilespmem:s8], [sflag:$0x2] =	stream.indirect.gather.add.f32 [hbm:s6], $0x30, s20, s30, $0xb8;
	[tilespmem:$0x1B000] =	vst v63  }
0x16f: {  	s22 =	sld [smem:$0x7DE]  }
0x170: {  	[tilespmem:s9], [sflag:$0x2] =	stream.indirect.gather.add.f32 [hbm:s6], $0x30, s21, s30, $0xb8;
	[tilespmem:$0x1B000] =	vst v63  }
0x171: {  	_ = 	snop  }
0x172: {  	[tilespmem:s10], [sflag:$0x2] =	stream.indirect.gather.add.f32 [hbm:s6], $0x30, s22, s30, $0xb8;
	[tilespmem:$0x1B000] =	vst v63  }
0x173: {  	s23 =	sld [smem:$0x7DF]  }
0x174: {  	[tilespmem:s7], [sflag:$0x2] =	stream.indirect.gather.add.f32 [hbm:s6], $0x30, s24, s30, $0xb8;
	[tilespmem:$0x1B000] =	vst v63  }
0x175: {  	s24 =	sld [smem:$0x7E0]  }
0x176: {  	[tilespmem:s8], [sflag:$0x2] =	stream.indirect.gather.add.f32 [hbm:s6], $0x30, s23, s30, $0xb8;
	[tilespmem:$0x1B000] =	vst v63  }
0x177: {  	s0 =	sld [smem:$0x7E1]  }
0x178: {  	[tilespmem:s9], [sflag:$0x2] =	stream.indirect.gather.add.f32 [hbm:s6], $0x30, s24, s30, $0xb8;
	[tilespmem:$0x1B000] =	vst v63  }
0x179: {  	_ = 	snop  }
0x17a: {  	[tilespmem:s10], [sflag:$0x2] =	stream.indirect.gather.add.f32 [hbm:s6], $0x30, s0, s30, $0xb8;
	[tilespmem:$0x1B000] =	vst v63  }
0x17b: {  	s14 =	sld [smem:$0x7E2]  }
0x17c: {  	[tilespmem:s7], [sflag:$0x2] =	stream.indirect.gather.add.f32 [hbm:s6], $0x30, s25, s30, $0xb8;
	[tilespmem:$0x1B000] =	vst v63  }
0x17d: {  	s16 =	sld [smem:$0x7E3]  }
0x17e: {  	[tilespmem:s8], [sflag:$0x2] =	stream.indirect.gather.add.f32 [hbm:s6], $0x30, s14, s30, $0xb8;
	[tilespmem:$0x1B000] =	vst v63  }
0x17f: {  	s17 =	sld [smem:$0x7E4]  }
0x180: {  	[tilespmem:s9], [sflag:$0x2] =	stream.indirect.gather.add.f32 [hbm:s6], $0x30, s16, s30, $0xb8;
	[tilespmem:$0x1B000] =	vst v63  }
0x181: {  	_ = 	snop  }
0x182: {  	[tilespmem:s10], [sflag:$0x2] =	stream.indirect.gather.add.f32 [hbm:s6], $0x30, s17, s30, $0xb8;
	[tilespmem:$0x1B000] =	vst v63  }
0x183: {  	s18 =	sld [smem:$0x7E5]  }
0x184: {  	[tilespmem:s7], [sflag:$0x2] =	stream.indirect.gather.add.f32 [hbm:s6], $0x30, s26, s30, $0xb8;
	[tilespmem:$0x1B000] =	vst v63  }
0x185: {  	s19 =	sld [smem:$0x7E6]  }
0x186: {  	[tilespmem:s8], [sflag:$0x2] =	stream.indirect.gather.add.f32 [hbm:s6], $0x30, s18, s30, $0xb8;
	[tilespmem:$0x1B000] =	vst v63  }
0x187: {  	s20 =	sld [smem:$0x7E7]  }
0x188: {  	[tilespmem:s9], [sflag:$0x2] =	stream.indirect.gather.add.f32 [hbm:s6], $0x30, s19, s30, $0xb8;
	[tilespmem:$0x1B000] =	vst v63  }
0x189: {  	_ = 	snop  }
0x18a: {  	[tilespmem:s10], [sflag:$0x2] =	stream.indirect.gather.add.f32 [hbm:s6], $0x30, s20, s30, $0xb8;
	[tilespmem:$0x1B000] =	vst v63  }
0x18b: {  	s21 =	sld [smem:$0x7E8]  }
0x18c: {  	[tilespmem:s7], [sflag:$0x2] =	stream.indirect.gather.add.f32 [hbm:s6], $0x30, s29, s30, $0xb8;
	[tilespmem:$0x1B000] =	vst v63  }
0x18d: {  	s22 =	sld [smem:$0x7E9]  }
0x18e: {  	[tilespmem:s8], [sflag:$0x2] =	stream.indirect.gather.add.f32 [hbm:s6], $0x30, s21, s30, $0xb8;
	[tilespmem:$0x1B000] =	vst v63  }
0x18f: {  	s23 =	sld [smem:$0x7EA]  }
0x190: {  	[tilespmem:s9], [sflag:$0x2] =	stream.indirect.gather.add.f32 [hbm:s6], $0x30, s22, s30, $0xb8;
	[tilespmem:$0x1B000] =	vst v63  }
0x191: {  	_ = 	snop  }
0x192: {  	[tilespmem:s10], [sflag:$0x2] =	stream.indirect.gather.add.f32 [hbm:s6], $0x30, s23, s30, $0xb8;
	[tilespmem:$0x1B000] =	vst v63  }
0x193: {  	s24 =	sld [smem:$0x7EB]  }
0x194: {  	[tilespmem:s7], [sflag:$0x2] =	stream.indirect.gather.add.f32 [hbm:s6], $0x30, s31, s30, $0xb8;
	[tilespmem:$0x1B000] =	vst v63  }
0x195: {  	s25 =	sld [smem:$0x7EC]  }
0x196: {  	[tilespmem:s8], [sflag:$0x2] =	stream.indirect.gather.add.f32 [hbm:s6], $0x30, s24, s30, $0xb8;
	[tilespmem:$0x1B000] =	vst v63  }
0x197: {  	s26 =	sld [smem:$0x7ED]  }
0x198: {  	[tilespmem:s9], [sflag:$0x2] =	stream.indirect.gather.add.f32 [hbm:s6], $0x30, s25, s30, $0xb8;
	[tilespmem:$0x1B000] =	vst v63  }
0x199: {  	_ = 	snop  }
0x19a: {  	[tilespmem:s10], [sflag:$0x2] =	stream.indirect.gather.add.f32 [hbm:s6], $0x30, s26, s30, $0xb8;
	[tilespmem:$0x1B000] =	vst v63  }
0x19b: {  	s14 =	simm.s32 $0x2600;
	s31 =	sld [smem:$0x7EE]  }
0x19c: {  	[tilespmem:s7], [sflag:$0x2] =	stream.indirect.gather.add.f32 [hbm:s6], $0x30, s14, s30, $0xb8;
	[tilespmem:$0x1B000] =	vst v63  }
0x19d: {  	s16 =	sld [smem:$0x7EF]  }
0x19e: {  	[tilespmem:s8], [sflag:$0x2] =	stream.indirect.gather.add.f32 [hbm:s6], $0x30, s31, s30, $0xb8;
	[tilespmem:$0x1B000] =	vst v63  }
0x19f: {  	s17 =	sld [smem:$0x7F0]  }
0x1a0: {  	[tilespmem:s9], [sflag:$0x2] =	stream.indirect.gather.add.f32 [hbm:s6], $0x30, s16, s30, $0xb8;
	[tilespmem:$0x1B000] =	vst v63  }
0x1a1: {  	_ = 	snop  }
0x1a2: {  	[tilespmem:s10], [sflag:$0x2] =	stream.indirect.gather.add.f32 [hbm:s6], $0x30, s17, s30, $0xb8;
	[tilespmem:$0x1B000] =	vst v63  }
0x1a3: {  	s18 =	sld [smem:$0x7F1];
	s19 =	simm.s32 $0x2800  }
0x1a4: {  	[tilespmem:s7], [sflag:$0x2] =	stream.indirect.gather.add.f32 [hbm:s6], $0x30, s19, s30, $0xb8;
	[tilespmem:$0x1B000] =	vst v63  }
0x1a5: {  	s20 =	sld [smem:$0x7F2]  }
0x1a6: {  	[tilespmem:s8], [sflag:$0x2] =	stream.indirect.gather.add.f32 [hbm:s6], $0x30, s18, s30, $0xb8;
	[tilespmem:$0x1B000] =	vst v63  }
0x1a7: {  	s21 =	sld [smem:$0x7F3]  }
0x1a8: {  	[tilespmem:s9], [sflag:$0x2] =	stream.indirect.gather.add.f32 [hbm:s6], $0x30, s20, s30, $0xb8;
	[tilespmem:$0x1B000] =	vst v63  }
0x1a9: {  	_ = 	snop  }
0x1aa: {  	[tilespmem:s10], [sflag:$0x2] =	stream.indirect.gather.add.f32 [hbm:s6], $0x30, s21, s30, $0xb8;
	[tilespmem:$0x1B000] =	vst v63  }
0x1ab: {  	s22 =	sld [smem:$0x7F4];
	s23 =	simm.s32 $0x2A00  }
0x1ac: {  	[tilespmem:s7], [sflag:$0x2] =	stream.indirect.gather.add.f32 [hbm:s6], $0x30, s23, s30, $0xb8;
	[tilespmem:$0x1B000] =	vst v63  }
0x1ad: {  	s24 =	sld [smem:$0x7F5]  }
0x1ae: {  	[tilespmem:s8], [sflag:$0x2] =	stream.indirect.gather.add.f32 [hbm:s6], $0x30, s22, s30, $0xb8;
	[tilespmem:$0x1B000] =	vst v63  }
0x1af: {  	s25 =	sld [smem:$0x7F6]  }
0x1b0: {  	[tilespmem:s9], [sflag:$0x2] =	stream.indirect.gather.add.f32 [hbm:s6], $0x30, s24, s30, $0xb8;
	[tilespmem:$0x1B000] =	vst v63  }
0x1b1: {  	_ = 	snop  }
0x1b2: {  	[tilespmem:s10], [sflag:$0x2] =	stream.indirect.gather.add.f32 [hbm:s6], $0x30, s25, s30, $0xb8;
	[tilespmem:$0x1B000] =	vst v63  }
0x1b3: {  	s26 =	sld [smem:$0x7F7];
	s31 =	simm.s32 $0x2C00  }
0x1b4: {  	[tilespmem:s7], [sflag:$0x2] =	stream.indirect.gather.add.f32 [hbm:s6], $0x30, s31, s30, $0xb8;
	[tilespmem:$0x1B000] =	vst v63  }
0x1b5: {  	s0 =	sld [smem:$0x7F8]  }
0x1b6: {  	[tilespmem:s8], [sflag:$0x2] =	stream.indirect.gather.add.f32 [hbm:s6], $0x30, s26, s30, $0xb8;
	[tilespmem:$0x1B000] =	vst v63  }
0x1b7: {  	s16 =	sld [smem:$0x7F9]  }
0x1b8: {  	[tilespmem:s9], [sflag:$0x2] =	stream.indirect.gather.add.f32 [hbm:s6], $0x30, s0, s30, $0xb8;
	[tilespmem:$0x1B000] =	vst v63  }
0x1b9: {  	_ = 	snop  }
0x1ba: {  	[tilespmem:s10], [sflag:$0x2] =	stream.indirect.gather.add.f32 [hbm:s6], $0x30, s16, s30, $0xb8;
	[tilespmem:$0x1B000] =	vst v63  }
0x1bb: {  	s17 =	sld [smem:$0x7FA];
	s18 =	simm.s32 $0x2E00  }
0x1bc: {  	[tilespmem:s7], [sflag:$0x2] =	stream.indirect.gather.add.f32 [hbm:s6], $0x30, s18, s30, $0xb8;
	[tilespmem:$0x1B000] =	vst v63  }
0x1bd: {  	s19 =	sld [smem:$0x7FB]  }
0x1be: {  	[tilespmem:s8], [sflag:$0x2] =	stream.indirect.gather.add.f32 [hbm:s6], $0x30, s17, s30, $0xb8;
	[tilespmem:$0x1B000] =	vst v63  }
0x1bf: {  	s20 =	sld [smem:$0x7FC]  }
0x1c0: {  	[tilespmem:s9], [sflag:$0x2] =	stream.indirect.gather.add.f32 [hbm:s6], $0x30, s19, s30, $0xb8;
	[tilespmem:$0x1B000] =	vst v63  }
0x1c1: {  	_ = 	snop  }
0x1c2: {  	[tilespmem:s10], [sflag:$0x2] =	stream.indirect.gather.add.f32 [hbm:s6], $0x30, s20, s30, $0xb8;
	[tilespmem:$0x1B000] =	vst v63  }
0x1c3: {  	_ =	swait.ge [sflag:s28], $0x1000  }
0x1c4: {  	[sflag:s28] =	ssyncset.done $0x0  }
0x1c5: {  	[sflag:s28] =	ssyncadd.s32 $0xFFFFF000  }
0x1c6: {  	_ =	swait.ge [sflag:s28], $0x1800  }
0x1c7: {  	[sflag:s28] =	ssyncset.done $0x0  }
0x1c8: {  	[sflag:s28] =	ssyncadd.s32 $0xFFFFE800  }
0x1c9: {  	_ =	swait.ge [sflag:s28], $0x1800  }
0x1ca: {  	[sflag:s28] =	ssyncset.done $0x0  }
0x1cb: {  	[sflag:s28] =	ssyncadd.s32 $0xFFFFE800  }
0x1cc: {  	_ =	swait.ge [sflag:s28], $0x800  }
0x1cd: {  	[sflag:s28] =	ssyncset.done $0x0  }
0x1ce: {  	[sflag:s28] =	ssyncadd.s32 $0xFFFFF800  }
0x1cf: {  	_ =	swait.ge [sflag:s28], $0x1000  }
0x1d0: {  	[sflag:s28] =	ssyncset.done $0x0  }
0x1d1: {  	[sflag:s28] =	ssyncadd.s32 $0xFFFFF000  }
0x1d2: {  	_ =	swait.ge [sflag:s28], $0x1800  }
0x1d3: {  	[sflag:s28] =	ssyncset.done $0x0  }
0x1d4: {  	[sflag:s28] =	ssyncadd.s32 $0xFFFFE800  }
0x1d5: {  	_ =	swait.ge [sflag:s28], $0x1800  }
0x1d6: {  	[sflag:s28] =	ssyncset.done $0x0  }
0x1d7: {  	[sflag:s28] =	ssyncadd.s32 $0xFFFFE800  }
0x1d8: {  	_ =	swait.ge [sflag:s28], $0x800  }
0x1d9: {  	[sflag:s28] =	ssyncset.done $0x0  }
0x1da: {  	[sflag:s28] =	ssyncadd.s32 $0xFFFFF800  }
0x1db: {  	_ =	swait.ge [sflag:s28], $0x1000  }
0x1dc: {  	[sflag:s28] =	ssyncset.done $0x0  }
0x1dd: {  	[sflag:s28] =	ssyncadd.s32 $0xFFFFF000  }
0x1de: {  	_ =	swait.ge [sflag:s28], $0x1800  }
0x1df: {  	[sflag:s28] =	ssyncset.done $0x0  }
0x1e0: {  	[sflag:s28] =	ssyncadd.s32 $0xFFFFE800  }
0x1e1: {  	_ =	swait.ge [sflag:s28], $0x1800  }
0x1e2: {  	[sflag:s28] =	ssyncset.done $0x0  }
0x1e3: {  	[sflag:s28] =	ssyncadd.s32 $0xFFFFE800  }
0x1e4: {  	_ =	swait.ge [sflag:s28], $0x800  }
0x1e5: {  	[sflag:s28] =	ssyncset.done $0x0  }
0x1e6: {  	[sflag:s28] =	ssyncadd.s32 $0xFFFFF800  }
0x1e7: {  	_ =	swait.ge [sflag:s28], $0x1000  }
0x1e8: {  	[sflag:s28] =	ssyncset.done $0x0  }
0x1e9: {  	[sflag:s28] =	ssyncadd.s32 $0xFFFFF000  }
0x1ea: {  	_ =	swait.ge [sflag:s28], $0x1800  }
0x1eb: {  	[sflag:s28] =	ssyncset.done $0x0  }
0x1ec: {  	[sflag:s28] =	ssyncadd.s32 $0xFFFFE800  }
0x1ed: {  	_ =	swait.ge [sflag:s28], $0x1800  }
0x1ee: {  	[sflag:s28] =	ssyncset.done $0x0  }
0x1ef: {  	[sflag:s28] =	ssyncadd.s32 $0xFFFFE800  }
0x1f0: {  	_ =	swait.ge [sflag:s28], $0x800  }
0x1f1: {  	[sflag:s28] =	ssyncset.done $0x0  }
0x1f2: {  	s21 =	rddreg [dreg:$0x1c];
	[sflag:s28] =	ssyncadd.s32 $0xFFFFF800  }
0x1f3: {  	[hbm4b:s21+s2] =	stream.linear.scatter [tilespmem:s12], [sflag:$0x3], $0x4000, $0x38;
	[tilespmem:$0x1B000] =	vst v63  }
0x1f4: {  	s22 =	rddreg [dreg:$0x1d]  }
0x1f5: {  	[hbm4b:s22+s2] =	stream.linear.scatter [tilespmem:s4], [sflag:$0x3], $0x6000, $0x38;
	[tilespmem:$0x1B000] =	vst v63  }
0x1f6: {  	s23 =	rddreg [dreg:$0x1e]  }
0x1f7: {  	[hbm4b:s23+s2] =	stream.linear.scatter [tilespmem:s5], [sflag:$0x3], $0x6000, $0x38;
	[tilespmem:$0x1B000] =	vst v63  }
0x1f8: {  	s24 =	rddreg [dreg:$0x1f]  }
0x1f9: {  	[hbm4b:s24+s2] =	stream.linear.scatter [tilespmem:s3], [sflag:$0x3], $0x2000, $0x38;
	[tilespmem:$0x1B000] =	vst v63  }
0x1fa: {  	_ =	swait.ge [sflag:s11], $0x6000  }
0x1fb: {  	[sflag:s11] =	ssyncset.done $0x0  }
0x1fc: {  	[sflag:s11] =	ssyncadd.s32 $0xFFFFA000  }
0x1fd: {  	_ =	swait.ge [sflag:s11], $0x6000  }
0x1fe: {  	[sflag:s11] =	ssyncset.done $0x0  }
0x1ff: {  	[sflag:s11] =	ssyncadd.s32 $0xFFFFA000  }
0x200: {  	_ =	swait.ge [sflag:s11], $0x6000  }
0x201: {  	[sflag:s11] =	ssyncset.done $0x0  }
0x202: {  	[sflag:s11] =	ssyncadd.s32 $0xFFFFA000  }
0x203: {  	_ =	swait.ge [sflag:s11], $0x6000  }
0x204: {  	[sflag:s11] =	ssyncset.done $0x0  }
0x205: {  	[sflag:s11] =	ssyncadd.s32 $0xFFFFA000  }
0x206: {  	_ =	swait.ge [sflag:s11], $0x6000  }
0x207: {  	[sflag:s11] =	ssyncset.done $0x0  }
0x208: {  	[sflag:s11] =	ssyncadd.s32 $0xFFFFA000  }
0x209: {  	_ =	swait.ge [sflag:s11], $0x6000  }
0x20a: {  	[sflag:s11] =	ssyncset.done $0x0  }
0x20b: {  	[sflag:s11] =	ssyncadd.s32 $0xFFFFA000  }
0x20c: {  	_ =	swait.ge [sflag:s11], $0x6000  }
0x20d: {  	[sflag:s11] =	ssyncset.done $0x0  }
0x20e: {  	[sflag:s11] =	ssyncadd.s32 $0xFFFFA000  }
0x20f: {  	_ =	swait.ge [sflag:s11], $0x6000  }
0x210: {  	[sflag:s11] =	ssyncset.done $0x0  }
0x211: {  	[sflag:s11] =	ssyncadd.s32 $0xFFFFA000  }
0x212: {  	_ =	swait.ge [sflag:s11], $0x6000  }
0x213: {  	[sflag:s11] =	ssyncset.done $0x0  }
0x214: {  	[sflag:s11] =	ssyncadd.s32 $0xFFFFA000  }
0x215: {  	_ =	swait.ge [sflag:s11], $0x6000  }
0x216: {  	[sflag:s11] =	ssyncset.done $0x0  }
0x217: {  	[sflag:s11] =	ssyncadd.s32 $0xFFFFA000  }
0x218: {  	_ =	swait.ge [sflag:s11], $0x6000  }
0x219: {  	[sflag:s11] =	ssyncset.done $0x0  }
0x21a: {  	[sflag:s11] =	ssyncadd.s32 $0xFFFFA000  }
0x21b: {  	_ =	swait.ge [sflag:s11], $0x6000  }
0x21c: {  	[sflag:s11] =	ssyncset.done $0x0  }
0x21d: {  	[sflag:s11] =	ssyncadd.s32 $0xFFFFA000  }
0x21e: {  	_ =	swait.ge [sflag:s11], $0x6000  }
0x21f: {  	[sflag:s11] =	ssyncset.done $0x0  }
0x220: {  	[sflag:s11] =	ssyncadd.s32 $0xFFFFA000  }
0x221: {  	_ =	swait.ge [sflag:s11], $0x6000  }
0x222: {  	[sflag:s11] =	ssyncset.done $0x0  }
0x223: {  	[sflag:s11] =	ssyncadd.s32 $0xFFFFA000  }
0x224: {  	_ =	swait.ge [sflag:s11], $0x6000  }
0x225: {  	[sflag:s11] =	ssyncset.done $0x0  }
0x226: {  	[sflag:s11] =	ssyncadd.s32 $0xFFFFA000  }
0x227: {  	_ =	swait.ge [sflag:s11], $0x6000  }
0x228: {  	[sflag:s11] =	ssyncset.done $0x0  }
0x229: {  	[sflag:s11] =	ssyncadd.s32 $0xFFFFA000  }
0x22a: {  	_ =	swait.ge [sflag:s11], $0x6000  }
0x22b: {  	[sflag:s11] =	ssyncset.done $0x0  }
0x22c: {  	[sflag:s11] =	ssyncadd.s32 $0xFFFFA000  }
0x22d: {  	_ =	swait.ge [sflag:s11], $0x6000  }
0x22e: {  	[sflag:s11] =	ssyncset.done $0x0  }
0x22f: {  	[sflag:s11] =	ssyncadd.s32 $0xFFFFA000  }
0x230: {  	_ =	swait.ge [sflag:s11], $0x6000  }
0x231: {  	s31 =	ssub.s32 $0x2, s15;
	s25 =	sld [smem:$0x7FD]  }
0x232: {  	s15 =	sshrl.u32 s31, $0x1;
	[sflag:s11] =	ssyncset.done $0x0  }
0x233: {  	s26 =	simm.s32 $0x4;
	s14 =	ssub.s32 s31, s15;
	[sflag:s11] =	ssyncadd.s32 $0xFFFFA000  }
0x234: {  	[hbm4b:s25+s2] =	stream.linear.scatter [tilespmem:s7], [sflag:$0x4], $0x6000, $0x38;
	[tilespmem:$0x1B000] =	vst v63  }
0x235: {  	s14 =	smax.u32 s14, $0x1;
	_ =	swait.ge [sflag:s26], $0x6000  }
0x236: {  	p0 =	sne.s32 s14, $0x1;
	[sflag:s26] =	ssyncset.done $0x0  }
.Ltmp0:
0x237: {  	s29 =	simm.s32 $0x3;
	[sflag:s26] =	ssyncadd.s32 $0xFFFFA000;
	(pc) =	sbr.rel @!p0 .LBB2_3-.Ltmp0, $4  }
0x238: {  	_ =	swait.ge [sflag:s29], $0x4000  }
0x239: {  	[sflag:s29] =	ssyncset.done $0x0  }
0x23a: {  	[sflag:s29] =	ssyncadd.s32 $0xFFFFC000  }
0x23b: {  	s14 =	sadd.s32 $0xFFFFFFFF, s14;
	_ =	swait.ge [sflag:s29], $0x6000  }
0x23c: {  	s3 =	simm.s32 $0x800;
	s4 =	simm.s32 $0xA00;
	s5 =	simm.s32 $0xC00  }
.LBB2_2:
0x23d: {  	[sflag:s29] =	ssyncset.done $0x0  }
0x23e: {  	[sflag:s29] =	ssyncadd.s32 $0xFFFFA000  }
0x23f: {  	_ =	swait.ge [sflag:s29], $0x6000  }
0x240: {  	[sflag:s29] =	ssyncset.done $0x0  }
0x241: {  	[sflag:s29] =	ssyncadd.s32 $0xFFFFA000  }
0x242: {  	_ =	swait.ge [sflag:s29], $0x2000  }
0x243: {  	s15 =	rddreg [dreg:$0x5];
	[sflag:s29] =	ssyncset.done $0x0  }
0x244: {  	s16 =	rddreg [dreg:$0x6];
	[sflag:s29] =	ssyncadd.s32 $0xFFFFE000  }
0x245: {  	[tilespmem:s2], [sflag:$0x1] =	stream.linear.gather [hbm4b:s15+s2], $0x200, $0x38;
	[tilespmem:$0x1B000] =	vst v63  }
0x246: {  	s31 =	simm.s32 $0x200;
	s18 =	rddreg [dreg:$0x7]  }
0x247: {  	[tilespmem:s31], [sflag:$0x1] =	stream.linear.gather [hbm4b:s16+s2], $0x200, $0x38;
	[tilespmem:$0x1B000] =	vst v63  }
0x248: {  	s25 =	simm.s32 $0x400;
	s19 =	rddreg [dreg:$0x8]  }
0x249: {  	[tilespmem:s25], [sflag:$0x1] =	stream.linear.gather [hbm4b:s18+s2], $0x200, $0x38;
	[tilespmem:$0x1B000] =	vst v63  }
0x24a: {  	s26 =	simm.s32 $0x600;
	s21 =	sld [smem:$0x7A7]  }
0x24b: {  	[tilespmem:s26], [sflag:$0x1] =	stream.linear.gather [hbm4b:s19+s2], $0x200, $0x38;
	[tilespmem:$0x1B000] =	vst v63  }
0x24c: {  	_ = 	snop  }
0x24d: {  	[tilespmem:s3], [sflag:$0x1] =	stream.linear.gather [hbm4b:s21+s2], $0x200, $0x38;
	[tilespmem:$0x1B000] =	vst v63  }
0x24e: {  	s20 =	rddreg [dreg:$0x9]  }
0x24f: {  	[tilespmem:s4], [sflag:$0x1] =	stream.linear.gather [hbm4b:s20+s2], $0x200, $0x38;
	[tilespmem:$0x1B000] =	vst v63  }
0x250: {  	s22 =	rddreg [dreg:$0xa]  }
0x251: {  	[tilespmem:s5], [sflag:$0x1] =	stream.linear.gather [hbm4b:s22+s2], $0x200, $0x38;
	[tilespmem:$0x1B000] =	vst v63  }
0x252: {  	s0 =	simm.s32 $0xE00;
	s23 =	rddreg [dreg:$0xb]  }
0x253: {  	[tilespmem:s0], [sflag:$0x1] =	stream.linear.gather [hbm4b:s23+s2], $0x200, $0x38;
	[tilespmem:$0x1B000] =	vst v63  }
0x254: {  	s13 =	simm.s32 $0x1000;
	s24 =	rddreg [dreg:$0xc]  }
0x255: {  	[tilespmem:s13], [sflag:$0x1] =	stream.linear.gather [hbm4b:s24+s2], $0x200, $0x38;
	[tilespmem:$0x1B000] =	vst v63  }
0x256: {  	s12 =	rddreg [dreg:$0xd];
	s18 =	simm.s32 $0x1200  }
0x257: {  	[tilespmem:s18], [sflag:$0x1] =	stream.linear.gather [hbm4b:s12+s2], $0x200, $0x38;
	[tilespmem:$0x1B000] =	vst v63  }
0x258: {  	s17 =	rddreg [dreg:$0xe];
	s20 =	simm.s32 $0x1400  }
0x259: {  	[tilespmem:s20], [sflag:$0x1] =	stream.linear.gather [hbm4b:s17+s2], $0x200, $0x38;
	[tilespmem:$0x1B000] =	vst v63  }
0x25a: {  	s19 =	rddreg [dreg:$0xf];
	s22 =	simm.s32 $0x1600  }
0x25b: {  	[tilespmem:s22], [sflag:$0x1] =	stream.linear.gather [hbm4b:s19+s2], $0x200, $0x38;
	[tilespmem:$0x1B000] =	vst v63  }
0x25c: {  	s21 =	rddreg [dreg:$0x10];
	s24 =	simm.s32 $0x1800  }
0x25d: {  	[tilespmem:s24], [sflag:$0x1] =	stream.linear.gather [hbm4b:s21+s2], $0x200, $0x38;
	[tilespmem:$0x1B000] =	vst v63  }
0x25e: {  	s23 =	rddreg [dreg:$0x11];
	s13 =	simm.s32 $0x1A00  }
0x25f: {  	[tilespmem:s13], [sflag:$0x1] =	stream.linear.gather [hbm4b:s23+s2], $0x200, $0x38;
	[tilespmem:$0x1B000] =	vst v63  }
0x260: {  	s12 =	rddreg [dreg:$0x12];
	s18 =	simm.s32 $0x1C00  }
0x261: {  	[tilespmem:s18], [sflag:$0x1] =	stream.linear.gather [hbm4b:s12+s2], $0x200, $0x38;
	[tilespmem:$0x1B000] =	vst v63  }
0x262: {  	s17 =	rddreg [dreg:$0x13];
	s20 =	simm.s32 $0x1E00  }
0x263: {  	[tilespmem:s20], [sflag:$0x1] =	stream.linear.gather [hbm4b:s17+s2], $0x200, $0x38;
	[tilespmem:$0x1B000] =	vst v63  }
0x264: {  	s19 =	rddreg [dreg:$0x14];
	s22 =	simm.s32 $0x2000  }
0x265: {  	[tilespmem:s22], [sflag:$0x1] =	stream.linear.gather [hbm4b:s19+s2], $0x200, $0x38;
	[tilespmem:$0x1B000] =	vst v63  }
0x266: {  	s21 =	rddreg [dreg:$0x15];
	s24 =	simm.s32 $0x2200  }
0x267: {  	[tilespmem:s24], [sflag:$0x1] =	stream.linear.gather [hbm4b:s21+s2], $0x200, $0x38;
	[tilespmem:$0x1B000] =	vst v63  }
0x268: {  	s23 =	rddreg [dreg:$0x16];
	s13 =	simm.s32 $0x2400  }
0x269: {  	[tilespmem:s13], [sflag:$0x1] =	stream.linear.gather [hbm4b:s23+s2], $0x200, $0x38;
	[tilespmem:$0x1B000] =	vst v63  }
0x26a: {  	s12 =	rddreg [dreg:$0x17];
	s18 =	simm.s32 $0x2600  }
0x26b: {  	[tilespmem:s18], [sflag:$0x1] =	stream.linear.gather [hbm4b:s12+s2], $0x200, $0x38;
	[tilespmem:$0x1B000] =	vst v63  }
0x26c: {  	s17 =	rddreg [dreg:$0x18];
	s20 =	simm.s32 $0x2800  }
0x26d: {  	[tilespmem:s20], [sflag:$0x1] =	stream.linear.gather [hbm4b:s17+s2], $0x200, $0x38;
	[tilespmem:$0x1B000] =	vst v63  }
0x26e: {  	s19 =	rddreg [dreg:$0x19];
	s22 =	simm.s32 $0x2A00  }
0x26f: {  	[tilespmem:s22], [sflag:$0x1] =	stream.linear.gather [hbm4b:s19+s2], $0x200, $0x38;
	[tilespmem:$0x1B000] =	vst v63  }
0x270: {  	s21 =	rddreg [dreg:$0x1a];
	s24 =	simm.s32 $0x2C00  }
0x271: {  	[tilespmem:s24], [sflag:$0x1] =	stream.linear.gather [hbm4b:s21+s2], $0x200, $0x38;
	[tilespmem:$0x1B000] =	vst v63  }
0x272: {  	s23 =	rddreg [dreg:$0x1b];
	s12 =	simm.s32 $0x2E00  }
0x273: {  	[tilespmem:s12], [sflag:$0x1] =	stream.linear.gather [hbm4b:s23+s2], $0x200, $0x38;
	[tilespmem:$0x1B000] =	vst v63  }
0x274: {  	_ =	swait.ge [sflag:s28], $0x200  }
0x275: {  	[sflag:s28] =	ssyncset.done $0x0  }
0x276: {  	[sflag:s28] =	ssyncadd.s32 $0xFFFFFE00  }
0x277: {  	_ =	swait.ge [sflag:s28], $0x200  }
0x278: {  	[sflag:s28] =	ssyncset.done $0x0  }
0x279: {  	[sflag:s28] =	ssyncadd.s32 $0xFFFFFE00  }
0x27a: {  	_ =	swait.ge [sflag:s28], $0x200  }
0x27b: {  	[sflag:s28] =	ssyncset.done $0x0  }
0x27c: {  	[sflag:s28] =	ssyncadd.s32 $0xFFFFFE00  }
0x27d: {  	_ =	swait.ge [sflag:s28], $0x200  }
0x27e: {  	[sflag:s28] =	ssyncset.done $0x0  }
0x27f: {  	[sflag:s28] =	ssyncadd.s32 $0xFFFFFE00  }
0x280: {  	_ =	swait.ge [sflag:s28], $0x200  }
0x281: {  	[sflag:s28] =	ssyncset.done $0x0  }
0x282: {  	[sflag:s28] =	ssyncadd.s32 $0xFFFFFE00  }
0x283: {  	_ =	swait.ge [sflag:s28], $0x200  }
0x284: {  	[sflag:s28] =	ssyncset.done $0x0  }
0x285: {  	[sflag:s28] =	ssyncadd.s32 $0xFFFFFE00  }
0x286: {  	_ =	swait.ge [sflag:s28], $0x200  }
0x287: {  	[sflag:s28] =	ssyncset.done $0x0  }
0x288: {  	[sflag:s28] =	ssyncadd.s32 $0xFFFFFE00  }
0x289: {  	_ =	swait.ge [sflag:s28], $0x200  }
0x28a: {  	[sflag:s28] =	ssyncset.done $0x0  }
0x28b: {  	[sflag:s28] =	ssyncadd.s32 $0xFFFFFE00  }
0x28c: {  	_ =	swait.ge [sflag:s28], $0x200  }
0x28d: {  	[sflag:s28] =	ssyncset.done $0x0  }
0x28e: {  	[sflag:s28] =	ssyncadd.s32 $0xFFFFFE00  }
0x28f: {  	_ =	swait.ge [sflag:s28], $0x200  }
0x290: {  	[sflag:s28] =	ssyncset.done $0x0  }
0x291: {  	[sflag:s28] =	ssyncadd.s32 $0xFFFFFE00  }
0x292: {  	_ =	swait.ge [sflag:s28], $0x200  }
0x293: {  	[sflag:s28] =	ssyncset.done $0x0  }
0x294: {  	[sflag:s28] =	ssyncadd.s32 $0xFFFFFE00  }
0x295: {  	_ =	swait.ge [sflag:s28], $0x200  }
0x296: {  	[sflag:s28] =	ssyncset.done $0x0  }
0x297: {  	[sflag:s28] =	ssyncadd.s32 $0xFFFFFE00  }
0x298: {  	_ =	swait.ge [sflag:s28], $0x200  }
0x299: {  	[sflag:s28] =	ssyncset.done $0x0  }
0x29a: {  	[sflag:s28] =	ssyncadd.s32 $0xFFFFFE00  }
0x29b: {  	_ =	swait.ge [sflag:s28], $0x200  }
0x29c: {  	[sflag:s28] =	ssyncset.done $0x0  }
0x29d: {  	[sflag:s28] =	ssyncadd.s32 $0xFFFFFE00  }
0x29e: {  	_ =	swait.ge [sflag:s28], $0x200  }
0x29f: {  	[sflag:s28] =	ssyncset.done $0x0  }
0x2a0: {  	[sflag:s28] =	ssyncadd.s32 $0xFFFFFE00  }
0x2a1: {  	_ =	swait.ge [sflag:s28], $0x200  }
0x2a2: {  	[sflag:s28] =	ssyncset.done $0x0  }
0x2a3: {  	[sflag:s28] =	ssyncadd.s32 $0xFFFFFE00  }
0x2a4: {  	_ =	swait.ge [sflag:s28], $0x200  }
0x2a5: {  	[sflag:s28] =	ssyncset.done $0x0  }
0x2a6: {  	[sflag:s28] =	ssyncadd.s32 $0xFFFFFE00  }
0x2a7: {  	_ =	swait.ge [sflag:s28], $0x200  }
0x2a8: {  	[sflag:s28] =	ssyncset.done $0x0  }
0x2a9: {  	[sflag:s28] =	ssyncadd.s32 $0xFFFFFE00  }
0x2aa: {  	_ =	swait.ge [sflag:s28], $0x200  }
0x2ab: {  	[sflag:s28] =	ssyncset.done $0x0  }
0x2ac: {  	[sflag:s28] =	ssyncadd.s32 $0xFFFFFE00  }
0x2ad: {  	_ =	swait.ge [sflag:s28], $0x200  }
0x2ae: {  	[sflag:s28] =	ssyncset.done $0x0  }
0x2af: {  	[sflag:s28] =	ssyncadd.s32 $0xFFFFFE00  }
0x2b0: {  	_ =	swait.ge [sflag:s28], $0x200  }
0x2b1: {  	[sflag:s28] =	ssyncset.done $0x0  }
0x2b2: {  	[sflag:s28] =	ssyncadd.s32 $0xFFFFFE00  }
0x2b3: {  	_ =	swait.ge [sflag:s28], $0x200  }
0x2b4: {  	[sflag:s28] =	ssyncset.done $0x0  }
0x2b5: {  	[sflag:s28] =	ssyncadd.s32 $0xFFFFFE00  }
0x2b6: {  	_ =	swait.ge [sflag:s28], $0x200  }
0x2b7: {  	[sflag:s28] =	ssyncset.done $0x0  }
0x2b8: {  	[sflag:s28] =	ssyncadd.s32 $0xFFFFFE00  }
0x2b9: {  	_ =	swait.ge [sflag:s28], $0x200  }
0x2ba: {  	s15 =	sld [smem:$0x7BE]  }
0x2bb: {  	s16 =	sld [smem:$0x7BC]  }
0x2bc: {  	s17 =	sld [smem:$0x7B9]  }
0x2bd: {  	s18 =	sld [smem:$0x7B7]  }
0x2be: {  	s19 =	sld [smem:$0x7B5]  }
0x2bf: {  	s20 =	sld [smem:$0x7B3]  }
0x2c0: {  	s21 =	sld [smem:$0x7AB]  }
0x2c1: {  	s22 =	sld [smem:$0x7AD]  }
0x2c2: {  	s0 =	sld [smem:$0x7BB]  }
0x2c3: {  	[sflag:s28] =	ssyncset.done $0x0;
	s23 =	sld [smem:$0x7AF]  }
0x2c4: {  	s12 =	simm.s32 $0x3000;
	s24 =	sld [smem:$0x7B1];
	[sflag:s28] =	ssyncadd.s32 $0xFFFFFE00  }
0x2c5: {  	[tilespmem:s12], [sflag:$0x1] =	stream.indirect.gather [hbm4b:s0+s30], $0x20, s2, s30, $0xb8;
	[tilespmem:$0x1B000] =	vst v63  }
0x2c6: {  	s13 =	simm.s32 $0x7000;
	s12 =	sld [smem:$0x7C0]  }
0x2c7: {  	[tilespmem:s13], [sflag:$0x1] =	stream.indirect.gather [hbm4b:s1+s30], $0x30, s25, s30, $0xb8;
	[tilespmem:$0x1B000] =	vst v63  }
0x2c8: {  	s25 =	sld [smem:$0x7A9];
	s13 =	simm.s32 $0xD000  }
0x2c9: {  	[tilespmem:s13], [sflag:$0x1] =	stream.indirect.gather [hbm4b:s1+s30], $0x30, s26, s30, $0xb8;
	[tilespmem:$0x1B000] =	vst v63  }
0x2ca: {  	s26 =	sld [smem:$0x7A8];
	s13 =	simm.s32 $0x13000  }
0x2cb: {  	[tilespmem:s13], [sflag:$0x1] =	stream.indirect.gather [hbm4b:s12+s30], $0x10, s31, s30, $0xb8;
	[tilespmem:$0x1B000] =	vst v63  }
0x2cc: {  	s31 =	sld [smem:$0x7AA]  }
0x2cd: {  	[tilespmem:s26], [sflag:$0x1] =	stream.indirect.gather [hbm4b:s0+s30], $0x20, s30, s30, $0xb8;
	[tilespmem:$0x1B000] =	vst v63  }
0x2ce: {  	s26 =	sld [smem:$0x7AC]  }
0x2cf: {  	[tilespmem:s25], [sflag:$0x1] =	stream.indirect.gather [hbm4b:s1+s30], $0x30, s31, s30, $0xb8;
	[tilespmem:$0x1B000] =	vst v63  }
0x2d0: {  	s25 =	sld [smem:$0x7AE]  }
0x2d1: {  	[tilespmem:s21], [sflag:$0x1] =	stream.indirect.gather [hbm4b:s1+s30], $0x30, s26, s30, $0xb8;
	[tilespmem:$0x1B000] =	vst v63  }
0x2d2: {  	s31 =	sld [smem:$0x7B0]  }
0x2d3: {  	[tilespmem:s22], [sflag:$0x1] =	stream.indirect.gather [hbm4b:s12+s30], $0x10, s25, s30, $0xb8;
	[tilespmem:$0x1B000] =	vst v63  }
0x2d4: {  	s25 =	sld [smem:$0x7B2]  }
0x2d5: {  	[tilespmem:s23], [sflag:$0x1] =	stream.indirect.gather [hbm4b:s0+s30], $0x20, s31, s30, $0xb8;
	[tilespmem:$0x1B000] =	vst v63  }
0x2d6: {  	s26 =	sld [smem:$0x7B4]  }
0x2d7: {  	[tilespmem:s24], [sflag:$0x1] =	stream.indirect.gather [hbm4b:s1+s30], $0x30, s25, s30, $0xb8;
	[tilespmem:$0x1B000] =	vst v63  }
0x2d8: {  	s31 =	sld [smem:$0x7B6]  }
0x2d9: {  	[tilespmem:s20], [sflag:$0x1] =	stream.indirect.gather [hbm4b:s1+s30], $0x30, s26, s30, $0xb8;
	[tilespmem:$0x1B000] =	vst v63  }
0x2da: {  	s23 =	sld [smem:$0x7B8]  }
0x2db: {  	[tilespmem:s19], [sflag:$0x1] =	stream.indirect.gather [hbm4b:s12+s30], $0x10, s31, s30, $0xb8;
	[tilespmem:$0x1B000] =	vst v63  }
0x2dc: {  	s24 =	sld [smem:$0x7BA]  }
0x2dd: {  	[tilespmem:s18], [sflag:$0x1] =	stream.indirect.gather [hbm4b:s0+s30], $0x20, s23, s30, $0xb8;
	[tilespmem:$0x1B000] =	vst v63  }
0x2de: {  	s25 =	sld [smem:$0x7BD]  }
0x2df: {  	[tilespmem:s17], [sflag:$0x1] =	stream.indirect.gather [hbm4b:s1+s30], $0x30, s24, s30, $0xb8;
	[tilespmem:$0x1B000] =	vst v63  }
0x2e0: {  	s26 =	sld [smem:$0x7BF]  }
0x2e1: {  	[tilespmem:s16], [sflag:$0x1] =	stream.indirect.gather [hbm4b:s1+s30], $0x30, s25, s30, $0xb8;
	[tilespmem:$0x1B000] =	vst v63  }
0x2e2: {  	_ = 	snop  }
0x2e3: {  	[tilespmem:s15], [sflag:$0x1] =	stream.indirect.gather [hbm4b:s12+s30], $0x10, s26, s30, $0xb8;
	[tilespmem:$0x1B000] =	vst v63  }
0x2e4: {  	s31 =	sld [smem:$0x7C1]  }
0x2e5: {  	[tilespmem:s7], [sflag:$0x2] =	stream.indirect.gather [hbm4b:s6+s30], $0x30, s3, s30, $0xb8;
	[tilespmem:$0x1B000] =	vst v63  }
0x2e6: {  	s0 =	sld [smem:$0x7C2]  }
0x2e7: {  	[tilespmem:s8], [sflag:$0x2] =	stream.indirect.gather [hbm4b:s6+s30], $0x30, s31, s30, $0xb8;
	[tilespmem:$0x1B000] =	vst v63  }
0x2e8: {  	s12 =	sld [smem:$0x7C3]  }
0x2e9: {  	[tilespmem:s9], [sflag:$0x2] =	stream.indirect.gather [hbm4b:s6+s30], $0x30, s0, s30, $0xb8;
	[tilespmem:$0x1B000] =	vst v63  }
0x2ea: {  	_ = 	snop  }
0x2eb: {  	[tilespmem:s10], [sflag:$0x2] =	stream.indirect.gather [hbm4b:s6+s30], $0x30, s12, s30, $0xb8;
	[tilespmem:$0x1B000] =	vst v63  }
0x2ec: {  	_ =	swait.ge [sflag:s11], $0x1800  }
0x2ed: {  	[sflag:s11] =	ssyncset.done $0x0  }
0x2ee: {  	[sflag:s11] =	ssyncadd.s32 $0xFFFFE800  }
0x2ef: {  	_ =	swait.ge [sflag:s11], $0x1800  }
0x2f0: {  	[sflag:s11] =	ssyncset.done $0x0  }
0x2f1: {  	[sflag:s11] =	ssyncadd.s32 $0xFFFFE800  }
0x2f2: {  	_ =	swait.ge [sflag:s11], $0x1800  }
0x2f3: {  	[sflag:s11] =	ssyncset.done $0x0  }
0x2f4: {  	[sflag:s11] =	ssyncadd.s32 $0xFFFFE800  }
0x2f5: {  	_ =	swait.ge [sflag:s11], $0x1800  }
0x2f6: {  	[sflag:s11] =	ssyncset.done $0x0  }
0x2f7: {  	s17 =	sld [smem:$0x7C4];
	[sflag:s11] =	ssyncadd.s32 $0xFFFFE800  }
0x2f8: {  	[tilespmem:s7], [sflag:$0x2] =	stream.indirect.gather.add.f32 [hbm:s6], $0x30, s4, s30, $0xb8;
	[tilespmem:$0x1B000] =	vst v63  }
0x2f9: {  	s18 =	sld [smem:$0x7C5]  }
0x2fa: {  	[tilespmem:s8], [sflag:$0x2] =	stream.indirect.gather.add.f32 [hbm:s6], $0x30, s17, s30, $0xb8;
	[tilespmem:$0x1B000] =	vst v63  }
0x2fb: {  	s19 =	sld [smem:$0x7C6]  }
0x2fc: {  	[tilespmem:s9], [sflag:$0x2] =	stream.indirect.gather.add.f32 [hbm:s6], $0x30, s18, s30, $0xb8;
	[tilespmem:$0x1B000] =	vst v63  }
0x2fd: {  	_ = 	snop  }
0x2fe: {  	[tilespmem:s10], [sflag:$0x2] =	stream.indirect.gather.add.f32 [hbm:s6], $0x30, s19, s30, $0xb8;
	[tilespmem:$0x1B000] =	vst v63  }
0x2ff: {  	s20 =	sld [smem:$0x7C7]  }
0x300: {  	[tilespmem:s7], [sflag:$0x2] =	stream.indirect.gather.add.f32 [hbm:s6], $0x30, s5, s30, $0xb8;
	[tilespmem:$0x1B000] =	vst v63  }
0x301: {  	s21 =	sld [smem:$0x7C8]  }
0x302: {  	[tilespmem:s8], [sflag:$0x2] =	stream.indirect.gather.add.f32 [hbm:s6], $0x30, s20, s30, $0xb8;
	[tilespmem:$0x1B000] =	vst v63  }
0x303: {  	s22 =	sld [smem:$0x7C9]  }
0x304: {  	[tilespmem:s9], [sflag:$0x2] =	stream.indirect.gather.add.f32 [hbm:s6], $0x30, s21, s30, $0xb8;
	[tilespmem:$0x1B000] =	vst v63  }
0x305: {  	_ = 	snop  }
0x306: {  	[tilespmem:s10], [sflag:$0x2] =	stream.indirect.gather.add.f32 [hbm:s6], $0x30, s22, s30, $0xb8;
	[tilespmem:$0x1B000] =	vst v63  }
0x307: {  	s25 =	simm.s32 $0xE00;
	s23 =	sld [smem:$0x7CA]  }
0x308: {  	[tilespmem:s7], [sflag:$0x2] =	stream.indirect.gather.add.f32 [hbm:s6], $0x30, s25, s30, $0xb8;
	[tilespmem:$0x1B000] =	vst v63  }
0x309: {  	s24 =	sld [smem:$0x7CB]  }
0x30a: {  	[tilespmem:s8], [sflag:$0x2] =	stream.indirect.gather.add.f32 [hbm:s6], $0x30, s23, s30, $0xb8;
	[tilespmem:$0x1B000] =	vst v63  }
0x30b: {  	s26 =	sld [smem:$0x7CC]  }
0x30c: {  	[tilespmem:s9], [sflag:$0x2] =	stream.indirect.gather.add.f32 [hbm:s6], $0x30, s24, s30, $0xb8;
	[tilespmem:$0x1B000] =	vst v63  }
0x30d: {  	_ = 	snop  }
0x30e: {  	[tilespmem:s10], [sflag:$0x2] =	stream.indirect.gather.add.f32 [hbm:s6], $0x30, s26, s30, $0xb8;
	[tilespmem:$0x1B000] =	vst v63  }
0x30f: {  	s31 =	sld [smem:$0x7CD];
	s17 =	simm.s32 $0x1000  }
0x310: {  	[tilespmem:s7], [sflag:$0x2] =	stream.indirect.gather.add.f32 [hbm:s6], $0x30, s17, s30, $0xb8;
	[tilespmem:$0x1B000] =	vst v63  }
0x311: {  	s12 =	sld [smem:$0x7CE]  }
0x312: {  	[tilespmem:s8], [sflag:$0x2] =	stream.indirect.gather.add.f32 [hbm:s6], $0x30, s31, s30, $0xb8;
	[tilespmem:$0x1B000] =	vst v63  }
0x313: {  	s18 =	sld [smem:$0x7CF]  }
0x314: {  	[tilespmem:s9], [sflag:$0x2] =	stream.indirect.gather.add.f32 [hbm:s6], $0x30, s12, s30, $0xb8;
	[tilespmem:$0x1B000] =	vst v63  }
0x315: {  	_ = 	snop  }
0x316: {  	[tilespmem:s10], [sflag:$0x2] =	stream.indirect.gather.add.f32 [hbm:s6], $0x30, s18, s30, $0xb8;
	[tilespmem:$0x1B000] =	vst v63  }
0x317: {  	s19 =	sld [smem:$0x7D0];
	s21 =	simm.s32 $0x1200  }
0x318: {  	[tilespmem:s7], [sflag:$0x2] =	stream.indirect.gather.add.f32 [hbm:s6], $0x30, s21, s30, $0xb8;
	[tilespmem:$0x1B000] =	vst v63  }
0x319: {  	s20 =	sld [smem:$0x7D1]  }
0x31a: {  	[tilespmem:s8], [sflag:$0x2] =	stream.indirect.gather.add.f32 [hbm:s6], $0x30, s19, s30, $0xb8;
	[tilespmem:$0x1B000] =	vst v63  }
0x31b: {  	s22 =	sld [smem:$0x7D2]  }
0x31c: {  	[tilespmem:s9], [sflag:$0x2] =	stream.indirect.gather.add.f32 [hbm:s6], $0x30, s20, s30, $0xb8;
	[tilespmem:$0x1B000] =	vst v63  }
0x31d: {  	_ = 	snop  }
0x31e: {  	[tilespmem:s10], [sflag:$0x2] =	stream.indirect.gather.add.f32 [hbm:s6], $0x30, s22, s30, $0xb8;
	[tilespmem:$0x1B000] =	vst v63  }
0x31f: {  	s25 =	simm.s32 $0x1400;
	s23 =	sld [smem:$0x7D3]  }
0x320: {  	[tilespmem:s7], [sflag:$0x2] =	stream.indirect.gather.add.f32 [hbm:s6], $0x30, s25, s30, $0xb8;
	[tilespmem:$0x1B000] =	vst v63  }
0x321: {  	s24 =	sld [smem:$0x7D4]  }
0x322: {  	[tilespmem:s8], [sflag:$0x2] =	stream.indirect.gather.add.f32 [hbm:s6], $0x30, s23, s30, $0xb8;
	[tilespmem:$0x1B000] =	vst v63  }
0x323: {  	s26 =	sld [smem:$0x7D5]  }
0x324: {  	[tilespmem:s9], [sflag:$0x2] =	stream.indirect.gather.add.f32 [hbm:s6], $0x30, s24, s30, $0xb8;
	[tilespmem:$0x1B000] =	vst v63  }
0x325: {  	_ = 	snop  }
0x326: {  	[tilespmem:s10], [sflag:$0x2] =	stream.indirect.gather.add.f32 [hbm:s6], $0x30, s26, s30, $0xb8;
	[tilespmem:$0x1B000] =	vst v63  }
0x327: {  	s17 =	simm.s32 $0x1600;
	s31 =	sld [smem:$0x7D6]  }
0x328: {  	[tilespmem:s7], [sflag:$0x2] =	stream.indirect.gather.add.f32 [hbm:s6], $0x30, s17, s30, $0xb8;
	[tilespmem:$0x1B000] =	vst v63  }
0x329: {  	s12 =	sld [smem:$0x7D7]  }
0x32a: {  	[tilespmem:s8], [sflag:$0x2] =	stream.indirect.gather.add.f32 [hbm:s6], $0x30, s31, s30, $0xb8;
	[tilespmem:$0x1B000] =	vst v63  }
0x32b: {  	s18 =	sld [smem:$0x7D8]  }
0x32c: {  	[tilespmem:s9], [sflag:$0x2] =	stream.indirect.gather.add.f32 [hbm:s6], $0x30, s12, s30, $0xb8;
	[tilespmem:$0x1B000] =	vst v63  }
0x32d: {  	_ = 	snop  }
0x32e: {  	[tilespmem:s10], [sflag:$0x2] =	stream.indirect.gather.add.f32 [hbm:s6], $0x30, s18, s30, $0xb8;
	[tilespmem:$0x1B000] =	vst v63  }
0x32f: {  	s21 =	simm.s32 $0x1800;
	s19 =	sld [smem:$0x7D9]  }
0x330: {  	[tilespmem:s7], [sflag:$0x2] =	stream.indirect.gather.add.f32 [hbm:s6], $0x30, s21, s30, $0xb8;
	[tilespmem:$0x1B000] =	vst v63  }
0x331: {  	s20 =	sld [smem:$0x7DA]  }
0x332: {  	[tilespmem:s8], [sflag:$0x2] =	stream.indirect.gather.add.f32 [hbm:s6], $0x30, s19, s30, $0xb8;
	[tilespmem:$0x1B000] =	vst v63  }
0x333: {  	s22 =	sld [smem:$0x7DB]  }
0x334: {  	[tilespmem:s9], [sflag:$0x2] =	stream.indirect.gather.add.f32 [hbm:s6], $0x30, s20, s30, $0xb8;
	[tilespmem:$0x1B000] =	vst v63  }
0x335: {  	_ = 	snop  }
0x336: {  	[tilespmem:s10], [sflag:$0x2] =	stream.indirect.gather.add.f32 [hbm:s6], $0x30, s22, s30, $0xb8;
	[tilespmem:$0x1B000] =	vst v63  }
0x337: {  	s25 =	simm.s32 $0x1A00;
	s23 =	sld [smem:$0x7DC]  }
0x338: {  	[tilespmem:s7], [sflag:$0x2] =	stream.indirect.gather.add.f32 [hbm:s6], $0x30, s25, s30, $0xb8;
	[tilespmem:$0x1B000] =	vst v63  }
0x339: {  	s24 =	sld [smem:$0x7DD]  }
0x33a: {  	[tilespmem:s8], [sflag:$0x2] =	stream.indirect.gather.add.f32 [hbm:s6], $0x30, s23, s30, $0xb8;
	[tilespmem:$0x1B000] =	vst v63  }
0x33b: {  	s26 =	sld [smem:$0x7DE]  }
0x33c: {  	[tilespmem:s9], [sflag:$0x2] =	stream.indirect.gather.add.f32 [hbm:s6], $0x30, s24, s30, $0xb8;
	[tilespmem:$0x1B000] =	vst v63  }
0x33d: {  	_ = 	snop  }
0x33e: {  	[tilespmem:s10], [sflag:$0x2] =	stream.indirect.gather.add.f32 [hbm:s6], $0x30, s26, s30, $0xb8;
	[tilespmem:$0x1B000] =	vst v63  }
0x33f: {  	s17 =	simm.s32 $0x1C00;
	s31 =	sld [smem:$0x7DF]  }
0x340: {  	[tilespmem:s7], [sflag:$0x2] =	stream.indirect.gather.add.f32 [hbm:s6], $0x30, s17, s30, $0xb8;
	[tilespmem:$0x1B000] =	vst v63  }
0x341: {  	s12 =	sld [smem:$0x7E0]  }
0x342: {  	[tilespmem:s8], [sflag:$0x2] =	stream.indirect.gather.add.f32 [hbm:s6], $0x30, s31, s30, $0xb8;
	[tilespmem:$0x1B000] =	vst v63  }
0x343: {  	s18 =	sld [smem:$0x7E1]  }
0x344: {  	[tilespmem:s9], [sflag:$0x2] =	stream.indirect.gather.add.f32 [hbm:s6], $0x30, s12, s30, $0xb8;
	[tilespmem:$0x1B000] =	vst v63  }
0x345: {  	_ = 	snop  }
0x346: {  	[tilespmem:s10], [sflag:$0x2] =	stream.indirect.gather.add.f32 [hbm:s6], $0x30, s18, s30, $0xb8;
	[tilespmem:$0x1B000] =	vst v63  }
0x347: {  	s21 =	simm.s32 $0x1E00;
	s19 =	sld [smem:$0x7E2]  }
0x348: {  	[tilespmem:s7], [sflag:$0x2] =	stream.indirect.gather.add.f32 [hbm:s6], $0x30, s21, s30, $0xb8;
	[tilespmem:$0x1B000] =	vst v63  }
0x349: {  	s20 =	sld [smem:$0x7E3]  }
0x34a: {  	[tilespmem:s8], [sflag:$0x2] =	stream.indirect.gather.add.f32 [hbm:s6], $0x30, s19, s30, $0xb8;
	[tilespmem:$0x1B000] =	vst v63  }
0x34b: {  	s22 =	sld [smem:$0x7E4]  }
0x34c: {  	[tilespmem:s9], [sflag:$0x2] =	stream.indirect.gather.add.f32 [hbm:s6], $0x30, s20, s30, $0xb8;
	[tilespmem:$0x1B000] =	vst v63  }
0x34d: {  	_ = 	snop  }
0x34e: {  	[tilespmem:s10], [sflag:$0x2] =	stream.indirect.gather.add.f32 [hbm:s6], $0x30, s22, s30, $0xb8;
	[tilespmem:$0x1B000] =	vst v63  }
0x34f: {  	s25 =	simm.s32 $0x2000;
	s23 =	sld [smem:$0x7E5]  }
0x350: {  	[tilespmem:s7], [sflag:$0x2] =	stream.indirect.gather.add.f32 [hbm:s6], $0x30, s25, s30, $0xb8;
	[tilespmem:$0x1B000] =	vst v63  }
0x351: {  	s24 =	sld [smem:$0x7E6]  }
0x352: {  	[tilespmem:s8], [sflag:$0x2] =	stream.indirect.gather.add.f32 [hbm:s6], $0x30, s23, s30, $0xb8;
	[tilespmem:$0x1B000] =	vst v63  }
0x353: {  	s26 =	sld [smem:$0x7E7]  }
0x354: {  	[tilespmem:s9], [sflag:$0x2] =	stream.indirect.gather.add.f32 [hbm:s6], $0x30, s24, s30, $0xb8;
	[tilespmem:$0x1B000] =	vst v63  }
0x355: {  	_ = 	snop  }
0x356: {  	[tilespmem:s10], [sflag:$0x2] =	stream.indirect.gather.add.f32 [hbm:s6], $0x30, s26, s30, $0xb8;
	[tilespmem:$0x1B000] =	vst v63  }
0x357: {  	s17 =	simm.s32 $0x2200;
	s31 =	sld [smem:$0x7E8]  }
0x358: {  	[tilespmem:s7], [sflag:$0x2] =	stream.indirect.gather.add.f32 [hbm:s6], $0x30, s17, s30, $0xb8;
	[tilespmem:$0x1B000] =	vst v63  }
0x359: {  	s12 =	sld [smem:$0x7E9]  }
0x35a: {  	[tilespmem:s8], [sflag:$0x2] =	stream.indirect.gather.add.f32 [hbm:s6], $0x30, s31, s30, $0xb8;
	[tilespmem:$0x1B000] =	vst v63  }
0x35b: {  	s18 =	sld [smem:$0x7EA]  }
0x35c: {  	[tilespmem:s9], [sflag:$0x2] =	stream.indirect.gather.add.f32 [hbm:s6], $0x30, s12, s30, $0xb8;
	[tilespmem:$0x1B000] =	vst v63  }
0x35d: {  	_ = 	snop  }
0x35e: {  	[tilespmem:s10], [sflag:$0x2] =	stream.indirect.gather.add.f32 [hbm:s6], $0x30, s18, s30, $0xb8;
	[tilespmem:$0x1B000] =	vst v63  }
0x35f: {  	s21 =	simm.s32 $0x2400;
	s19 =	sld [smem:$0x7EB]  }
0x360: {  	[tilespmem:s7], [sflag:$0x2] =	stream.indirect.gather.add.f32 [hbm:s6], $0x30, s21, s30, $0xb8;
	[tilespmem:$0x1B000] =	vst v63  }
0x361: {  	s20 =	sld [smem:$0x7EC]  }
0x362: {  	[tilespmem:s8], [sflag:$0x2] =	stream.indirect.gather.add.f32 [hbm:s6], $0x30, s19, s30, $0xb8;
	[tilespmem:$0x1B000] =	vst v63  }
0x363: {  	s22 =	sld [smem:$0x7ED]  }
0x364: {  	[tilespmem:s9], [sflag:$0x2] =	stream.indirect.gather.add.f32 [hbm:s6], $0x30, s20, s30, $0xb8;
	[tilespmem:$0x1B000] =	vst v63  }
0x365: {  	_ = 	snop  }
0x366: {  	[tilespmem:s10], [sflag:$0x2] =	stream.indirect.gather.add.f32 [hbm:s6], $0x30, s22, s30, $0xb8;
	[tilespmem:$0x1B000] =	vst v63  }
0x367: {  	s25 =	simm.s32 $0x2600;
	s23 =	sld [smem:$0x7EE]  }
0x368: {  	[tilespmem:s7], [sflag:$0x2] =	stream.indirect.gather.add.f32 [hbm:s6], $0x30, s25, s30, $0xb8;
	[tilespmem:$0x1B000] =	vst v63  }
0x369: {  	s24 =	sld [smem:$0x7EF]  }
0x36a: {  	[tilespmem:s8], [sflag:$0x2] =	stream.indirect.gather.add.f32 [hbm:s6], $0x30, s23, s30, $0xb8;
	[tilespmem:$0x1B000] =	vst v63  }
0x36b: {  	s26 =	sld [smem:$0x7F0]  }
0x36c: {  	[tilespmem:s9], [sflag:$0x2] =	stream.indirect.gather.add.f32 [hbm:s6], $0x30, s24, s30, $0xb8;
	[tilespmem:$0x1B000] =	vst v63  }
0x36d: {  	_ = 	snop  }
0x36e: {  	[tilespmem:s10], [sflag:$0x2] =	stream.indirect.gather.add.f32 [hbm:s6], $0x30, s26, s30, $0xb8;
	[tilespmem:$0x1B000] =	vst v63  }
0x36f: {  	s17 =	simm.s32 $0x2800;
	s31 =	sld [smem:$0x7F1]  }
0x370: {  	[tilespmem:s7], [sflag:$0x2] =	stream.indirect.gather.add.f32 [hbm:s6], $0x30, s17, s30, $0xb8;
	[tilespmem:$0x1B000] =	vst v63  }
0x371: {  	s12 =	sld [smem:$0x7F2]  }
0x372: {  	[tilespmem:s8], [sflag:$0x2] =	stream.indirect.gather.add.f32 [hbm:s6], $0x30, s31, s30, $0xb8;
	[tilespmem:$0x1B000] =	vst v63  }
0x373: {  	s18 =	sld [smem:$0x7F3]  }
0x374: {  	[tilespmem:s9], [sflag:$0x2] =	stream.indirect.gather.add.f32 [hbm:s6], $0x30, s12, s30, $0xb8;
	[tilespmem:$0x1B000] =	vst v63  }
0x375: {  	_ = 	snop  }
0x376: {  	[tilespmem:s10], [sflag:$0x2] =	stream.indirect.gather.add.f32 [hbm:s6], $0x30, s18, s30, $0xb8;
	[tilespmem:$0x1B000] =	vst v63  }
0x377: {  	s21 =	simm.s32 $0x2A00;
	s19 =	sld [smem:$0x7F4]  }
0x378: {  	[tilespmem:s7], [sflag:$0x2] =	stream.indirect.gather.add.f32 [hbm:s6], $0x30, s21, s30, $0xb8;
	[tilespmem:$0x1B000] =	vst v63  }
0x379: {  	s20 =	sld [smem:$0x7F5]  }
0x37a: {  	[tilespmem:s8], [sflag:$0x2] =	stream.indirect.gather.add.f32 [hbm:s6], $0x30, s19, s30, $0xb8;
	[tilespmem:$0x1B000] =	vst v63  }
0x37b: {  	s22 =	sld [smem:$0x7F6]  }
0x37c: {  	[tilespmem:s9], [sflag:$0x2] =	stream.indirect.gather.add.f32 [hbm:s6], $0x30, s20, s30, $0xb8;
	[tilespmem:$0x1B000] =	vst v63  }
0x37d: {  	_ = 	snop  }
0x37e: {  	[tilespmem:s10], [sflag:$0x2] =	stream.indirect.gather.add.f32 [hbm:s6], $0x30, s22, s30, $0xb8;
	[tilespmem:$0x1B000] =	vst v63  }
0x37f: {  	s25 =	simm.s32 $0x2C00;
	s23 =	sld [smem:$0x7F7]  }
0x380: {  	[tilespmem:s7], [sflag:$0x2] =	stream.indirect.gather.add.f32 [hbm:s6], $0x30, s25, s30, $0xb8;
	[tilespmem:$0x1B000] =	vst v63  }
0x381: {  	s24 =	sld [smem:$0x7F8]  }
0x382: {  	[tilespmem:s8], [sflag:$0x2] =	stream.indirect.gather.add.f32 [hbm:s6], $0x30, s23, s30, $0xb8;
	[tilespmem:$0x1B000] =	vst v63  }
0x383: {  	s26 =	sld [smem:$0x7F9]  }
0x384: {  	[tilespmem:s9], [sflag:$0x2] =	stream.indirect.gather.add.f32 [hbm:s6], $0x30, s24, s30, $0xb8;
	[tilespmem:$0x1B000] =	vst v63  }
0x385: {  	_ = 	snop  }
0x386: {  	[tilespmem:s10], [sflag:$0x2] =	stream.indirect.gather.add.f32 [hbm:s6], $0x30, s26, s30, $0xb8;
	[tilespmem:$0x1B000] =	vst v63  }
0x387: {  	s17 =	simm.s32 $0x2E00;
	s31 =	sld [smem:$0x7FA]  }
0x388: {  	[tilespmem:s7], [sflag:$0x2] =	stream.indirect.gather.add.f32 [hbm:s6], $0x30, s17, s30, $0xb8;
	[tilespmem:$0x1B000] =	vst v63  }
0x389: {  	s12 =	sld [smem:$0x7FB]  }
0x38a: {  	[tilespmem:s8], [sflag:$0x2] =	stream.indirect.gather.add.f32 [hbm:s6], $0x30, s31, s30, $0xb8;
	[tilespmem:$0x1B000] =	vst v63  }
0x38b: {  	s18 =	sld [smem:$0x7FC]  }
0x38c: {  	[tilespmem:s9], [sflag:$0x2] =	stream.indirect.gather.add.f32 [hbm:s6], $0x30, s12, s30, $0xb8;
	[tilespmem:$0x1B000] =	vst v63  }
0x38d: {  	_ = 	snop  }
0x38e: {  	[tilespmem:s10], [sflag:$0x2] =	stream.indirect.gather.add.f32 [hbm:s6], $0x30, s18, s30, $0xb8;
	[tilespmem:$0x1B000] =	vst v63  }
0x38f: {  	_ =	swait.ge [sflag:s28], $0x1000  }
0x390: {  	[sflag:s28] =	ssyncset.done $0x0  }
0x391: {  	[sflag:s28] =	ssyncadd.s32 $0xFFFFF000  }
0x392: {  	_ =	swait.ge [sflag:s28], $0x1800  }
0x393: {  	[sflag:s28] =	ssyncset.done $0x0  }
0x394: {  	[sflag:s28] =	ssyncadd.s32 $0xFFFFE800  }
0x395: {  	_ =	swait.ge [sflag:s28], $0x1800  }
0x396: {  	[sflag:s28] =	ssyncset.done $0x0  }
0x397: {  	[sflag:s28] =	ssyncadd.s32 $0xFFFFE800  }
0x398: {  	_ =	swait.ge [sflag:s28], $0x800  }
0x399: {  	[sflag:s28] =	ssyncset.done $0x0  }
0x39a: {  	[sflag:s28] =	ssyncadd.s32 $0xFFFFF800  }
0x39b: {  	_ =	swait.ge [sflag:s28], $0x1000  }
0x39c: {  	[sflag:s28] =	ssyncset.done $0x0  }
0x39d: {  	[sflag:s28] =	ssyncadd.s32 $0xFFFFF000  }
0x39e: {  	_ =	swait.ge [sflag:s28], $0x1800  }
0x39f: {  	[sflag:s28] =	ssyncset.done $0x0  }
0x3a0: {  	[sflag:s28] =	ssyncadd.s32 $0xFFFFE800  }
0x3a1: {  	_ =	swait.ge [sflag:s28], $0x1800  }
0x3a2: {  	[sflag:s28] =	ssyncset.done $0x0  }
0x3a3: {  	[sflag:s28] =	ssyncadd.s32 $0xFFFFE800  }
0x3a4: {  	_ =	swait.ge [sflag:s28], $0x800  }
0x3a5: {  	[sflag:s28] =	ssyncset.done $0x0  }
0x3a6: {  	[sflag:s28] =	ssyncadd.s32 $0xFFFFF800  }
0x3a7: {  	_ =	swait.ge [sflag:s28], $0x1000  }
0x3a8: {  	[sflag:s28] =	ssyncset.done $0x0  }
0x3a9: {  	[sflag:s28] =	ssyncadd.s32 $0xFFFFF000  }
0x3aa: {  	_ =	swait.ge [sflag:s28], $0x1800  }
0x3ab: {  	[sflag:s28] =	ssyncset.done $0x0  }
0x3ac: {  	[sflag:s28] =	ssyncadd.s32 $0xFFFFE800  }
0x3ad: {  	_ =	swait.ge [sflag:s28], $0x1800  }
0x3ae: {  	[sflag:s28] =	ssyncset.done $0x0  }
0x3af: {  	[sflag:s28] =	ssyncadd.s32 $0xFFFFE800  }
0x3b0: {  	_ =	swait.ge [sflag:s28], $0x800  }
0x3b1: {  	[sflag:s28] =	ssyncset.done $0x0  }
0x3b2: {  	[sflag:s28] =	ssyncadd.s32 $0xFFFFF800  }
0x3b3: {  	_ =	swait.ge [sflag:s28], $0x1000  }
0x3b4: {  	[sflag:s28] =	ssyncset.done $0x0  }
0x3b5: {  	[sflag:s28] =	ssyncadd.s32 $0xFFFFF000  }
0x3b6: {  	_ =	swait.ge [sflag:s28], $0x1800  }
0x3b7: {  	[sflag:s28] =	ssyncset.done $0x0  }
0x3b8: {  	[sflag:s28] =	ssyncadd.s32 $0xFFFFE800  }
0x3b9: {  	_ =	swait.ge [sflag:s28], $0x1800  }
0x3ba: {  	[sflag:s28] =	ssyncset.done $0x0  }
0x3bb: {  	[sflag:s28] =	ssyncadd.s32 $0xFFFFE800  }
0x3bc: {  	_ =	swait.ge [sflag:s28], $0x800  }
0x3bd: {  	[sflag:s28] =	ssyncset.done $0x0  }
0x3be: {  	s22 =	simm.s32 $0x3000;
	s19 =	rddreg [dreg:$0x1c];
	[sflag:s28] =	ssyncadd.s32 $0xFFFFF800  }
0x3bf: {  	[hbm4b:s19+s2] =	stream.linear.scatter [tilespmem:s22], [sflag:$0x3], $0x4000, $0x38;
	[tilespmem:$0x1B000] =	vst v63  }
0x3c0: {  	s24 =	simm.s32 $0x7000;
	s20 =	rddreg [dreg:$0x1d]  }
0x3c1: {  	[hbm4b:s20+s2] =	stream.linear.scatter [tilespmem:s24], [sflag:$0x3], $0x6000, $0x38;
	[tilespmem:$0x1B000] =	vst v63  }
0x3c2: {  	s25 =	simm.s32 $0xD000;
	s21 =	rddreg [dreg:$0x1e]  }
0x3c3: {  	[hbm4b:s21+s2] =	stream.linear.scatter [tilespmem:s25], [sflag:$0x3], $0x6000, $0x38;
	[tilespmem:$0x1B000] =	vst v63  }
0x3c4: {  	s13 =	simm.s32 $0x13000;
	s23 =	rddreg [dreg:$0x1f]  }
0x3c5: {  	[hbm4b:s23+s2] =	stream.linear.scatter [tilespmem:s13], [sflag:$0x3], $0x2000, $0x38;
	[tilespmem:$0x1B000] =	vst v63  }
0x3c6: {  	_ =	swait.ge [sflag:s11], $0x6000  }
0x3c7: {  	[sflag:s11] =	ssyncset.done $0x0  }
0x3c8: {  	[sflag:s11] =	ssyncadd.s32 $0xFFFFA000  }
0x3c9: {  	_ =	swait.ge [sflag:s11], $0x6000  }
0x3ca: {  	[sflag:s11] =	ssyncset.done $0x0  }
0x3cb: {  	[sflag:s11] =	ssyncadd.s32 $0xFFFFA000  }
0x3cc: {  	_ =	swait.ge [sflag:s11], $0x6000  }
0x3cd: {  	[sflag:s11] =	ssyncset.done $0x0  }
0x3ce: {  	[sflag:s11] =	ssyncadd.s32 $0xFFFFA000  }
0x3cf: {  	_ =	swait.ge [sflag:s11], $0x6000  }
0x3d0: {  	[sflag:s11] =	ssyncset.done $0x0  }
0x3d1: {  	[sflag:s11] =	ssyncadd.s32 $0xFFFFA000  }
0x3d2: {  	_ =	swait.ge [sflag:s11], $0x6000  }
0x3d3: {  	[sflag:s11] =	ssyncset.done $0x0  }
0x3d4: {  	[sflag:s11] =	ssyncadd.s32 $0xFFFFA000  }
0x3d5: {  	_ =	swait.ge [sflag:s11], $0x6000  }
0x3d6: {  	[sflag:s11] =	ssyncset.done $0x0  }
0x3d7: {  	[sflag:s11] =	ssyncadd.s32 $0xFFFFA000  }
0x3d8: {  	_ =	swait.ge [sflag:s11], $0x6000  }
0x3d9: {  	[sflag:s11] =	ssyncset.done $0x0  }
0x3da: {  	[sflag:s11] =	ssyncadd.s32 $0xFFFFA000  }
0x3db: {  	_ =	swait.ge [sflag:s11], $0x6000  }
0x3dc: {  	[sflag:s11] =	ssyncset.done $0x0  }
0x3dd: {  	[sflag:s11] =	ssyncadd.s32 $0xFFFFA000  }
0x3de: {  	_ =	swait.ge [sflag:s11], $0x6000  }
0x3df: {  	[sflag:s11] =	ssyncset.done $0x0  }
0x3e0: {  	[sflag:s11] =	ssyncadd.s32 $0xFFFFA000  }
0x3e1: {  	_ =	swait.ge [sflag:s11], $0x6000  }
0x3e2: {  	[sflag:s11] =	ssyncset.done $0x0  }
0x3e3: {  	[sflag:s11] =	ssyncadd.s32 $0xFFFFA000  }
0x3e4: {  	_ =	swait.ge [sflag:s11], $0x6000  }
0x3e5: {  	[sflag:s11] =	ssyncset.done $0x0  }
0x3e6: {  	[sflag:s11] =	ssyncadd.s32 $0xFFFFA000  }
0x3e7: {  	_ =	swait.ge [sflag:s11], $0x6000  }
0x3e8: {  	[sflag:s11] =	ssyncset.done $0x0  }
0x3e9: {  	[sflag:s11] =	ssyncadd.s32 $0xFFFFA000  }
0x3ea: {  	_ =	swait.ge [sflag:s11], $0x6000  }
0x3eb: {  	[sflag:s11] =	ssyncset.done $0x0  }
0x3ec: {  	[sflag:s11] =	ssyncadd.s32 $0xFFFFA000  }
0x3ed: {  	_ =	swait.ge [sflag:s11], $0x6000  }
0x3ee: {  	[sflag:s11] =	ssyncset.done $0x0  }
0x3ef: {  	[sflag:s11] =	ssyncadd.s32 $0xFFFFA000  }
0x3f0: {  	_ =	swait.ge [sflag:s11], $0x6000  }
0x3f1: {  	[sflag:s11] =	ssyncset.done $0x0  }
0x3f2: {  	[sflag:s11] =	ssyncadd.s32 $0xFFFFA000  }
0x3f3: {  	_ =	swait.ge [sflag:s11], $0x6000  }
0x3f4: {  	[sflag:s11] =	ssyncset.done $0x0  }
0x3f5: {  	[sflag:s11] =	ssyncadd.s32 $0xFFFFA000  }
0x3f6: {  	_ =	swait.ge [sflag:s11], $0x6000  }
0x3f7: {  	[sflag:s11] =	ssyncset.done $0x0  }
0x3f8: {  	[sflag:s11] =	ssyncadd.s32 $0xFFFFA000  }
0x3f9: {  	_ =	swait.ge [sflag:s11], $0x6000  }
0x3fa: {  	[sflag:s11] =	ssyncset.done $0x0  }
0x3fb: {  	[sflag:s11] =	ssyncadd.s32 $0xFFFFA000  }
0x3fc: {  	_ =	swait.ge [sflag:s11], $0x6000  }
0x3fd: {  	s26 =	sld [smem:$0x7FD]  }
0x3fe: {  	[sflag:s11] =	ssyncset.done $0x0  }
0x3ff: {  	s31 =	simm.s32 $0x4;
	[sflag:s11] =	ssyncadd.s32 $0xFFFFA000  }
0x400: {  	[hbm4b:s26+s2] =	stream.linear.scatter [tilespmem:s7], [sflag:$0x4], $0x6000, $0x38;
	[tilespmem:$0x1B000] =	vst v63  }
0x401: {  	_ =	swait.ge [sflag:s31], $0x6000  }
0x402: {  	p0 =	sne.s32 s14, $0x1;
	[sflag:s31] =	ssyncset.done $0x0  }
.Ltmp1:
0x403: {  	[sflag:s31] =	ssyncadd.s32 $0xFFFFA000;
	(pc) =	sbr.rel @p0 .LBB2_2-.Ltmp1, $4  }
0x404: {  	_ =	swait.ge [sflag:s29], $0x4000  }
0x405: {  	[sflag:s29] =	ssyncset.done $0x0  }
0x406: {  	[sflag:s29] =	ssyncadd.s32 $0xFFFFC000  }
0x407: {  	s14 =	sadd.s32 $0xFFFFFFFF, s14;
	_ =	swait.ge [sflag:s29], $0x6000  }
.LBB2_3:
0x408: {  	[sflag:s29] =	ssyncset.done $0x0  }
0x409: {  	[sflag:s29] =	ssyncadd.s32 $0xFFFFA000  }
0x40a: {  	_ =	swait.ge [sflag:s29], $0x6000  }
0x40b: {  	[sflag:s29] =	ssyncset.done $0x0  }
0x40c: {  	[sflag:s29] =	ssyncadd.s32 $0xFFFFA000  }
0x40d: {  	_ =	swait.ge [sflag:s29], $0x2000  }
0x40e: {  	[sflag:s29] =	ssyncset.done $0x0  }
0x40f: {  	[sflag:s29] =	ssyncadd.s32 $0xFFFFE000  }
0x410: {  	_ =	sfence.sel $0x180000  }
0x411: {  	[bflag:$0x0] =	sbarrier.arrive $0xFFFF  }
0x412: {  	_ =	strace $0x90000047  }
0x413: {  	s0 =	stileid.u32;
	[bflag:$0x2] =	sbarrier.arrive $0xFFFF  }
0x414: {  	p0 =	sne.s32 s0, $0x0;
	s0 =	rddreg [dreg:$0x4]  }
0x415: {  	s0 =	sadd.s32 @!p0 $0x100000, s0  }
0x416: {  	[sflag:s0] =	ssyncadd.tile.s32 @!p0 $0x1;
	_ =	shalt  }
.Lfunc_end2:
_tile_overlayer_lowered:
.L_overlay_start_2:
0x417: {  	(tag) =	ssettag $0x2  }
0x418: {  	s0 =	rddreg [dreg:$0x0];
	s2 =	stileid.u32  }
0x419: {  	s1 =	rddreg [dreg:$0x1];
	p0 =	sne.s32 s2, $0x0  }
0x41a: {  	s3 =	rddreg [dreg:$0x2];
	[bflag:$0x3] =	sbarrier.arrive $0xFFFF;
	s2 =	simm.s32 @!p0 $0x1C04  }
0x41b: {  	[timem:s3], [sflag:s2] =	dma.local @!p0 [hbm:s0], s1  }
0x41c: {  	s0 =	simm.s32 @!p0 $0x4  }
0x41d: {  	_ =	swait.ge @!p0 [sflag:s0], s1  }
0x41e: {  	s1 =	ssub.s32 @!p0 $0x0, s1;
	[sflag:s0] =	ssyncset.done @!p0 $0x0  }
0x41f: {  	[sflag:s0] =	ssyncadd.s32 @!p0 s1  }
0x420: {  	[bflag:$0x3] =	sbarrier.arrive $0xFFFF  }
0x421: {  	_ =	shalt  }

</sc_bundles>
